<compile_context>
chip_gen: v7x
topology: tpu7x:2x2x1
jax: 0.10.2.dev20260603
libtpu: 0.0.44.dev20260713+nightly
codegen_flags: <defaults>
</compile_context>

<pallas_src>
import dataclasses
import functools

import jax
import jax.numpy as jnp
from jax import lax
from jax.experimental import pallas as pl
from jax.experimental.pallas import tpu as pltpu
from jax.experimental.pallas import tpu_sc as plsc

N = 10000
F = 128
ED = 16
E = 320000
ELG = 640000
G = 256
T = 3
S = 6 * F

NC = 2
NS = 16
CH = 12800
NCHUNK = E // CH
NCK = (NCHUNK + NC - 1) // NC
PER_SUB = ELG // NS
IB = 2000
NBLK = PER_SUB // IB
NVEC = IB // 16
BB = 128
CAP = BB + 16
BINROWS = PER_SUB // BB + 2

BE = 6400
NBL = E // BE
NEG = -1e30


def _sc_compiler_params():
    cp = pltpu.CompilerParams()
    if "needs_layout_passes" in pltpu.CompilerParams.__dataclass_fields__:
        cp = dataclasses.replace(cp, needs_layout_passes=False)
    return cp



def _bin_kernel(out_hbm, lg0_hbm, lg1_hbm, ea_hbm,
                o_hbm, bs_hbm, bd_hbm, cnt_hbm,
                acc, l0v, l1v, sbuf, dbuf, fsrc, fdst, rows, cntv, gsem):
    cid = lax.axis_index("c")
    sid = lax.axis_index("s")
    z16 = jnp.zeros((16,), jnp.int32)
    ch16 = jnp.full((16,), CH, jnp.int32)

    def fill_scrap(lo):
        for k in range(lo, CAP // 16):
            sbuf[pl.ds(k * 16, 16)] = z16
            dbuf[pl.ds(k * 16, 16)] = ch16

    @pl.loop(0, NCK)
    def _chunk_loop(kc):
        chunk = cid * NCK + kc

        @pl.when(chunk < NCHUNK)
        def _(chunk=chunk):
            base = chunk * CH
            row0 = base + sid * (CH // NS)
            slot0 = (chunk * NS + sid) * BINROWS
            pltpu.sync_copy(ea_hbm.at[pl.ds(row0, CH // NS)],
                            acc.at[pl.ds(sid * (CH // NS), CH // NS)])
            plsc.subcore_barrier()
            fill_scrap(0)

            def flush(nf):
                for k in range(BB // 16):
                    sv = sbuf[pl.ds(k * 16, 16)]
                    dv = dbuf[pl.ds(k * 16, 16)]
                    fsrc[0, pl.ds(k * 16, 16)] = jnp.minimum(
                        jnp.maximum(sv, 0), E - 1)
                    fdst[0, pl.ds(k * 16, 16)] = jnp.minimum(
                        jnp.maximum(dv, 0), CH)
                pltpu.sync_copy(fsrc, bs_hbm.at[pl.ds(slot0 + nf, 1)])
                pltpu.sync_copy(fdst, bd_hbm.at[pl.ds(slot0 + nf, 1)])
                pltpu.async_copy(out_hbm.at[fsrc.at[0]], rows, gsem).wait()
                pltpu.sync_copy(rows, acc.at[fdst.at[0]], add=True)

            def scan_vec(v, carry, base=base):
                pos, nf = carry
                d = l1v[pl.ds(v * 16, 16)]
                s = l0v[pl.ds(v * 16, 16)]
                dl = d - base
                m = (dl >= 0) & (dl < CH)
                plsc.store_compressed(dbuf.at[pl.ds(pos, 16)], dl, mask=m)
                plsc.store_compressed(sbuf.at[pl.ds(pos, 16)], s, mask=m)
                pos = pos + jnp.sum(m.astype(jnp.int32))
                flushed = pos >= BB

                @pl.when(flushed)
                def _():
                    flush(nf)
                    rs = sbuf[pl.ds(BB, 16)]
                    rd = dbuf[pl.ds(BB, 16)]
                    sbuf[pl.ds(0, 16)] = rs
                    dbuf[pl.ds(0, 16)] = rd
                    fill_scrap(1)

                return (jnp.where(flushed, pos - BB, pos),
                        jnp.where(flushed, nf + 1, nf))

            def blk_body(b, carry):
                off = sid * PER_SUB + b * IB
                pltpu.sync_copy(lg0_hbm.at[pl.ds(off, IB)], l0v)
                pltpu.sync_copy(lg1_hbm.at[pl.ds(off, IB)], l1v)
                return lax.fori_loop(0, NVEC, scan_vec, carry)

            pos, nf = lax.fori_loop(0, NBLK, blk_body,
                                    (jnp.int32(0), jnp.int32(0)))
            flush(nf)
            cntv[pl.ds(0, 16)] = jnp.full((16,), 1, jnp.int32) * (nf + 1)
            pltpu.sync_copy(cntv,
                            cnt_hbm.at[pl.ds((chunk * NS + sid) * 16, 16)])
            plsc.subcore_barrier()
            pltpu.sync_copy(acc.at[pl.ds(sid * (CH // NS), CH // NS)],
                            o_hbm.at[pl.ds(row0, CH // NS)])
            plsc.subcore_barrier()


def _msg_pass_bin(out_old, lg0, lg1, ea):
    k = pl.kernel(
        _bin_kernel,
        out_type=[
            jax.ShapeDtypeStruct((E, F), jnp.float32),
            jax.ShapeDtypeStruct((NCHUNK * NS * BINROWS, BB), jnp.int32),
            jax.ShapeDtypeStruct((NCHUNK * NS * BINROWS, BB), jnp.int32),
            jax.ShapeDtypeStruct((NCHUNK * NS * 16,), jnp.int32),
        ],
        mesh=plsc.VectorSubcoreMesh(core_axis_name="c", subcore_axis_name="s"),
        scratch_types=[
            pltpu.VMEM_SHARED((CH + 8, F), jnp.float32),
            pltpu.VMEM((IB,), jnp.int32),
            pltpu.VMEM((IB,), jnp.int32),
            pltpu.VMEM((CAP,), jnp.int32),
            pltpu.VMEM((CAP,), jnp.int32),
            pltpu.VMEM((1, BB), jnp.int32),
            pltpu.VMEM((1, BB), jnp.int32),
            pltpu.VMEM((BB, F), jnp.float32),
            pltpu.VMEM((16,), jnp.int32),
            pltpu.SemaphoreType.DMA,
        ],
        compiler_params=_sc_compiler_params(),
    )
    return k(out_old, lg0, lg1, ea)



def _replay_kernel(out_hbm, ea_hbm, bs_hbm, bd_hbm, cnt_hbm,
                   o_hbm, acc, fsrc, fdst, rows, cntv, gsem):
    cid = lax.axis_index("c")
    sid = lax.axis_index("s")

    @pl.loop(0, NCK)
    def _chunk_loop(kc):
        chunk = cid * NCK + kc

        @pl.when(chunk < NCHUNK)
        def _(chunk=chunk):
            base = chunk * CH
            row0 = base + sid * (CH // NS)
            slot0 = (chunk * NS + sid) * BINROWS
            pltpu.sync_copy(ea_hbm.at[pl.ds(row0, CH // NS)],
                            acc.at[pl.ds(sid * (CH // NS), CH // NS)])
            pltpu.sync_copy(cnt_hbm.at[pl.ds((chunk * NS + sid) * 16, 16)],
                            cntv)
            plsc.subcore_barrier()
            nb = jnp.max(cntv[pl.ds(0, 16)])

            @pl.loop(0, nb)
            def _batch(j):
                pltpu.sync_copy(bs_hbm.at[pl.ds(slot0 + j, 1)], fsrc)
                pltpu.sync_copy(bd_hbm.at[pl.ds(slot0 + j, 1)], fdst)
                pltpu.async_copy(out_hbm.at[fsrc.at[0]], rows, gsem).wait()
                pltpu.sync_copy(rows, acc.at[fdst.at[0]], add=True)

            plsc.subcore_barrier()
            pltpu.sync_copy(acc.at[pl.ds(sid * (CH // NS), CH // NS)],
                            o_hbm.at[pl.ds(row0, CH // NS)])
            plsc.subcore_barrier()


def _msg_pass_replay(out_old, ea, bs, bd, cnt):
    k = pl.kernel(
        _replay_kernel,
        out_type=jax.ShapeDtypeStruct((E, F), jnp.float32),
        mesh=plsc.VectorSubcoreMesh(core_axis_name="c", subcore_axis_name="s"),
        scratch_types=[
            pltpu.VMEM_SHARED((CH + 8, F), jnp.float32),
            pltpu.VMEM((1, BB), jnp.int32),
            pltpu.VMEM((1, BB), jnp.int32),
            pltpu.VMEM((BB, F), jnp.float32),
            pltpu.VMEM((16,), jnp.int32),
            pltpu.SemaphoreType.DMA,
        ],
        compiler_params=_sc_compiler_params(),
    )
    return k(out_old, ea, bs, bd, cnt)



IB2 = 80
EPS2 = E // (NC * NS)
NBLK2 = EPS2 // IB2
NROW2 = 624
NROW2L = N - 15 * NROW2


def _nscat_kernel(o_rows_hbm, dst_hbm, x_hbm, z_hbm, p_hbm,
                  acc, idxv, rowsv, gsem):
    cid = lax.axis_index("c")
    sid = lax.axis_index("s")

    def _share(copy):
        @pl.when(sid < 15)
        def _():
            copy(sid * NROW2, NROW2)

        @pl.when(sid == 15)
        def _():
            copy(15 * NROW2, NROW2L)

    @pl.when(cid == 0)
    def _():
        _share(lambda r0, n: pltpu.sync_copy(
            x_hbm.at[pl.ds(r0, n)], acc.at[pl.ds(r0, n)]))

    @pl.when(cid != 0)
    def _():
        _share(lambda r0, n: pltpu.sync_copy(
            z_hbm.at[pl.ds(0, n)], acc.at[pl.ds(r0, n)]))

    plsc.subcore_barrier()

    @pl.loop(0, NBLK2)
    def _blk(b):
        e0 = cid * (E // NC) + sid * EPS2 + b * IB2
        pltpu.sync_copy(dst_hbm.at[pl.ds(e0, IB2)], idxv)
        pltpu.async_copy(o_rows_hbm.at[pl.ds(e0, IB2)], rowsv, gsem).wait()
        pltpu.sync_copy(rowsv, acc.at[idxv], add=True)

    plsc.subcore_barrier()
    _share(lambda r0, n: pltpu.sync_copy(
        acc.at[pl.ds(r0, n)], p_hbm.at[cid, pl.ds(r0, n)]))


def _node_scatter(o_rows, dst, x, zeros):
    k = pl.kernel(
        _nscat_kernel,
        out_type=jax.ShapeDtypeStruct((NC, N, F), jnp.float32),
        mesh=plsc.VectorSubcoreMesh(core_axis_name="c", subcore_axis_name="s"),
        scratch_types=[
            pltpu.VMEM_SHARED((N + 8, F), jnp.float32),
            pltpu.VMEM((IB2,), jnp.int32),
            pltpu.VMEM((IB2, F), jnp.float32),
            pltpu.SemaphoreType.DMA,
        ],
        compiler_params=_sc_compiler_params(),
    )
    p = k(o_rows, dst, x, zeros)
    return p[0] + p[1]



def _eab_kernel(eu_hbm, ev_hbm, src_hbm, dst_hbm, uv_hbm, ea_hbm,
                sidx, didx, eur, evr, uvr, sem1, sem2):
    cid = lax.axis_index("c")
    sid = lax.axis_index("s")
    third = jnp.float32(1.0 / 3.0)

    @pl.loop(0, NBLK2)
    def _blk(b):
        e0 = cid * (E // NC) + sid * EPS2 + b * IB2
        pltpu.sync_copy(src_hbm.at[pl.ds(e0, IB2)], sidx)
        pltpu.sync_copy(dst_hbm.at[pl.ds(e0, IB2)], didx)
        c1 = pltpu.async_copy(eu_hbm.at[sidx], eur, sem1)
        c2 = pltpu.async_copy(ev_hbm.at[didx], evr, sem2)
        pltpu.sync_copy(uv_hbm.at[pl.ds(e0, IB2)], uvr)
        c1.wait()
        c2.wait()

        @pl.loop(0, IB2)
        def _row(r):
            for k in range(F // 16):
                sl = pl.ds(k * 16, 16)
                uvr[r, sl] = (eur[r, sl] + evr[r, sl] + uvr[r, sl]) * third

        pltpu.sync_copy(uvr, ea_hbm.at[pl.ds(e0, IB2)])


def _ea_build(eu, ev, src, dst, euv):
    k = pl.kernel(
        _eab_kernel,
        out_type=jax.ShapeDtypeStruct((E, F), jnp.float32),
        mesh=plsc.VectorSubcoreMesh(core_axis_name="c", subcore_axis_name="s"),
        scratch_types=[
            pltpu.VMEM((IB2,), jnp.int32),
            pltpu.VMEM((IB2,), jnp.int32),
            pltpu.VMEM((IB2, F), jnp.float32),
            pltpu.VMEM((IB2, F), jnp.float32),
            pltpu.VMEM((IB2, F), jnp.float32),
            pltpu.SemaphoreType.DMA,
            pltpu.SemaphoreType.DMA,
        ],
        compiler_params=_sc_compiler_params(),
    )
    return k(eu, ev, src, dst, euv)



def _proj_body(x_ref, wu_ref, wv_ref, eu_ref, ev_ref):
    x = x_ref[...]
    eu_ref[...] = jax.lax.dot_general(
        x, wu_ref[...], (((1,), (1,)), ((), ())),
        preferred_element_type=jnp.float32)
    ev_ref[...] = jax.lax.dot_general(
        x, wv_ref[...], (((1,), (1,)), ((), ())),
        preferred_element_type=jnp.float32)


def _proj(x, Wu, Wv):
    blk = 2000
    return pl.pallas_call(
        _proj_body,
        grid=(N // blk,),
        in_specs=[
            pl.BlockSpec((blk, F), lambda i: (i, 0)),
            pl.BlockSpec((F, F), lambda i: (0, 0)),
            pl.BlockSpec((F, F), lambda i: (0, 0)),
        ],
        out_specs=[
            pl.BlockSpec((blk, F), lambda i: (i, 0)),
            pl.BlockSpec((blk, F), lambda i: (i, 0)),
        ],
        out_shape=[
            jax.ShapeDtypeStruct((N, F), jnp.float32),
            jax.ShapeDtypeStruct((N, F), jnp.float32),
        ],
    )(x, Wu, Wv)



def _attn_body(out_ref, b3_ref, attw_ref, attb_ref, gx_ref, m_ref, z_ref, a_ref):
    i = pl.program_id(0)

    @pl.when(i == 0)
    def _():
        m_ref[...] = jnp.full((G, 1), NEG, jnp.float32)
        z_ref[...] = jnp.zeros((G, 1), jnp.float32)
        a_ref[...] = jnp.zeros((G, F), jnp.float32)

    rows = out_ref[...]
    sT = jax.lax.dot_general(attw_ref[...], rows, (((1,), (1,)), ((), ())),
                             preferred_element_type=jnp.float32)
    sT = sT + attb_ref[0, 0]
    seg = b3_ref[0]
    ohT = seg == jax.lax.broadcasted_iota(jnp.int32, (G, BE), 0)
    ohfT = ohT.astype(jnp.float32)
    sbT = jnp.where(ohT, sT, NEG)
    bm = jnp.max(sbT, axis=1).reshape(G, 1)
    m_old = m_ref[...]
    m_new = jnp.maximum(m_old, bm)
    scale = jnp.exp(m_old - m_new)
    m_rowT = jax.lax.dot_general(m_new, ohfT, (((0,), (0,)), ((), ())),
                                 preferred_element_type=jnp.float32)
    e_rowT = jnp.exp(sT - m_rowT)
    ewT = ohfT * e_rowT
    z_ref[...] = z_ref[...] * scale + jnp.sum(ewT, axis=1).reshape(G, 1)
    a_ref[...] = a_ref[...] * scale + jax.lax.dot_general(
        ewT, rows, (((1,), (0,)), ((), ())),
        preferred_element_type=jnp.float32)
    m_ref[...] = m_new

    @pl.when(i == pl.num_programs(0) - 1)
    def _():
        gx_ref[...] = a_ref[...] / (z_ref[...] + 1e-16)


def _attn_pool(out, batch3, att_W, att_b):
    return pl.pallas_call(
        _attn_body,
        grid=(NBL,),
        in_specs=[
            pl.BlockSpec((BE, F), lambda i: (i, 0)),
            pl.BlockSpec((1, 1, BE), lambda i: (i, 0, 0)),
            pl.BlockSpec((1, F), lambda i: (0, 0)),
            pl.BlockSpec((1, 1), lambda i: (0, 0)),
        ],
        out_specs=pl.BlockSpec((G, F), lambda i: (0, 0)),
        out_shape=jax.ShapeDtypeStruct((G, F), jnp.float32),
        scratch_shapes=[
            pltpu.VMEM((G, 1), jnp.float32),
            pltpu.VMEM((G, 1), jnp.float32),
            pltpu.VMEM((G, F), jnp.float32),
        ],
    )(out, batch3, att_W, att_b)



def _batchnorm(x, g, b, eps=1e-5):
    m = jnp.mean(x, axis=0)
    v = jnp.var(x, axis=0)
    return (x - m) / jnp.sqrt(v + eps) * g + b


def _prelu(x, a):
    return jnp.where(x >= 0, x, a * x)


def kernel(x, edge_index, edge_attr, line_graph_edge_index, edge_index_batch, params):
    src, dst = edge_index[0], edge_index[1]
    lg0, lg1 = line_graph_edge_index[0], line_graph_edge_index[1]
    batch = edge_index_batch
    eu, ev = _proj(x, params["Wu"], params["Wv"])
    euv = edge_attr @ params["We"].T
    ea = _ea_build(eu, ev, src, dst, euv)

    batch3 = batch.reshape(NBL, 1, BE)
    attW = params["att_W"]
    attb = params["att_b"].reshape(1, 1)

    def _attn_stage(out_n):
        gx = _attn_pool(out_n, batch3, attW, attb)
        return jnp.tanh(gx @ params["Wg"].T + params["bg"])

    out1, bs, bd, cnt = _msg_pass_bin(ea, lg0, lg1, ea)
    outs = [out1]
    gouts = [_attn_stage(out1)]
    for _ in range(T - 1):
        outs.append(_msg_pass_replay(outs[-1], ea, bs, bd, cnt))
        gouts.append(_attn_stage(outs[-1]))
    out_all = jnp.stack(outs, axis=-1)
    gout_all = jnp.stack(gouts, axis=-1)

    scores = jnp.sum(gout_all * params["a"], axis=1, keepdims=True) + params["a_bias"]
    scores = jax.nn.softmax(scores, axis=-1)
    spe = scores[batch]
    o = jnp.sum(out_all * spe, axis=-1)
    x2 = _node_scatter(o, dst, x, jnp.zeros((NROW2L, F), jnp.float32))
    p = params["blk"]
    out1m = _batchnorm(x2, p["bn0_g"], p["bn0_b"]) @ p["W1"].T + p["b1"]
    h = _prelu(_batchnorm(out1m, p["bn2_g"], p["bn2_b"]), p["p3"]) @ p["W4"].T + p["b4"]
    out2 = (h + out1m) / 2.0
    h = _prelu(_batchnorm(out2, p["bn5_g"], p["bn5_b"]), p["p6"]) @ p["W7"].T + p["b7"]
    out3 = (h + out2) / 2.0
    h = _prelu(_batchnorm(out3, p["bn8_g"], p["bn8_b"]), p["p9"]) @ p["W10"].T + p["b10"]
    out4 = (h + out3) / 2.0
    out5 = _prelu(_batchnorm(out4, p["bn11_g"], p["bn11_b"]), p["p12"]) @ p["W13"].T + p["b13"]
    return out5

# --- scband reference (transcript-rebuilt; emitter-appended) ---
"""Pipeline reference for scband-dmpnn-75453985456261 (READ-ONLY COPY).

The authoritative reference and input builder live on the scoring server;
editing this copy changes nothing except your own understanding.
"""

import jax, jax.numpy as jnp
import numpy as np

N = 10000; F = 128; ED = 16; E = 320000; ELG = 640000; G = 256; T = 3; S = 6 * F


def _lin(key, o, i):
    s = 1.0 / np.sqrt(i)
    k1, k2 = jax.random.split(key)
    W = jax.random.uniform(k1, (o, i), jnp.float32, -s, s)
    b = jax.random.uniform(k2, (o,), jnp.float32, -s, s)
    return W, b


def setup_inputs(seed: int = 0):
    key = jax.random.key(seed)
    ks = jax.random.split(key, 20)
    x = jax.random.normal(ks[0], (N, F), jnp.float32)
    edge_index = jax.random.randint(ks[1], (2, E), 0, N)
    edge_attr = jax.random.normal(ks[2], (E, ED), jnp.float32)
    line_graph_edge_index = jax.random.randint(ks[3], (2, ELG), 0, E)
    edge_index_batch = jnp.sort(jax.random.randint(ks[4], (E,), 0, G))
    Wu, _ = _lin(ks[5], F, F)
    Wv, _ = _lin(ks[6], F, F)
    We, _ = _lin(ks[7], F, ED)
    att_W, att_b = _lin(ks[8], 1, F)
    gs = float(np.sqrt(6.0 / (F + T)))
    a = jax.random.uniform(ks[9], (1, F, T), jnp.float32, -gs, gs)
    a_bias = jnp.zeros((1, 1, T), jnp.float32)
    Wg, bg = _lin(ks[10], F, F)
    W1, b1 = _lin(ks[11], S, F)
    W4, b4 = _lin(ks[12], S, S)
    W7, b7 = _lin(ks[13], S, S)
    W10, b10 = _lin(ks[14], S, S)
    W13, b13 = _lin(ks[15], F, S)
    blk = {"bn0_g": jnp.ones((F,), jnp.float32), "bn0_b": jnp.zeros((F,), jnp.float32),
           "W1": W1, "b1": b1,
           "bn2_g": jnp.ones((S,), jnp.float32), "bn2_b": jnp.zeros((S,), jnp.float32), "p3": jnp.float32(0.25),
           "W4": W4, "b4": b4,
           "bn5_g": jnp.ones((S,), jnp.float32), "bn5_b": jnp.zeros((S,), jnp.float32), "p6": jnp.float32(0.25),
           "W7": W7, "b7": b7,
           "bn8_g": jnp.ones((S,), jnp.float32), "bn8_b": jnp.zeros((S,), jnp.float32), "p9": jnp.float32(0.25),
           "W10": W10, "b10": b10,
           "bn11_g": jnp.ones((S,), jnp.float32), "bn11_b": jnp.zeros((S,), jnp.float32), "p12": jnp.float32(0.25),
           "W13": W13, "b13": b13}
    params = {"Wu": Wu, "Wv": Wv, "We": We, "att_W": att_W, "att_b": att_b,
              "a": a, "a_bias": a_bias, "Wg": Wg, "bg": bg, "blk": blk}
    return {"x": x, "edge_index": edge_index, "edge_attr": edge_attr,
            "line_graph_edge_index": line_graph_edge_index,
            "edge_index_batch": edge_index_batch, "params": params}


def _batchnorm(x, g, b, eps=1e-5):
    m = jnp.mean(x, axis=0)
    v = jnp.var(x, axis=0)
    return (x - m) / jnp.sqrt(v + eps) * g + b


def _prelu(x, a):
    return jnp.where(x >= 0, x, a * x)


def _seg_softmax(scores, seg, num_segs):
    m = jax.ops.segment_max(scores, seg, num_segments=num_segs)
    m = jnp.where(jnp.isfinite(m), m, 0.0)
    e = jnp.exp(scores - m[seg])
    s = jax.ops.segment_sum(e, seg, num_segments=num_segs)
    return e / (s[seg] + 1e-16)


def _forward(x, edge_attr, params, edge_index, lg, batch):
    src, dst = edge_index[0], edge_index[1]
    eu = x @ params["Wu"].T
    ev = x @ params["Wv"].T
    euv = edge_attr @ params["We"].T
    ea = (eu[src] + ev[dst] + euv) / 3.0
    out = ea
    outs = []
    gouts = []
    for n in range(T):
        msg = jax.ops.segment_sum(out[lg[0]], lg[1], num_segments=E)
        out = ea + msg
        sc = (out @ params["att_W"].T + params["att_b"])[:, 0]
        sc = _seg_softmax(sc, batch, G)
        gx = jax.ops.segment_sum(out * sc[:, None], batch, num_segments=G)
        outs.append(out)
        gouts.append(jnp.tanh(gx @ params["Wg"].T + params["bg"]))
    gout_all = jnp.stack(gouts, axis=-1)
    out_all = jnp.stack(outs, axis=-1)
    scores = jnp.sum(gout_all * params["a"], axis=1, keepdims=True) + params["a_bias"]
    scores = jax.nn.softmax(scores, axis=-1)
    spe = scores[batch]
    o = jnp.sum(out_all * spe, axis=-1)
    x2 = x + jax.ops.segment_sum(o, dst, num_segments=N)
    p = params["blk"]
    out1 = _batchnorm(x2, p["bn0_g"], p["bn0_b"]) @ p["W1"].T + p["b1"]
    h = _prelu(_batchnorm(out1, p["bn2_g"], p["bn2_b"]), p["p3"]) @ p["W4"].T + p["b4"]
    out2 = (h + out1) / 2.0
    h = _prelu(_batchnorm(out2, p["bn5_g"], p["bn5_b"]), p["p6"]) @ p["W7"].T + p["b7"]
    out3 = (h + out2) / 2.0
    h = _prelu(_batchnorm(out3, p["bn8_g"], p["bn8_b"]), p["p9"]) @ p["W10"].T + p["b10"]
    out4 = (h + out3) / 2.0
    out5 = _prelu(_batchnorm(out4, p["bn11_g"], p["bn11_b"]), p["p12"]) @ p["W13"].T + p["b13"]
    return out5


def reference(x, edge_index, edge_attr, line_graph_edge_index, edge_index_batch, params):
    return _forward(x, edge_attr, params, edge_index, line_graph_edge_index, edge_index_batch)

if __name__ == "__main__":
    import jax
    _d = setup_inputs()
    print(jax.jit(kernel)(*tuple(_d.values())))

</pallas_src>

<mosaic_0001>
#map = affine_map<(d0, d1) -> (0, 0)>
#map1 = affine_map<(d0, d1) -> (0)>
module attributes {stable_mosaic.version = 14 : i64} {
  func.func @_bin_kernel(%arg0: i32, %arg1: i32, %arg2: memref<320000x128xf32, #tpu.memory_space<hbm>>, %arg3: memref<640000xi32, #tpu.memory_space<hbm>>, %arg4: memref<640000xi32, #tpu.memory_space<hbm>>, %arg5: memref<320000x128xf32, #tpu.memory_space<hbm>>, %arg6: memref<320000x128xf32, #tpu.memory_space<hbm>>, %arg7: memref<125600x128xi32, #tpu.memory_space<hbm>>, %arg8: memref<125600x128xi32, #tpu.memory_space<hbm>>, %arg9: memref<6400xi32, #tpu.memory_space<hbm>>, %arg10: memref<12808x128xf32, #tpu.memory_space<vmem_shared>>, %arg11: memref<2000xi32, #tpu.memory_space<vmem>>, %arg12: memref<2000xi32, #tpu.memory_space<vmem>>, %arg13: memref<144xi32, #tpu.memory_space<vmem>>, %arg14: memref<144xi32, #tpu.memory_space<vmem>>, %arg15: memref<1x128xi32, #tpu.memory_space<vmem>>, %arg16: memref<1x128xi32, #tpu.memory_space<vmem>>, %arg17: memref<128x128xf32, #tpu.memory_space<vmem>>, %arg18: memref<16xi32, #tpu.memory_space<vmem>>, %arg19: memref<!tpu.dma_semaphore, #tpu.memory_space<semaphore_mem>>) attributes {dimension_semantics = [#tpu.dimension_semantics<core_parallel>, #tpu.dimension_semantics<subcore_parallel>], iteration_bounds = array<i64: 2, 16>, scalar_prefetch = 0 : i64, scratch_operands = 10 : i64, tpu.core_type = #tpu.core_type<sc_vector_subcore>, window_params = [{transform_indices = #map}, {transform_indices = #map1}, {transform_indices = #map1}, {transform_indices = #map}, {transform_indices = #map}, {transform_indices = #map}, {transform_indices = #map}, {transform_indices = #map1}]} {
    %broadcast_in_dim3A = arith.constant 0 : i32
    %broadcast_in_dim3A_0 = vector.broadcast %broadcast_in_dim3A : i32 to vector<16xi32>
    %broadcast_in_dim3A_1 = arith.constant 12800 : i32
    %broadcast_in_dim3A_2 = vector.broadcast %broadcast_in_dim3A_1 : i32 to vector<16xi32>
    %scan3A = arith.constant 0 : i32
    %scan3A_3 = arith.constant 13 : i32
    %scan3A_4 = arith.addi %scan3A, %scan3A_3 : i32
    %scan3A_5 = arith.constant 1 : i32
    scf.for %scan3A_7 = %scan3A to %scan3A_4 step %scan3A_5  : i32 {
      %mul3A = arith.constant 1 : i32
      %mul3A_8 = arith.muli %scan3A_7, %mul3A : i32
      %add3A = arith.constant 0 : i32
      %add3A_9 = arith.addi %add3A, %mul3A_8 : i32
      %mul3A_10 = arith.constant 13 : i32
      %mul3A_11 = arith.muli %arg0, %mul3A_10 : i32
      %add3A_12 = arith.addi %mul3A_11, %add3A_9 : i32
      %lt3A = arith.constant 25 : i32
      %lt3A_13 = arith.cmpi slt, %add3A_12, %lt3A : i32
      %convert_element_type3A = arith.extui %lt3A_13 : i1 to i32
      %cond3A = arith.constant 0 : i32
      %cond3A_14 = arith.cmpi ne, %convert_element_type3A, %cond3A : i32
      scf.if %cond3A_14 {
        %mul3A_15 = arith.constant 12800 : i32
        %mul3A_16 = arith.muli %add3A_12, %mul3A_15 : i32
        %mul3A_17 = arith.constant 800 : i32
        %mul3A_18 = arith.muli %arg1, %mul3A_17 : i32
        %add3A_19 = arith.addi %mul3A_16, %mul3A_18 : i32
        %mul3A_20 = arith.constant 16 : i32
        %mul3A_21 = arith.muli %add3A_12, %mul3A_20 : i32
        %add3A_22 = arith.addi %mul3A_21, %arg1 : i32
        %mul3A_23 = arith.constant 314 : i32
        %mul3A_24 = arith.muli %add3A_22, %mul3A_23 : i32
        %mul3A_25 = arith.constant 800 : i32
        %mul3A_26 = arith.muli %arg1, %mul3A_25 : i32
        "tpu.region"() ({
          %run_scoped3A_290 = tpu.sem_alloc : memref<!tpu.dma_semaphore, #tpu.memory_space<semaphore_mem>>
          %dma_start3A_291 = arith.constant 0 : i32
          %dma_start3A_292 = tpu.memref_slice %arg10[%mul3A_26, %dma_start3A_291] : memref<12808x128xf32, #tpu.memory_space<vmem_shared>> -> memref<800x128xf32, #tpu.memory_space<vmem_shared>>
          %dma_start3A_293 = arith.constant 0 : i32
          %dma_start3A_294 = tpu.memref_slice %arg5[%add3A_19, %dma_start3A_293] : memref<320000x128xf32, #tpu.memory_space<hbm>> -> memref<800x128xf32, #tpu.memory_space<hbm>>
          tpu.enqueue_dma source(%dma_start3A_294 : memref<800x128xf32, #tpu.memory_space<hbm>>) target(%dma_start3A_292 : memref<800x128xf32, #tpu.memory_space<vmem_shared>>) target_semaphore(%run_scoped3A_290 : memref<!tpu.dma_semaphore, #tpu.memory_space<semaphore_mem>>)
          %dma_wait3A_295 = arith.constant 0 : i32
          %dma_wait3A_296 = tpu.memref_slice %arg10[%mul3A_26, %dma_wait3A_295] : memref<12808x128xf32, #tpu.memory_space<vmem_shared>> -> memref<800x128xf32, #tpu.memory_space<vmem_shared>>
          %dma_wait3A_297 = arith.constant 0 : i32
          %dma_wait3A_298 = tpu.memref_slice %arg5[%add3A_19, %dma_wait3A_297] : memref<320000x128xf32, #tpu.memory_space<hbm>> -> memref<800x128xf32, #tpu.memory_space<hbm>>
          tpu.wait_dma2 semaphore(%run_scoped3A_290 : memref<!tpu.dma_semaphore, #tpu.memory_space<semaphore_mem>>) src(%dma_wait3A_298 : memref<800x128xf32, #tpu.memory_space<hbm>>) dst(%dma_wait3A_296 : memref<800x128xf32, #tpu.memory_space<vmem_shared>>)
          tpu.yield
        }) : () -> ()
        %barrier3A = arith.constant 0 : index
        tpu.barrier barrier_id(%barrier3A)
        %swap3A = arith.constant 0 : index
        %swap3A_27 = tpu.vector_load %arg13[%swap3A] {strides = array<i32>} : memref<144xi32, #tpu.memory_space<vmem>>, vector<16xi32>,
        tpu.vector_store %arg13[%swap3A], %broadcast_in_dim3A_0 {strides = array<i32>} : memref<144xi32, #tpu.memory_space<vmem>>, vector<16xi32>,
        %swap3A_28 = arith.constant 0 : index
        %swap3A_29 = tpu.vector_load %arg14[%swap3A_28] {strides = array<i32>} : memref<144xi32, #tpu.memory_space<vmem>>, vector<16xi32>,
        tpu.vector_store %arg14[%swap3A_28], %broadcast_in_dim3A_2 {strides = array<i32>} : memref<144xi32, #tpu.memory_space<vmem>>, vector<16xi32>,
        %swap3A_30 = arith.constant 16 : index
        %swap3A_31 = tpu.vector_load %arg13[%swap3A_30] {strides = array<i32>} : memref<144xi32, #tpu.memory_space<vmem>>, vector<16xi32>,
        tpu.vector_store %arg13[%swap3A_30], %broadcast_in_dim3A_0 {strides = array<i32>} : memref<144xi32, #tpu.memory_space<vmem>>, vector<16xi32>,
        %swap3A_32 = arith.constant 16 : index
        %swap3A_33 = tpu.vector_load %arg14[%swap3A_32] {strides = array<i32>} : memref<144xi32, #tpu.memory_space<vmem>>, vector<16xi32>,
        tpu.vector_store %arg14[%swap3A_32], %broadcast_in_dim3A_2 {strides = array<i32>} : memref<144xi32, #tpu.memory_space<vmem>>, vector<16xi32>,
        %swap3A_34 = arith.constant 32 : index
        %swap3A_35 = tpu.vector_load %arg13[%swap3A_34] {strides = array<i32>} : memref<144xi32, #tpu.memory_space<vmem>>, vector<16xi32>,
        tpu.vector_store %arg13[%swap3A_34], %broadcast_in_dim3A_0 {strides = array<i32>} : memref<144xi32, #tpu.memory_space<vmem>>, vector<16xi32>,
        %swap3A_36 = arith.constant 32 : index
        %swap3A_37 = tpu.vector_load %arg14[%swap3A_36] {strides = array<i32>} : memref<144xi32, #tpu.memory_space<vmem>>, vector<16xi32>,
        tpu.vector_store %arg14[%swap3A_36], %broadcast_in_dim3A_2 {strides = array<i32>} : memref<144xi32, #tpu.memory_space<vmem>>, vector<16xi32>,
        %swap3A_38 = arith.constant 48 : index
        %swap3A_39 = tpu.vector_load %arg13[%swap3A_38] {strides = array<i32>} : memref<144xi32, #tpu.memory_space<vmem>>, vector<16xi32>,
        tpu.vector_store %arg13[%swap3A_38], %broadcast_in_dim3A_0 {strides = array<i32>} : memref<144xi32, #tpu.memory_space<vmem>>, vector<16xi32>,
        %swap3A_40 = arith.constant 48 : index
        %swap3A_41 = tpu.vector_load %arg14[%swap3A_40] {strides = array<i32>} : memref<144xi32, #tpu.memory_space<vmem>>, vector<16xi32>,
        tpu.vector_store %arg14[%swap3A_40], %broadcast_in_dim3A_2 {strides = array<i32>} : memref<144xi32, #tpu.memory_space<vmem>>, vector<16xi32>,
        %swap3A_42 = arith.constant 64 : index
        %swap3A_43 = tpu.vector_load %arg13[%swap3A_42] {strides = array<i32>} : memref<144xi32, #tpu.memory_space<vmem>>, vector<16xi32>,
        tpu.vector_store %arg13[%swap3A_42], %broadcast_in_dim3A_0 {strides = array<i32>} : memref<144xi32, #tpu.memory_space<vmem>>, vector<16xi32>,
        %swap3A_44 = arith.constant 64 : index
        %swap3A_45 = tpu.vector_load %arg14[%swap3A_44] {strides = array<i32>} : memref<144xi32, #tpu.memory_space<vmem>>, vector<16xi32>,
        tpu.vector_store %arg14[%swap3A_44], %broadcast_in_dim3A_2 {strides = array<i32>} : memref<144xi32, #tpu.memory_space<vmem>>, vector<16xi32>,
        %swap3A_46 = arith.constant 80 : index
        %swap3A_47 = tpu.vector_load %arg13[%swap3A_46] {strides = array<i32>} : memref<144xi32, #tpu.memory_space<vmem>>, vector<16xi32>,
        tpu.vector_store %arg13[%swap3A_46], %broadcast_in_dim3A_0 {strides = array<i32>} : memref<144xi32, #tpu.memory_space<vmem>>, vector<16xi32>,
        %swap3A_48 = arith.constant 80 : index
        %swap3A_49 = tpu.vector_load %arg14[%swap3A_48] {strides = array<i32>} : memref<144xi32, #tpu.memory_space<vmem>>, vector<16xi32>,
        tpu.vector_store %arg14[%swap3A_48], %broadcast_in_dim3A_2 {strides = array<i32>} : memref<144xi32, #tpu.memory_space<vmem>>, vector<16xi32>,
        %swap3A_50 = arith.constant 96 : index
        %swap3A_51 = tpu.vector_load %arg13[%swap3A_50] {strides = array<i32>} : memref<144xi32, #tpu.memory_space<vmem>>, vector<16xi32>,
        tpu.vector_store %arg13[%swap3A_50], %broadcast_in_dim3A_0 {strides = array<i32>} : memref<144xi32, #tpu.memory_space<vmem>>, vector<16xi32>,
        %swap3A_52 = arith.constant 96 : index
        %swap3A_53 = tpu.vector_load %arg14[%swap3A_52] {strides = array<i32>} : memref<144xi32, #tpu.memory_space<vmem>>, vector<16xi32>,
        tpu.vector_store %arg14[%swap3A_52], %broadcast_in_dim3A_2 {strides = array<i32>} : memref<144xi32, #tpu.memory_space<vmem>>, vector<16xi32>,
        %swap3A_54 = arith.constant 112 : index
        %swap3A_55 = tpu.vector_load %arg13[%swap3A_54] {strides = array<i32>} : memref<144xi32, #tpu.memory_space<vmem>>, vector<16xi32>,
        tpu.vector_store %arg13[%swap3A_54], %broadcast_in_dim3A_0 {strides = array<i32>} : memref<144xi32, #tpu.memory_space<vmem>>, vector<16xi32>,
        %swap3A_56 = arith.constant 112 : index
        %swap3A_57 = tpu.vector_load %arg14[%swap3A_56] {strides = array<i32>} : memref<144xi32, #tpu.memory_space<vmem>>, vector<16xi32>,
        tpu.vector_store %arg14[%swap3A_56], %broadcast_in_dim3A_2 {strides = array<i32>} : memref<144xi32, #tpu.memory_space<vmem>>, vector<16xi32>,
        %swap3A_58 = arith.constant 128 : index
        %swap3A_59 = tpu.vector_load %arg13[%swap3A_58] {strides = array<i32>} : memref<144xi32, #tpu.memory_space<vmem>>, vector<16xi32>,
        tpu.vector_store %arg13[%swap3A_58], %broadcast_in_dim3A_0 {strides = array<i32>} : memref<144xi32, #tpu.memory_space<vmem>>, vector<16xi32>,
        %swap3A_60 = arith.constant 128 : index
        %swap3A_61 = tpu.vector_load %arg14[%swap3A_60] {strides = array<i32>} : memref<144xi32, #tpu.memory_space<vmem>>, vector<16xi32>,
        tpu.vector_store %arg14[%swap3A_60], %broadcast_in_dim3A_2 {strides = array<i32>} : memref<144xi32, #tpu.memory_space<vmem>>, vector<16xi32>,
        %scan3A_62 = arith.constant 0 : i32
        %scan3A_63 = arith.constant 0 : i32
        %scan3A_64 = arith.constant 0 : i32
        %scan3A_65 = arith.constant 20 : i32
        %scan3A_66 = arith.addi %scan3A_64, %scan3A_65 : i32
        %scan3A_67 = arith.constant 1 : i32
        %scan3A_68:2 = scf.for %scan3A_290 = %scan3A_64 to %scan3A_66 step %scan3A_67 iter_args(%scan3A_291 = %scan3A_62, %scan3A_292 = %scan3A_63) -> (i32, i32)  : i32 {
          %mul3A_293 = arith.constant 40000 : i32
          %mul3A_294 = arith.muli %arg1, %mul3A_293 : i32
          %mul3A_295 = arith.constant 2000 : i32
          %mul3A_296 = arith.muli %scan3A_290, %mul3A_295 : i32
          %add3A_297 = arith.addi %mul3A_294, %mul3A_296 : i32
          "tpu.region"() ({
            %run_scoped3A_304 = tpu.sem_alloc : memref<!tpu.dma_semaphore, #tpu.memory_space<semaphore_mem>>
            %dma_start3A_305 = tpu.memref_slice %arg3[%add3A_297] : memref<640000xi32, #tpu.memory_space<hbm>> -> memref<2000xi32, #tpu.memory_space<hbm>>
            %dma_start3A_306 = tpu.memref_slice %arg3[%add3A_297] : memref<640000xi32, #tpu.memory_space<hbm>> -> memref<2000xi32, #tpu.memory_space<hbm>>
            tpu.enqueue_dma source(%dma_start3A_306 : memref<2000xi32, #tpu.memory_space<hbm>>) target(%arg11 : memref<2000xi32, #tpu.memory_space<vmem>>) target_semaphore(%run_scoped3A_304 : memref<!tpu.dma_semaphore, #tpu.memory_space<semaphore_mem>>)
            %dma_wait3A_307 = tpu.memref_slice %arg3[%add3A_297] : memref<640000xi32, #tpu.memory_space<hbm>> -> memref<2000xi32, #tpu.memory_space<hbm>>
            %dma_wait3A_308 = tpu.memref_slice %arg3[%add3A_297] : memref<640000xi32, #tpu.memory_space<hbm>> -> memref<2000xi32, #tpu.memory_space<hbm>>
            tpu.wait_dma2 semaphore(%run_scoped3A_304 : memref<!tpu.dma_semaphore, #tpu.memory_space<semaphore_mem>>) src(%dma_wait3A_308 : memref<2000xi32, #tpu.memory_space<hbm>>) dst(%arg11 : memref<2000xi32, #tpu.memory_space<vmem>>)
            tpu.yield
          }) : () -> ()
          "tpu.region"() ({
            %run_scoped3A_304 = tpu.sem_alloc : memref<!tpu.dma_semaphore, #tpu.memory_space<semaphore_mem>>
            %dma_start3A_305 = tpu.memref_slice %arg4[%add3A_297] : memref<640000xi32, #tpu.memory_space<hbm>> -> memref<2000xi32, #tpu.memory_space<hbm>>
            %dma_start3A_306 = tpu.memref_slice %arg4[%add3A_297] : memref<640000xi32, #tpu.memory_space<hbm>> -> memref<2000xi32, #tpu.memory_space<hbm>>
            tpu.enqueue_dma source(%dma_start3A_306 : memref<2000xi32, #tpu.memory_space<hbm>>) target(%arg12 : memref<2000xi32, #tpu.memory_space<vmem>>) target_semaphore(%run_scoped3A_304 : memref<!tpu.dma_semaphore, #tpu.memory_space<semaphore_mem>>)
            %dma_wait3A_307 = tpu.memref_slice %arg4[%add3A_297] : memref<640000xi32, #tpu.memory_space<hbm>> -> memref<2000xi32, #tpu.memory_space<hbm>>
            %dma_wait3A_308 = tpu.memref_slice %arg4[%add3A_297] : memref<640000xi32, #tpu.memory_space<hbm>> -> memref<2000xi32, #tpu.memory_space<hbm>>
            tpu.wait_dma2 semaphore(%run_scoped3A_304 : memref<!tpu.dma_semaphore, #tpu.memory_space<semaphore_mem>>) src(%dma_wait3A_308 : memref<2000xi32, #tpu.memory_space<hbm>>) dst(%arg12 : memref<2000xi32, #tpu.memory_space<vmem>>)
            tpu.yield
          }) : () -> ()
          %scan3A_298 = arith.constant 0 : i32
          %scan3A_299 = arith.constant 125 : i32
          %scan3A_300 = arith.addi %scan3A_298, %scan3A_299 : i32
          %scan3A_301 = arith.constant 1 : i32
          %scan3A_302:2 = scf.for %scan3A_304 = %scan3A_298 to %scan3A_300 step %scan3A_301 iter_args(%scan3A_305 = %scan3A_291, %scan3A_306 = %scan3A_292) -> (i32, i32)  : i32 {
            %mul3A_307 = arith.constant 16 : i32
            %mul3A_308 = arith.muli %scan3A_304, %mul3A_307 : i32
            %get3A_309 = arith.index_cast %mul3A_308 : i32 to index
            %get3A_310 = tpu.vector_load %arg12[%get3A_309] {strides = array<i32>} : memref<2000xi32, #tpu.memory_space<vmem>>, vector<16xi32>,
            %mul3A_311 = arith.constant 16 : i32
            %mul3A_312 = arith.muli %scan3A_304, %mul3A_311 : i32
            %get3A_313 = arith.index_cast %mul3A_312 : i32 to index
            %get3A_314 = tpu.vector_load %arg11[%get3A_313] {strides = array<i32>} : memref<2000xi32, #tpu.memory_space<vmem>>, vector<16xi32>,
            %sub3A = vector.broadcast %mul3A_16 : i32 to vector<16xi32>
            %sub3A_315 = arith.subi %get3A_310, %sub3A : vector<16xi32>
            %ge3A = arith.constant 0 : i32
            %ge3A_316 = vector.broadcast %ge3A : i32 to vector<16xi32>
            %ge3A_317 = arith.cmpi sge, %sub3A_315, %ge3A_316 : vector<16xi32>
            %lt3A_318 = arith.constant 12800 : i32
            %lt3A_319 = vector.broadcast %lt3A_318 : i32 to vector<16xi32>
            %lt3A_320 = arith.cmpi slt, %sub3A_315, %lt3A_319 : vector<16xi32>
            %and3A = arith.andi %ge3A_317, %lt3A_320 : vector<16xi1>
            %swap3A_321 = arith.index_cast %scan3A_305 : i32 to index
            %swap3A_322 = tpu.vector_load %arg14[%swap3A_321] masked %and3A {strides = array<i32>} : memref<144xi32, #tpu.memory_space<vmem>>, vector<16xi32>, vector<16xi1>
            tpu.vector_store %arg14[%swap3A_321], %sub3A_315 masked %and3A {strides = array<i32>} : memref<144xi32, #tpu.memory_space<vmem>>, vector<16xi32>, vector<16xi1>
            %swap3A_323 = arith.index_cast %scan3A_305 : i32 to index
            %swap3A_324 = tpu.vector_load %arg13[%swap3A_323] masked %and3A {strides = array<i32>} : memref<144xi32, #tpu.memory_space<vmem>>, vector<16xi32>, vector<16xi1>
            tpu.vector_store %arg13[%swap3A_323], %get3A_314 masked %and3A {strides = array<i32>} : memref<144xi32, #tpu.memory_space<vmem>>, vector<16xi32>, vector<16xi1>
            %convert_element_type3A_325 = arith.extui %and3A : vector<16xi1> to vector<16xi32>
            %reduce_sum3A = arith.constant true
            %reduce_sum3A_326 = vector.broadcast %reduce_sum3A : i1 to vector<16xi1>
            %reduce_sum3A_327 = tpu.scan <sum>, %convert_element_type3A_325 masked %reduce_sum3A_326 : vector<16xi32>, vector<16xi1> -> vector<16xi32>
            %reduce_sum3A_328 = vector.extract %reduce_sum3A_327[15] : i32 from vector<16xi32>
            %add3A_329 = arith.addi %scan3A_305, %reduce_sum3A_328 : i32
            %ge3A_330 = arith.constant 128 : i32
            %ge3A_331 = arith.cmpi sge, %add3A_329, %ge3A_330 : i32
            %convert_element_type3A_332 = arith.extui %ge3A_331 : i1 to i32
            %cond3A_333 = arith.constant 0 : i32
            %cond3A_334 = arith.cmpi ne, %convert_element_type3A_332, %cond3A_333 : i32
            scf.if %cond3A_334 {
              %get3A_340 = arith.constant 0 : index
              %get3A_341 = tpu.vector_load %arg13[%get3A_340] {strides = array<i32>} : memref<144xi32, #tpu.memory_space<vmem>>, vector<16xi32>,
              %get3A_342 = arith.constant 0 : index
              %get3A_343 = tpu.vector_load %arg14[%get3A_342] {strides = array<i32>} : memref<144xi32, #tpu.memory_space<vmem>>, vector<16xi32>,
              %max3A_344 = arith.constant 0 : i32
              %max3A_345 = vector.broadcast %max3A_344 : i32 to vector<16xi32>
              %max3A_346 = arith.maxsi %get3A_341, %max3A_345 : vector<16xi32>
              %min3A_347 = arith.constant 319999 : i32
              %min3A_348 = vector.broadcast %min3A_347 : i32 to vector<16xi32>
              %min3A_349 = arith.minsi %max3A_346, %min3A_348 : vector<16xi32>
              %swap3A_350 = arith.constant 0 : i32
              %swap3A_351 = arith.index_cast %swap3A_350 : i32 to index
              %swap3A_352 = arith.constant 0 : index
              %swap3A_353 = tpu.vector_load %arg15[%swap3A_351, %swap3A_352] {strides = array<i32>} : memref<1x128xi32, #tpu.memory_space<vmem>>, vector<16xi32>,
              tpu.vector_store %arg15[%swap3A_351, %swap3A_352], %min3A_349 {strides = array<i32>} : memref<1x128xi32, #tpu.memory_space<vmem>>, vector<16xi32>,
              %max3A_354 = arith.constant 0 : i32
              %max3A_355 = vector.broadcast %max3A_354 : i32 to vector<16xi32>
              %max3A_356 = arith.maxsi %get3A_343, %max3A_355 : vector<16xi32>
              %min3A_357 = arith.constant 12800 : i32
              %min3A_358 = vector.broadcast %min3A_357 : i32 to vector<16xi32>
              %min3A_359 = arith.minsi %max3A_356, %min3A_358 : vector<16xi32>
              %swap3A_360 = arith.constant 0 : i32
              %swap3A_361 = arith.index_cast %swap3A_360 : i32 to index
              %swap3A_362 = arith.constant 0 : index
              %swap3A_363 = tpu.vector_load %arg16[%swap3A_361, %swap3A_362] {strides = array<i32>} : memref<1x128xi32, #tpu.memory_space<vmem>>, vector<16xi32>,
              tpu.vector_store %arg16[%swap3A_361, %swap3A_362], %min3A_359 {strides = array<i32>} : memref<1x128xi32, #tpu.memory_space<vmem>>, vector<16xi32>,
              %get3A_364 = arith.constant 16 : index
              %get3A_365 = tpu.vector_load %arg13[%get3A_364] {strides = array<i32>} : memref<144xi32, #tpu.memory_space<vmem>>, vector<16xi32>,
              %get3A_366 = arith.constant 16 : index
              %get3A_367 = tpu.vector_load %arg14[%get3A_366] {strides = array<i32>} : memref<144xi32, #tpu.memory_space<vmem>>, vector<16xi32>,
              %max3A_368 = arith.constant 0 : i32
              %max3A_369 = vector.broadcast %max3A_368 : i32 to vector<16xi32>
              %max3A_370 = arith.maxsi %get3A_365, %max3A_369 : vector<16xi32>
              %min3A_371 = arith.constant 319999 : i32
              %min3A_372 = vector.broadcast %min3A_371 : i32 to vector<16xi32>
              %min3A_373 = arith.minsi %max3A_370, %min3A_372 : vector<16xi32>
              %swap3A_374 = arith.constant 0 : i32
              %swap3A_375 = arith.index_cast %swap3A_374 : i32 to index
              %swap3A_376 = arith.constant 16 : index
              %swap3A_377 = tpu.vector_load %arg15[%swap3A_375, %swap3A_376] {strides = array<i32>} : memref<1x128xi32, #tpu.memory_space<vmem>>, vector<16xi32>,
              tpu.vector_store %arg15[%swap3A_375, %swap3A_376], %min3A_373 {strides = array<i32>} : memref<1x128xi32, #tpu.memory_space<vmem>>, vector<16xi32>,
              %max3A_378 = arith.constant 0 : i32
              %max3A_379 = vector.broadcast %max3A_378 : i32 to vector<16xi32>
              %max3A_380 = arith.maxsi %get3A_367, %max3A_379 : vector<16xi32>
              %min3A_381 = arith.constant 12800 : i32
              %min3A_382 = vector.broadcast %min3A_381 : i32 to vector<16xi32>
              %min3A_383 = arith.minsi %max3A_380, %min3A_382 : vector<16xi32>
              %swap3A_384 = arith.constant 0 : i32
              %swap3A_385 = arith.index_cast %swap3A_384 : i32 to index
              %swap3A_386 = arith.constant 16 : index
              %swap3A_387 = tpu.vector_load %arg16[%swap3A_385, %swap3A_386] {strides = array<i32>} : memref<1x128xi32, #tpu.memory_space<vmem>>, vector<16xi32>,
              tpu.vector_store %arg16[%swap3A_385, %swap3A_386], %min3A_383 {strides = array<i32>} : memref<1x128xi32, #tpu.memory_space<vmem>>, vector<16xi32>,
              %get3A_388 = arith.constant 32 : index
              %get3A_389 = tpu.vector_load %arg13[%get3A_388] {strides = array<i32>} : memref<144xi32, #tpu.memory_space<vmem>>, vector<16xi32>,
              %get3A_390 = arith.constant 32 : index
              %get3A_391 = tpu.vector_load %arg14[%get3A_390] {strides = array<i32>} : memref<144xi32, #tpu.memory_space<vmem>>, vector<16xi32>,
              %max3A_392 = arith.constant 0 : i32
              %max3A_393 = vector.broadcast %max3A_392 : i32 to vector<16xi32>
              %max3A_394 = arith.maxsi %get3A_389, %max3A_393 : vector<16xi32>
              %min3A_395 = arith.constant 319999 : i32
              %min3A_396 = vector.broadcast %min3A_395 : i32 to vector<16xi32>
              %min3A_397 = arith.minsi %max3A_394, %min3A_396 : vector<16xi32>
              %swap3A_398 = arith.constant 0 : i32
              %swap3A_399 = arith.index_cast %swap3A_398 : i32 to index
              %swap3A_400 = arith.constant 32 : index
              %swap3A_401 = tpu.vector_load %arg15[%swap3A_399, %swap3A_400] {strides = array<i32>} : memref<1x128xi32, #tpu.memory_space<vmem>>, vector<16xi32>,
              tpu.vector_store %arg15[%swap3A_399, %swap3A_400], %min3A_397 {strides = array<i32>} : memref<1x128xi32, #tpu.memory_space<vmem>>, vector<16xi32>,
              %max3A_402 = arith.constant 0 : i32
              %max3A_403 = vector.broadcast %max3A_402 : i32 to vector<16xi32>
              %max3A_404 = arith.maxsi %get3A_391, %max3A_403 : vector<16xi32>
              %min3A_405 = arith.constant 12800 : i32
              %min3A_406 = vector.broadcast %min3A_405 : i32 to vector<16xi32>
              %min3A_407 = arith.minsi %max3A_404, %min3A_406 : vector<16xi32>
              %swap3A_408 = arith.constant 0 : i32
              %swap3A_409 = arith.index_cast %swap3A_408 : i32 to index
              %swap3A_410 = arith.constant 32 : index
              %swap3A_411 = tpu.vector_load %arg16[%swap3A_409, %swap3A_410] {strides = array<i32>} : memref<1x128xi32, #tpu.memory_space<vmem>>, vector<16xi32>,
              tpu.vector_store %arg16[%swap3A_409, %swap3A_410], %min3A_407 {strides = array<i32>} : memref<1x128xi32, #tpu.memory_space<vmem>>, vector<16xi32>,
              %get3A_412 = arith.constant 48 : index
              %get3A_413 = tpu.vector_load %arg13[%get3A_412] {strides = array<i32>} : memref<144xi32, #tpu.memory_space<vmem>>, vector<16xi32>,
              %get3A_414 = arith.constant 48 : index
              %get3A_415 = tpu.vector_load %arg14[%get3A_414] {strides = array<i32>} : memref<144xi32, #tpu.memory_space<vmem>>, vector<16xi32>,
              %max3A_416 = arith.constant 0 : i32
              %max3A_417 = vector.broadcast %max3A_416 : i32 to vector<16xi32>
              %max3A_418 = arith.maxsi %get3A_413, %max3A_417 : vector<16xi32>
              %min3A_419 = arith.constant 319999 : i32
              %min3A_420 = vector.broadcast %min3A_419 : i32 to vector<16xi32>
              %min3A_421 = arith.minsi %max3A_418, %min3A_420 : vector<16xi32>
              %swap3A_422 = arith.constant 0 : i32
              %swap3A_423 = arith.index_cast %swap3A_422 : i32 to index
              %swap3A_424 = arith.constant 48 : index
              %swap3A_425 = tpu.vector_load %arg15[%swap3A_423, %swap3A_424] {strides = array<i32>} : memref<1x128xi32, #tpu.memory_space<vmem>>, vector<16xi32>,
              tpu.vector_store %arg15[%swap3A_423, %swap3A_424], %min3A_421 {strides = array<i32>} : memref<1x128xi32, #tpu.memory_space<vmem>>, vector<16xi32>,
              %max3A_426 = arith.constant 0 : i32
              %max3A_427 = vector.broadcast %max3A_426 : i32 to vector<16xi32>
              %max3A_428 = arith.maxsi %get3A_415, %max3A_427 : vector<16xi32>
              %min3A_429 = arith.constant 12800 : i32
              %min3A_430 = vector.broadcast %min3A_429 : i32 to vector<16xi32>
              %min3A_431 = arith.minsi %max3A_428, %min3A_430 : vector<16xi32>
              %swap3A_432 = arith.constant 0 : i32
              %swap3A_433 = arith.index_cast %swap3A_432 : i32 to index
              %swap3A_434 = arith.constant 48 : index
              %swap3A_435 = tpu.vector_load %arg16[%swap3A_433, %swap3A_434] {strides = array<i32>} : memref<1x128xi32, #tpu.memory_space<vmem>>, vector<16xi32>,
              tpu.vector_store %arg16[%swap3A_433, %swap3A_434], %min3A_431 {strides = array<i32>} : memref<1x128xi32, #tpu.memory_space<vmem>>, vector<16xi32>,
              %get3A_436 = arith.constant 64 : index
              %get3A_437 = tpu.vector_load %arg13[%get3A_436] {strides = array<i32>} : memref<144xi32, #tpu.memory_space<vmem>>, vector<16xi32>,
              %get3A_438 = arith.constant 64 : index
              %get3A_439 = tpu.vector_load %arg14[%get3A_438] {strides = array<i32>} : memref<144xi32, #tpu.memory_space<vmem>>, vector<16xi32>,
              %max3A_440 = arith.constant 0 : i32
              %max3A_441 = vector.broadcast %max3A_440 : i32 to vector<16xi32>
              %max3A_442 = arith.maxsi %get3A_437, %max3A_441 : vector<16xi32>
              %min3A_443 = arith.constant 319999 : i32
              %min3A_444 = vector.broadcast %min3A_443 : i32 to vector<16xi32>
              %min3A_445 = arith.minsi %max3A_442, %min3A_444 : vector<16xi32>
              %swap3A_446 = arith.constant 0 : i32
              %swap3A_447 = arith.index_cast %swap3A_446 : i32 to index
              %swap3A_448 = arith.constant 64 : index
              %swap3A_449 = tpu.vector_load %arg15[%swap3A_447, %swap3A_448] {strides = array<i32>} : memref<1x128xi32, #tpu.memory_space<vmem>>, vector<16xi32>,
              tpu.vector_store %arg15[%swap3A_447, %swap3A_448], %min3A_445 {strides = array<i32>} : memref<1x128xi32, #tpu.memory_space<vmem>>, vector<16xi32>,
              %max3A_450 = arith.constant 0 : i32
              %max3A_451 = vector.broadcast %max3A_450 : i32 to vector<16xi32>
              %max3A_452 = arith.maxsi %get3A_439, %max3A_451 : vector<16xi32>
              %min3A_453 = arith.constant 12800 : i32
              %min3A_454 = vector.broadcast %min3A_453 : i32 to vector<16xi32>
              %min3A_455 = arith.minsi %max3A_452, %min3A_454 : vector<16xi32>
              %swap3A_456 = arith.constant 0 : i32
              %swap3A_457 = arith.index_cast %swap3A_456 : i32 to index
              %swap3A_458 = arith.constant 64 : index
              %swap3A_459 = tpu.vector_load %arg16[%swap3A_457, %swap3A_458] {strides = array<i32>} : memref<1x128xi32, #tpu.memory_space<vmem>>, vector<16xi32>,
              tpu.vector_store %arg16[%swap3A_457, %swap3A_458], %min3A_455 {strides = array<i32>} : memref<1x128xi32, #tpu.memory_space<vmem>>, vector<16xi32>,
              %get3A_460 = arith.constant 80 : index
              %get3A_461 = tpu.vector_load %arg13[%get3A_460] {strides = array<i32>} : memref<144xi32, #tpu.memory_space<vmem>>, vector<16xi32>,
              %get3A_462 = arith.constant 80 : index
              %get3A_463 = tpu.vector_load %arg14[%get3A_462] {strides = array<i32>} : memref<144xi32, #tpu.memory_space<vmem>>, vector<16xi32>,
              %max3A_464 = arith.constant 0 : i32
              %max3A_465 = vector.broadcast %max3A_464 : i32 to vector<16xi32>
              %max3A_466 = arith.maxsi %get3A_461, %max3A_465 : vector<16xi32>
              %min3A_467 = arith.constant 319999 : i32
              %min3A_468 = vector.broadcast %min3A_467 : i32 to vector<16xi32>
              %min3A_469 = arith.minsi %max3A_466, %min3A_468 : vector<16xi32>
              %swap3A_470 = arith.constant 0 : i32
              %swap3A_471 = arith.index_cast %swap3A_470 : i32 to index
              %swap3A_472 = arith.constant 80 : index
              %swap3A_473 = tpu.vector_load %arg15[%swap3A_471, %swap3A_472] {strides = array<i32>} : memref<1x128xi32, #tpu.memory_space<vmem>>, vector<16xi32>,
              tpu.vector_store %arg15[%swap3A_471, %swap3A_472], %min3A_469 {strides = array<i32>} : memref<1x128xi32, #tpu.memory_space<vmem>>, vector<16xi32>,
              %max3A_474 = arith.constant 0 : i32
              %max3A_475 = vector.broadcast %max3A_474 : i32 to vector<16xi32>
              %max3A_476 = arith.maxsi %get3A_463, %max3A_475 : vector<16xi32>
              %min3A_477 = arith.constant 12800 : i32
              %min3A_478 = vector.broadcast %min3A_477 : i32 to vector<16xi32>
              %min3A_479 = arith.minsi %max3A_476, %min3A_478 : vector<16xi32>
              %swap3A_480 = arith.constant 0 : i32
              %swap3A_481 = arith.index_cast %swap3A_480 : i32 to index
              %swap3A_482 = arith.constant 80 : index
              %swap3A_483 = tpu.vector_load %arg16[%swap3A_481, %swap3A_482] {strides = array<i32>} : memref<1x128xi32, #tpu.memory_space<vmem>>, vector<16xi32>,
              tpu.vector_store %arg16[%swap3A_481, %swap3A_482], %min3A_479 {strides = array<i32>} : memref<1x128xi32, #tpu.memory_space<vmem>>, vector<16xi32>,
              %get3A_484 = arith.constant 96 : index
              %get3A_485 = tpu.vector_load %arg13[%get3A_484] {strides = array<i32>} : memref<144xi32, #tpu.memory_space<vmem>>, vector<16xi32>,
              %get3A_486 = arith.constant 96 : index
              %get3A_487 = tpu.vector_load %arg14[%get3A_486] {strides = array<i32>} : memref<144xi32, #tpu.memory_space<vmem>>, vector<16xi32>,
              %max3A_488 = arith.constant 0 : i32
              %max3A_489 = vector.broadcast %max3A_488 : i32 to vector<16xi32>
              %max3A_490 = arith.maxsi %get3A_485, %max3A_489 : vector<16xi32>
              %min3A_491 = arith.constant 319999 : i32
              %min3A_492 = vector.broadcast %min3A_491 : i32 to vector<16xi32>
              %min3A_493 = arith.minsi %max3A_490, %min3A_492 : vector<16xi32>
              %swap3A_494 = arith.constant 0 : i32
              %swap3A_495 = arith.index_cast %swap3A_494 : i32 to index
              %swap3A_496 = arith.constant 96 : index
              %swap3A_497 = tpu.vector_load %arg15[%swap3A_495, %swap3A_496] {strides = array<i32>} : memref<1x128xi32, #tpu.memory_space<vmem>>, vector<16xi32>,
              tpu.vector_store %arg15[%swap3A_495, %swap3A_496], %min3A_493 {strides = array<i32>} : memref<1x128xi32, #tpu.memory_space<vmem>>, vector<16xi32>,
              %max3A_498 = arith.constant 0 : i32
              %max3A_499 = vector.broadcast %max3A_498 : i32 to vector<16xi32>
              %max3A_500 = arith.maxsi %get3A_487, %max3A_499 : vector<16xi32>
              %min3A_501 = arith.constant 12800 : i32
              %min3A_502 = vector.broadcast %min3A_501 : i32 to vector<16xi32>
              %min3A_503 = arith.minsi %max3A_500, %min3A_502 : vector<16xi32>
              %swap3A_504 = arith.constant 0 : i32
              %swap3A_505 = arith.index_cast %swap3A_504 : i32 to index
              %swap3A_506 = arith.constant 96 : index
              %swap3A_507 = tpu.vector_load %arg16[%swap3A_505, %swap3A_506] {strides = array<i32>} : memref<1x128xi32, #tpu.memory_space<vmem>>, vector<16xi32>,
              tpu.vector_store %arg16[%swap3A_505, %swap3A_506], %min3A_503 {strides = array<i32>} : memref<1x128xi32, #tpu.memory_space<vmem>>, vector<16xi32>,
              %get3A_508 = arith.constant 112 : index
              %get3A_509 = tpu.vector_load %arg13[%get3A_508] {strides = array<i32>} : memref<144xi32, #tpu.memory_space<vmem>>, vector<16xi32>,
              %get3A_510 = arith.constant 112 : index
              %get3A_511 = tpu.vector_load %arg14[%get3A_510] {strides = array<i32>} : memref<144xi32, #tpu.memory_space<vmem>>, vector<16xi32>,
              %max3A_512 = arith.constant 0 : i32
              %max3A_513 = vector.broadcast %max3A_512 : i32 to vector<16xi32>
              %max3A_514 = arith.maxsi %get3A_509, %max3A_513 : vector<16xi32>
              %min3A_515 = arith.constant 319999 : i32
              %min3A_516 = vector.broadcast %min3A_515 : i32 to vector<16xi32>
              %min3A_517 = arith.minsi %max3A_514, %min3A_516 : vector<16xi32>
              %swap3A_518 = arith.constant 0 : i32
              %swap3A_519 = arith.index_cast %swap3A_518 : i32 to index
              %swap3A_520 = arith.constant 112 : index
              %swap3A_521 = tpu.vector_load %arg15[%swap3A_519, %swap3A_520] {strides = array<i32>} : memref<1x128xi32, #tpu.memory_space<vmem>>, vector<16xi32>,
              tpu.vector_store %arg15[%swap3A_519, %swap3A_520], %min3A_517 {strides = array<i32>} : memref<1x128xi32, #tpu.memory_space<vmem>>, vector<16xi32>,
              %max3A_522 = arith.constant 0 : i32
              %max3A_523 = vector.broadcast %max3A_522 : i32 to vector<16xi32>
              %max3A_524 = arith.maxsi %get3A_511, %max3A_523 : vector<16xi32>
              %min3A_525 = arith.constant 12800 : i32
              %min3A_526 = vector.broadcast %min3A_525 : i32 to vector<16xi32>
              %min3A_527 = arith.minsi %max3A_524, %min3A_526 : vector<16xi32>
              %swap3A_528 = arith.constant 0 : i32
              %swap3A_529 = arith.index_cast %swap3A_528 : i32 to index
              %swap3A_530 = arith.constant 112 : index
              %swap3A_531 = tpu.vector_load %arg16[%swap3A_529, %swap3A_530] {strides = array<i32>} : memref<1x128xi32, #tpu.memory_space<vmem>>, vector<16xi32>,
              tpu.vector_store %arg16[%swap3A_529, %swap3A_530], %min3A_527 {strides = array<i32>} : memref<1x128xi32, #tpu.memory_space<vmem>>, vector<16xi32>,
              %add3A_532 = arith.addi %mul3A_24, %scan3A_306 : i32
              "tpu.region"() ({
                %run_scoped3A_589 = tpu.sem_alloc : memref<!tpu.dma_semaphore, #tpu.memory_space<semaphore_mem>>
                %dma_start3A_590 = arith.constant 0 : i32
                %dma_start3A_591 = tpu.memref_slice %arg7[%add3A_532, %dma_start3A_590] : memref<125600x128xi32, #tpu.memory_space<hbm>> -> memref<1x128xi32, #tpu.memory_space<hbm>>
                %dma_start3A_592 = arith.constant 0 : i32
                %dma_start3A_593 = tpu.memref_slice %arg7[%add3A_532, %dma_start3A_592] : memref<125600x128xi32, #tpu.memory_space<hbm>> -> memref<1x128xi32, #tpu.memory_space<hbm>>
                tpu.enqueue_dma source(%arg15 : memref<1x128xi32, #tpu.memory_space<vmem>>) target(%dma_start3A_593 : memref<1x128xi32, #tpu.memory_space<hbm>>) target_semaphore(%run_scoped3A_589 : memref<!tpu.dma_semaphore, #tpu.memory_space<semaphore_mem>>)
                %dma_wait3A_594 = arith.constant 0 : i32
                %dma_wait3A_595 = tpu.memref_slice %arg7[%add3A_532, %dma_wait3A_594] : memref<125600x128xi32, #tpu.memory_space<hbm>> -> memref<1x128xi32, #tpu.memory_space<hbm>>
                %dma_wait3A_596 = arith.constant 0 : i32
                %dma_wait3A_597 = tpu.memref_slice %arg7[%add3A_532, %dma_wait3A_596] : memref<125600x128xi32, #tpu.memory_space<hbm>> -> memref<1x128xi32, #tpu.memory_space<hbm>>
                tpu.wait_dma2 semaphore(%run_scoped3A_589 : memref<!tpu.dma_semaphore, #tpu.memory_space<semaphore_mem>>) src(%arg15 : memref<1x128xi32, #tpu.memory_space<vmem>>) dst(%dma_wait3A_597 : memref<1x128xi32, #tpu.memory_space<hbm>>)
                tpu.yield
              }) : () -> ()
              %add3A_533 = arith.addi %mul3A_24, %scan3A_306 : i32
              "tpu.region"() ({
                %run_scoped3A_589 = tpu.sem_alloc : memref<!tpu.dma_semaphore, #tpu.memory_space<semaphore_mem>>
                %dma_start3A_590 = arith.constant 0 : i32
                %dma_start3A_591 = tpu.memref_slice %arg8[%add3A_533, %dma_start3A_590] : memref<125600x128xi32, #tpu.memory_space<hbm>> -> memref<1x128xi32, #tpu.memory_space<hbm>>
                %dma_start3A_592 = arith.constant 0 : i32
                %dma_start3A_593 = tpu.memref_slice %arg8[%add3A_533, %dma_start3A_592] : memref<125600x128xi32, #tpu.memory_space<hbm>> -> memref<1x128xi32, #tpu.memory_space<hbm>>
                tpu.enqueue_dma source(%arg16 : memref<1x128xi32, #tpu.memory_space<vmem>>) target(%dma_start3A_593 : memref<1x128xi32, #tpu.memory_space<hbm>>) target_semaphore(%run_scoped3A_589 : memref<!tpu.dma_semaphore, #tpu.memory_space<semaphore_mem>>)
                %dma_wait3A_594 = arith.constant 0 : i32
                %dma_wait3A_595 = tpu.memref_slice %arg8[%add3A_533, %dma_wait3A_594] : memref<125600x128xi32, #tpu.memory_space<hbm>> -> memref<1x128xi32, #tpu.memory_space<hbm>>
                %dma_wait3A_596 = arith.constant 0 : i32
                %dma_wait3A_597 = tpu.memref_slice %arg8[%add3A_533, %dma_wait3A_596] : memref<125600x128xi32, #tpu.memory_space<hbm>> -> memref<1x128xi32, #tpu.memory_space<hbm>>
                tpu.wait_dma2 semaphore(%run_scoped3A_589 : memref<!tpu.dma_semaphore, #tpu.memory_space<semaphore_mem>>) src(%arg16 : memref<1x128xi32, #tpu.memory_space<vmem>>) dst(%dma_wait3A_597 : memref<1x128xi32, #tpu.memory_space<hbm>>)
                tpu.yield
              }) : () -> ()
              %dma_start3A_534 = arith.constant 0 : i32
              %dma_start3A_535 = arith.constant 0 : i32
              %dma_start3A_536 = tpu.memref_slice %arg15[%dma_start3A_534, %dma_start3A_535] : memref<1x128xi32, #tpu.memory_space<vmem>> -> memref<1x128xi32, #tpu.memory_space<vmem>>
              %dma_start3A_537 = tpu.memref_squeeze %dma_start3A_536 : memref<1x128xi32, #tpu.memory_space<vmem>> -> memref<128xi32, #tpu.memory_space<vmem>>
              %dma_start3A_538 = arith.constant 0 : i32
              %dma_start3A_539 = arith.constant 0 : i32
              %dma_start3A_540 = tpu.memref_slice %arg2[%dma_start3A_538, %dma_start3A_539] : memref<320000x128xf32, #tpu.memory_space<hbm>> -> memref<320000x128xf32, #tpu.memory_space<hbm>>
              tpu.enqueue_indirect_dma source(%dma_start3A_540 : memref<320000x128xf32, #tpu.memory_space<hbm>>) target(%arg17 : memref<128x128xf32, #tpu.memory_space<vmem>>) offsets(%dma_start3A_537 : memref<128xi32, #tpu.memory_space<vmem>>) semaphore(%arg19 : memref<!tpu.dma_semaphore, #tpu.memory_space<semaphore_mem>>)
              %dma_wait3A_541 = arith.constant 0 : i32
              %dma_wait3A_542 = arith.constant 0 : i32
              %dma_wait3A_543 = tpu.memref_slice %arg15[%dma_wait3A_541, %dma_wait3A_542] : memref<1x128xi32, #tpu.memory_space<vmem>> -> memref<1x128xi32, #tpu.memory_space<vmem>>
              %dma_wait3A_544 = tpu.memref_squeeze %dma_wait3A_543 : memref<1x128xi32, #tpu.memory_space<vmem>> -> memref<128xi32, #tpu.memory_space<vmem>>
              %dma_wait3A_545 = arith.constant 0 : i32
              %dma_wait3A_546 = arith.constant 0 : i32
              %dma_wait3A_547 = tpu.memref_slice %arg2[%dma_wait3A_545, %dma_wait3A_546] : memref<320000x128xf32, #tpu.memory_space<hbm>> -> memref<320000x128xf32, #tpu.memory_space<hbm>>
              tpu.wait_indirect_dma semaphore(%arg19 : memref<!tpu.dma_semaphore, #tpu.memory_space<semaphore_mem>>) src(%dma_wait3A_547 : memref<320000x128xf32, #tpu.memory_space<hbm>>) dst(%arg17 : memref<128x128xf32, #tpu.memory_space<vmem>>)
              %run_scoped3A_548 = arith.constant 0 : i32
              "tpu.region"() ({
                %run_scoped3A_589 = tpu.sem_alloc : memref<!tpu.dma_semaphore, #tpu.memory_space<semaphore_mem>>
                %dma_start3A_590 = arith.constant 0 : i32
                %dma_start3A_591 = tpu.memref_slice %arg16[%run_scoped3A_548, %dma_start3A_590] : memref<1x128xi32, #tpu.memory_space<vmem>> -> memref<1x128xi32, #tpu.memory_space<vmem>>
                %dma_start3A_592 = tpu.memref_squeeze %dma_start3A_591 : memref<1x128xi32, #tpu.memory_space<vmem>> -> memref<128xi32, #tpu.memory_space<vmem>>
                %dma_start3A_593 = arith.constant 0 : i32
                %dma_start3A_594 = arith.constant 0 : i32
                %dma_start3A_595 = tpu.memref_slice %arg10[%dma_start3A_593, %dma_start3A_594] : memref<12808x128xf32, #tpu.memory_space<vmem_shared>> -> memref<12808x128xf32, #tpu.memory_space<vmem_shared>>
                tpu.enqueue_indirect_dma source(%arg17 : memref<128x128xf32, #tpu.memory_space<vmem>>) target(%dma_start3A_595 : memref<12808x128xf32, #tpu.memory_space<vmem_shared>>) offsets(%dma_start3A_592 : memref<128xi32, #tpu.memory_space<vmem>>) semaphore(%run_scoped3A_589 : memref<!tpu.dma_semaphore, #tpu.memory_space<semaphore_mem>>) {add = true}
                %dma_wait3A_596 = arith.constant 0 : i32
                %dma_wait3A_597 = tpu.memref_slice %arg16[%run_scoped3A_548, %dma_wait3A_596] : memref<1x128xi32, #tpu.memory_space<vmem>> -> memref<1x128xi32, #tpu.memory_space<vmem>>
                %dma_wait3A_598 = tpu.memref_squeeze %dma_wait3A_597 : memref<1x128xi32, #tpu.memory_space<vmem>> -> memref<128xi32, #tpu.memory_space<vmem>>
                %dma_wait3A_599 = arith.constant 0 : i32
                %dma_wait3A_600 = arith.constant 0 : i32
                %dma_wait3A_601 = tpu.memref_slice %arg10[%dma_wait3A_599, %dma_wait3A_600] : memref<12808x128xf32, #tpu.memory_space<vmem_shared>> -> memref<12808x128xf32, #tpu.memory_space<vmem_shared>>
                tpu.wait_indirect_dma semaphore(%run_scoped3A_589 : memref<!tpu.dma_semaphore, #tpu.memory_space<semaphore_mem>>) src(%arg17 : memref<128x128xf32, #tpu.memory_space<vmem>>) dst(%dma_wait3A_601 : memref<12808x128xf32, #tpu.memory_space<vmem_shared>>)
                tpu.yield
              }) : () -> ()
              %get3A_549 = arith.constant 128 : index
              %get3A_550 = tpu.vector_load %arg13[%get3A_549] {strides = array<i32>} : memref<144xi32, #tpu.memory_space<vmem>>, vector<16xi32>,
              %get3A_551 = arith.constant 128 : index
              %get3A_552 = tpu.vector_load %arg14[%get3A_551] {strides = array<i32>} : memref<144xi32, #tpu.memory_space<vmem>>, vector<16xi32>,
              %swap3A_553 = arith.constant 0 : index
              %swap3A_554 = tpu.vector_load %arg13[%swap3A_553] {strides = array<i32>} : memref<144xi32, #tpu.memory_space<vmem>>, vector<16xi32>,
              tpu.vector_store %arg13[%swap3A_553], %get3A_550 {strides = array<i32>} : memref<144xi32, #tpu.memory_space<vmem>>, vector<16xi32>,
              %swap3A_555 = arith.constant 0 : index
              %swap3A_556 = tpu.vector_load %arg14[%swap3A_555] {strides = array<i32>} : memref<144xi32, #tpu.memory_space<vmem>>, vector<16xi32>,
              tpu.vector_store %arg14[%swap3A_555], %get3A_552 {strides = array<i32>} : memref<144xi32, #tpu.memory_space<vmem>>, vector<16xi32>,
              %swap3A_557 = arith.constant 16 : index
              %swap3A_558 = tpu.vector_load %arg13[%swap3A_557] {strides = array<i32>} : memref<144xi32, #tpu.memory_space<vmem>>, vector<16xi32>,
              tpu.vector_store %arg13[%swap3A_557], %broadcast_in_dim3A_0 {strides = array<i32>} : memref<144xi32, #tpu.memory_space<vmem>>, vector<16xi32>,
              %swap3A_559 = arith.constant 16 : index
              %swap3A_560 = tpu.vector_load %arg14[%swap3A_559] {strides = array<i32>} : memref<144xi32, #tpu.memory_space<vmem>>, vector<16xi32>,
              tpu.vector_store %arg14[%swap3A_559], %broadcast_in_dim3A_2 {strides = array<i32>} : memref<144xi32, #tpu.memory_space<vmem>>, vector<16xi32>,
              %swap3A_561 = arith.constant 32 : index
              %swap3A_562 = tpu.vector_load %arg13[%swap3A_561] {strides = array<i32>} : memref<144xi32, #tpu.memory_space<vmem>>, vector<16xi32>,
              tpu.vector_store %arg13[%swap3A_561], %broadcast_in_dim3A_0 {strides = array<i32>} : memref<144xi32, #tpu.memory_space<vmem>>, vector<16xi32>,
              %swap3A_563 = arith.constant 32 : index
              %swap3A_564 = tpu.vector_load %arg14[%swap3A_563] {strides = array<i32>} : memref<144xi32, #tpu.memory_space<vmem>>, vector<16xi32>,
              tpu.vector_store %arg14[%swap3A_563], %broadcast_in_dim3A_2 {strides = array<i32>} : memref<144xi32, #tpu.memory_space<vmem>>, vector<16xi32>,
              %swap3A_565 = arith.constant 48 : index
              %swap3A_566 = tpu.vector_load %arg13[%swap3A_565] {strides = array<i32>} : memref<144xi32, #tpu.memory_space<vmem>>, vector<16xi32>,
              tpu.vector_store %arg13[%swap3A_565], %broadcast_in_dim3A_0 {strides = array<i32>} : memref<144xi32, #tpu.memory_space<vmem>>, vector<16xi32>,
              %swap3A_567 = arith.constant 48 : index
              %swap3A_568 = tpu.vector_load %arg14[%swap3A_567] {strides = array<i32>} : memref<144xi32, #tpu.memory_space<vmem>>, vector<16xi32>,
              tpu.vector_store %arg14[%swap3A_567], %broadcast_in_dim3A_2 {strides = array<i32>} : memref<144xi32, #tpu.memory_space<vmem>>, vector<16xi32>,
              %swap3A_569 = arith.constant 64 : index
              %swap3A_570 = tpu.vector_load %arg13[%swap3A_569] {strides = array<i32>} : memref<144xi32, #tpu.memory_space<vmem>>, vector<16xi32>,
              tpu.vector_store %arg13[%swap3A_569], %broadcast_in_dim3A_0 {strides = array<i32>} : memref<144xi32, #tpu.memory_space<vmem>>, vector<16xi32>,
              %swap3A_571 = arith.constant 64 : index
              %swap3A_572 = tpu.vector_load %arg14[%swap3A_571] {strides = array<i32>} : memref<144xi32, #tpu.memory_space<vmem>>, vector<16xi32>,
              tpu.vector_store %arg14[%swap3A_571], %broadcast_in_dim3A_2 {strides = array<i32>} : memref<144xi32, #tpu.memory_space<vmem>>, vector<16xi32>,
              %swap3A_573 = arith.constant 80 : index
              %swap3A_574 = tpu.vector_load %arg13[%swap3A_573] {strides = array<i32>} : memref<144xi32, #tpu.memory_space<vmem>>, vector<16xi32>,
              tpu.vector_store %arg13[%swap3A_573], %broadcast_in_dim3A_0 {strides = array<i32>} : memref<144xi32, #tpu.memory_space<vmem>>, vector<16xi32>,
              %swap3A_575 = arith.constant 80 : index
              %swap3A_576 = tpu.vector_load %arg14[%swap3A_575] {strides = array<i32>} : memref<144xi32, #tpu.memory_space<vmem>>, vector<16xi32>,
              tpu.vector_store %arg14[%swap3A_575], %broadcast_in_dim3A_2 {strides = array<i32>} : memref<144xi32, #tpu.memory_space<vmem>>, vector<16xi32>,
              %swap3A_577 = arith.constant 96 : index
              %swap3A_578 = tpu.vector_load %arg13[%swap3A_577] {strides = array<i32>} : memref<144xi32, #tpu.memory_space<vmem>>, vector<16xi32>,
              tpu.vector_store %arg13[%swap3A_577], %broadcast_in_dim3A_0 {strides = array<i32>} : memref<144xi32, #tpu.memory_space<vmem>>, vector<16xi32>,
              %swap3A_579 = arith.constant 96 : index
              %swap3A_580 = tpu.vector_load %arg14[%swap3A_579] {strides = array<i32>} : memref<144xi32, #tpu.memory_space<vmem>>, vector<16xi32>,
              tpu.vector_store %arg14[%swap3A_579], %broadcast_in_dim3A_2 {strides = array<i32>} : memref<144xi32, #tpu.memory_space<vmem>>, vector<16xi32>,
              %swap3A_581 = arith.constant 112 : index
              %swap3A_582 = tpu.vector_load %arg13[%swap3A_581] {strides = array<i32>} : memref<144xi32, #tpu.memory_space<vmem>>, vector<16xi32>,
              tpu.vector_store %arg13[%swap3A_581], %broadcast_in_dim3A_0 {strides = array<i32>} : memref<144xi32, #tpu.memory_space<vmem>>, vector<16xi32>,
              %swap3A_583 = arith.constant 112 : index
              %swap3A_584 = tpu.vector_load %arg14[%swap3A_583] {strides = array<i32>} : memref<144xi32, #tpu.memory_space<vmem>>, vector<16xi32>,
              tpu.vector_store %arg14[%swap3A_583], %broadcast_in_dim3A_2 {strides = array<i32>} : memref<144xi32, #tpu.memory_space<vmem>>, vector<16xi32>,
              %swap3A_585 = arith.constant 128 : index
              %swap3A_586 = tpu.vector_load %arg13[%swap3A_585] {strides = array<i32>} : memref<144xi32, #tpu.memory_space<vmem>>, vector<16xi32>,
              tpu.vector_store %arg13[%swap3A_585], %broadcast_in_dim3A_0 {strides = array<i32>} : memref<144xi32, #tpu.memory_space<vmem>>, vector<16xi32>,
              %swap3A_587 = arith.constant 128 : index
              %swap3A_588 = tpu.vector_load %arg14[%swap3A_587] {strides = array<i32>} : memref<144xi32, #tpu.memory_space<vmem>>, vector<16xi32>,
              tpu.vector_store %arg14[%swap3A_587], %broadcast_in_dim3A_2 {strides = array<i32>} : memref<144xi32, #tpu.memory_space<vmem>>, vector<16xi32>,
            } else {
            }
            %sub3A_335 = arith.constant 128 : i32
            %sub3A_336 = arith.subi %add3A_329, %sub3A_335 : i32
            %select_n3A = arith.select %ge3A_331, %sub3A_336, %add3A_329 : i32
            %add3A_337 = arith.constant 1 : i32
            %add3A_338 = arith.addi %scan3A_306, %add3A_337 : i32
            %select_n3A_339 = arith.select %ge3A_331, %add3A_338, %scan3A_306 : i32
            scf.yield %select_n3A, %select_n3A_339 : i32, i32
          }
          %scan3A_303 = arith.constant 125 : i32
          scf.yield %scan3A_302#0, %scan3A_302#1 : i32, i32
        }
        %scan3A_69 = arith.constant 20 : i32
        %get3A = arith.constant 0 : index
        %get3A_70 = tpu.vector_load %arg13[%get3A] {strides = array<i32>} : memref<144xi32, #tpu.memory_space<vmem>>, vector<16xi32>,
        %get3A_71 = arith.constant 0 : index
        %get3A_72 = tpu.vector_load %arg14[%get3A_71] {strides = array<i32>} : memref<144xi32, #tpu.memory_space<vmem>>, vector<16xi32>,
        %max3A = arith.constant 0 : i32
        %max3A_73 = vector.broadcast %max3A : i32 to vector<16xi32>
        %max3A_74 = arith.maxsi %get3A_70, %max3A_73 : vector<16xi32>
        %min3A = arith.constant 319999 : i32
        %min3A_75 = vector.broadcast %min3A : i32 to vector<16xi32>
        %min3A_76 = arith.minsi %max3A_74, %min3A_75 : vector<16xi32>
        %swap3A_77 = arith.constant 0 : i32
        %swap3A_78 = arith.index_cast %swap3A_77 : i32 to index
        %swap3A_79 = arith.constant 0 : index
        %swap3A_80 = tpu.vector_load %arg15[%swap3A_78, %swap3A_79] {strides = array<i32>} : memref<1x128xi32, #tpu.memory_space<vmem>>, vector<16xi32>,
        tpu.vector_store %arg15[%swap3A_78, %swap3A_79], %min3A_76 {strides = array<i32>} : memref<1x128xi32, #tpu.memory_space<vmem>>, vector<16xi32>,
        %max3A_81 = arith.constant 0 : i32
        %max3A_82 = vector.broadcast %max3A_81 : i32 to vector<16xi32>
        %max3A_83 = arith.maxsi %get3A_72, %max3A_82 : vector<16xi32>
        %min3A_84 = arith.constant 12800 : i32
        %min3A_85 = vector.broadcast %min3A_84 : i32 to vector<16xi32>
        %min3A_86 = arith.minsi %max3A_83, %min3A_85 : vector<16xi32>
        %swap3A_87 = arith.constant 0 : i32
        %swap3A_88 = arith.index_cast %swap3A_87 : i32 to index
        %swap3A_89 = arith.constant 0 : index
        %swap3A_90 = tpu.vector_load %arg16[%swap3A_88, %swap3A_89] {strides = array<i32>} : memref<1x128xi32, #tpu.memory_space<vmem>>, vector<16xi32>,
        tpu.vector_store %arg16[%swap3A_88, %swap3A_89], %min3A_86 {strides = array<i32>} : memref<1x128xi32, #tpu.memory_space<vmem>>, vector<16xi32>,
        %get3A_91 = arith.constant 16 : index
        %get3A_92 = tpu.vector_load %arg13[%get3A_91] {strides = array<i32>} : memref<144xi32, #tpu.memory_space<vmem>>, vector<16xi32>,
        %get3A_93 = arith.constant 16 : index
        %get3A_94 = tpu.vector_load %arg14[%get3A_93] {strides = array<i32>} : memref<144xi32, #tpu.memory_space<vmem>>, vector<16xi32>,
        %max3A_95 = arith.constant 0 : i32
        %max3A_96 = vector.broadcast %max3A_95 : i32 to vector<16xi32>
        %max3A_97 = arith.maxsi %get3A_92, %max3A_96 : vector<16xi32>
        %min3A_98 = arith.constant 319999 : i32
        %min3A_99 = vector.broadcast %min3A_98 : i32 to vector<16xi32>
        %min3A_100 = arith.minsi %max3A_97, %min3A_99 : vector<16xi32>
        %swap3A_101 = arith.constant 0 : i32
        %swap3A_102 = arith.index_cast %swap3A_101 : i32 to index
        %swap3A_103 = arith.constant 16 : index
        %swap3A_104 = tpu.vector_load %arg15[%swap3A_102, %swap3A_103] {strides = array<i32>} : memref<1x128xi32, #tpu.memory_space<vmem>>, vector<16xi32>,
        tpu.vector_store %arg15[%swap3A_102, %swap3A_103], %min3A_100 {strides = array<i32>} : memref<1x128xi32, #tpu.memory_space<vmem>>, vector<16xi32>,
        %max3A_105 = arith.constant 0 : i32
        %max3A_106 = vector.broadcast %max3A_105 : i32 to vector<16xi32>
        %max3A_107 = arith.maxsi %get3A_94, %max3A_106 : vector<16xi32>
        %min3A_108 = arith.constant 12800 : i32
        %min3A_109 = vector.broadcast %min3A_108 : i32 to vector<16xi32>
        %min3A_110 = arith.minsi %max3A_107, %min3A_109 : vector<16xi32>
        %swap3A_111 = arith.constant 0 : i32
        %swap3A_112 = arith.index_cast %swap3A_111 : i32 to index
        %swap3A_113 = arith.constant 16 : index
        %swap3A_114 = tpu.vector_load %arg16[%swap3A_112, %swap3A_113] {strides = array<i32>} : memref<1x128xi32, #tpu.memory_space<vmem>>, vector<16xi32>,
        tpu.vector_store %arg16[%swap3A_112, %swap3A_113], %min3A_110 {strides = array<i32>} : memref<1x128xi32, #tpu.memory_space<vmem>>, vector<16xi32>,
        %get3A_115 = arith.constant 32 : index
        %get3A_116 = tpu.vector_load %arg13[%get3A_115] {strides = array<i32>} : memref<144xi32, #tpu.memory_space<vmem>>, vector<16xi32>,
        %get3A_117 = arith.constant 32 : index
        %get3A_118 = tpu.vector_load %arg14[%get3A_117] {strides = array<i32>} : memref<144xi32, #tpu.memory_space<vmem>>, vector<16xi32>,
        %max3A_119 = arith.constant 0 : i32
        %max3A_120 = vector.broadcast %max3A_119 : i32 to vector<16xi32>
        %max3A_121 = arith.maxsi %get3A_116, %max3A_120 : vector<16xi32>
        %min3A_122 = arith.constant 319999 : i32
        %min3A_123 = vector.broadcast %min3A_122 : i32 to vector<16xi32>
        %min3A_124 = arith.minsi %max3A_121, %min3A_123 : vector<16xi32>
        %swap3A_125 = arith.constant 0 : i32
        %swap3A_126 = arith.index_cast %swap3A_125 : i32 to index
        %swap3A_127 = arith.constant 32 : index
        %swap3A_128 = tpu.vector_load %arg15[%swap3A_126, %swap3A_127] {strides = array<i32>} : memref<1x128xi32, #tpu.memory_space<vmem>>, vector<16xi32>,
        tpu.vector_store %arg15[%swap3A_126, %swap3A_127], %min3A_124 {strides = array<i32>} : memref<1x128xi32, #tpu.memory_space<vmem>>, vector<16xi32>,
        %max3A_129 = arith.constant 0 : i32
        %max3A_130 = vector.broadcast %max3A_129 : i32 to vector<16xi32>
        %max3A_131 = arith.maxsi %get3A_118, %max3A_130 : vector<16xi32>
        %min3A_132 = arith.constant 12800 : i32
        %min3A_133 = vector.broadcast %min3A_132 : i32 to vector<16xi32>
        %min3A_134 = arith.minsi %max3A_131, %min3A_133 : vector<16xi32>
        %swap3A_135 = arith.constant 0 : i32
        %swap3A_136 = arith.index_cast %swap3A_135 : i32 to index
        %swap3A_137 = arith.constant 32 : index
        %swap3A_138 = tpu.vector_load %arg16[%swap3A_136, %swap3A_137] {strides = array<i32>} : memref<1x128xi32, #tpu.memory_space<vmem>>, vector<16xi32>,
        tpu.vector_store %arg16[%swap3A_136, %swap3A_137], %min3A_134 {strides = array<i32>} : memref<1x128xi32, #tpu.memory_space<vmem>>, vector<16xi32>,
        %get3A_139 = arith.constant 48 : index
        %get3A_140 = tpu.vector_load %arg13[%get3A_139] {strides = array<i32>} : memref<144xi32, #tpu.memory_space<vmem>>, vector<16xi32>,
        %get3A_141 = arith.constant 48 : index
        %get3A_142 = tpu.vector_load %arg14[%get3A_141] {strides = array<i32>} : memref<144xi32, #tpu.memory_space<vmem>>, vector<16xi32>,
        %max3A_143 = arith.constant 0 : i32
        %max3A_144 = vector.broadcast %max3A_143 : i32 to vector<16xi32>
        %max3A_145 = arith.maxsi %get3A_140, %max3A_144 : vector<16xi32>
        %min3A_146 = arith.constant 319999 : i32
        %min3A_147 = vector.broadcast %min3A_146 : i32 to vector<16xi32>
        %min3A_148 = arith.minsi %max3A_145, %min3A_147 : vector<16xi32>
        %swap3A_149 = arith.constant 0 : i32
        %swap3A_150 = arith.index_cast %swap3A_149 : i32 to index
        %swap3A_151 = arith.constant 48 : index
        %swap3A_152 = tpu.vector_load %arg15[%swap3A_150, %swap3A_151] {strides = array<i32>} : memref<1x128xi32, #tpu.memory_space<vmem>>, vector<16xi32>,
        tpu.vector_store %arg15[%swap3A_150, %swap3A_151], %min3A_148 {strides = array<i32>} : memref<1x128xi32, #tpu.memory_space<vmem>>, vector<16xi32>,
        %max3A_153 = arith.constant 0 : i32
        %max3A_154 = vector.broadcast %max3A_153 : i32 to vector<16xi32>
        %max3A_155 = arith.maxsi %get3A_142, %max3A_154 : vector<16xi32>
        %min3A_156 = arith.constant 12800 : i32
        %min3A_157 = vector.broadcast %min3A_156 : i32 to vector<16xi32>
        %min3A_158 = arith.minsi %max3A_155, %min3A_157 : vector<16xi32>
        %swap3A_159 = arith.constant 0 : i32
        %swap3A_160 = arith.index_cast %swap3A_159 : i32 to index
        %swap3A_161 = arith.constant 48 : index
        %swap3A_162 = tpu.vector_load %arg16[%swap3A_160, %swap3A_161] {strides = array<i32>} : memref<1x128xi32, #tpu.memory_space<vmem>>, vector<16xi32>,
        tpu.vector_store %arg16[%swap3A_160, %swap3A_161], %min3A_158 {strides = array<i32>} : memref<1x128xi32, #tpu.memory_space<vmem>>, vector<16xi32>,
        %get3A_163 = arith.constant 64 : index
        %get3A_164 = tpu.vector_load %arg13[%get3A_163] {strides = array<i32>} : memref<144xi32, #tpu.memory_space<vmem>>, vector<16xi32>,
        %get3A_165 = arith.constant 64 : index
        %get3A_166 = tpu.vector_load %arg14[%get3A_165] {strides = array<i32>} : memref<144xi32, #tpu.memory_space<vmem>>, vector<16xi32>,
        %max3A_167 = arith.constant 0 : i32
        %max3A_168 = vector.broadcast %max3A_167 : i32 to vector<16xi32>
        %max3A_169 = arith.maxsi %get3A_164, %max3A_168 : vector<16xi32>
        %min3A_170 = arith.constant 319999 : i32
        %min3A_171 = vector.broadcast %min3A_170 : i32 to vector<16xi32>
        %min3A_172 = arith.minsi %max3A_169, %min3A_171 : vector<16xi32>
        %swap3A_173 = arith.constant 0 : i32
        %swap3A_174 = arith.index_cast %swap3A_173 : i32 to index
        %swap3A_175 = arith.constant 64 : index
        %swap3A_176 = tpu.vector_load %arg15[%swap3A_174, %swap3A_175] {strides = array<i32>} : memref<1x128xi32, #tpu.memory_space<vmem>>, vector<16xi32>,
        tpu.vector_store %arg15[%swap3A_174, %swap3A_175], %min3A_172 {strides = array<i32>} : memref<1x128xi32, #tpu.memory_space<vmem>>, vector<16xi32>,
        %max3A_177 = arith.constant 0 : i32
        %max3A_178 = vector.broadcast %max3A_177 : i32 to vector<16xi32>
        %max3A_179 = arith.maxsi %get3A_166, %max3A_178 : vector<16xi32>
        %min3A_180 = arith.constant 12800 : i32
        %min3A_181 = vector.broadcast %min3A_180 : i32 to vector<16xi32>
        %min3A_182 = arith.minsi %max3A_179, %min3A_181 : vector<16xi32>
        %swap3A_183 = arith.constant 0 : i32
        %swap3A_184 = arith.index_cast %swap3A_183 : i32 to index
        %swap3A_185 = arith.constant 64 : index
        %swap3A_186 = tpu.vector_load %arg16[%swap3A_184, %swap3A_185] {strides = array<i32>} : memref<1x128xi32, #tpu.memory_space<vmem>>, vector<16xi32>,
        tpu.vector_store %arg16[%swap3A_184, %swap3A_185], %min3A_182 {strides = array<i32>} : memref<1x128xi32, #tpu.memory_space<vmem>>, vector<16xi32>,
        %get3A_187 = arith.constant 80 : index
        %get3A_188 = tpu.vector_load %arg13[%get3A_187] {strides = array<i32>} : memref<144xi32, #tpu.memory_space<vmem>>, vector<16xi32>,
        %get3A_189 = arith.constant 80 : index
        %get3A_190 = tpu.vector_load %arg14[%get3A_189] {strides = array<i32>} : memref<144xi32, #tpu.memory_space<vmem>>, vector<16xi32>,
        %max3A_191 = arith.constant 0 : i32
        %max3A_192 = vector.broadcast %max3A_191 : i32 to vector<16xi32>
        %max3A_193 = arith.maxsi %get3A_188, %max3A_192 : vector<16xi32>
        %min3A_194 = arith.constant 319999 : i32
        %min3A_195 = vector.broadcast %min3A_194 : i32 to vector<16xi32>
        %min3A_196 = arith.minsi %max3A_193, %min3A_195 : vector<16xi32>
        %swap3A_197 = arith.constant 0 : i32
        %swap3A_198 = arith.index_cast %swap3A_197 : i32 to index
        %swap3A_199 = arith.constant 80 : index
        %swap3A_200 = tpu.vector_load %arg15[%swap3A_198, %swap3A_199] {strides = array<i32>} : memref<1x128xi32, #tpu.memory_space<vmem>>, vector<16xi32>,
        tpu.vector_store %arg15[%swap3A_198, %swap3A_199], %min3A_196 {strides = array<i32>} : memref<1x128xi32, #tpu.memory_space<vmem>>, vector<16xi32>,
        %max3A_201 = arith.constant 0 : i32
        %max3A_202 = vector.broadcast %max3A_201 : i32 to vector<16xi32>
        %max3A_203 = arith.maxsi %get3A_190, %max3A_202 : vector<16xi32>
        %min3A_204 = arith.constant 12800 : i32
        %min3A_205 = vector.broadcast %min3A_204 : i32 to vector<16xi32>
        %min3A_206 = arith.minsi %max3A_203, %min3A_205 : vector<16xi32>
        %swap3A_207 = arith.constant 0 : i32
        %swap3A_208 = arith.index_cast %swap3A_207 : i32 to index
        %swap3A_209 = arith.constant 80 : index
        %swap3A_210 = tpu.vector_load %arg16[%swap3A_208, %swap3A_209] {strides = array<i32>} : memref<1x128xi32, #tpu.memory_space<vmem>>, vector<16xi32>,
        tpu.vector_store %arg16[%swap3A_208, %swap3A_209], %min3A_206 {strides = array<i32>} : memref<1x128xi32, #tpu.memory_space<vmem>>, vector<16xi32>,
        %get3A_211 = arith.constant 96 : index
        %get3A_212 = tpu.vector_load %arg13[%get3A_211] {strides = array<i32>} : memref<144xi32, #tpu.memory_space<vmem>>, vector<16xi32>,
        %get3A_213 = arith.constant 96 : index
        %get3A_214 = tpu.vector_load %arg14[%get3A_213] {strides = array<i32>} : memref<144xi32, #tpu.memory_space<vmem>>, vector<16xi32>,
        %max3A_215 = arith.constant 0 : i32
        %max3A_216 = vector.broadcast %max3A_215 : i32 to vector<16xi32>
        %max3A_217 = arith.maxsi %get3A_212, %max3A_216 : vector<16xi32>
        %min3A_218 = arith.constant 319999 : i32
        %min3A_219 = vector.broadcast %min3A_218 : i32 to vector<16xi32>
        %min3A_220 = arith.minsi %max3A_217, %min3A_219 : vector<16xi32>
        %swap3A_221 = arith.constant 0 : i32
        %swap3A_222 = arith.index_cast %swap3A_221 : i32 to index
        %swap3A_223 = arith.constant 96 : index
        %swap3A_224 = tpu.vector_load %arg15[%swap3A_222, %swap3A_223] {strides = array<i32>} : memref<1x128xi32, #tpu.memory_space<vmem>>, vector<16xi32>,
        tpu.vector_store %arg15[%swap3A_222, %swap3A_223], %min3A_220 {strides = array<i32>} : memref<1x128xi32, #tpu.memory_space<vmem>>, vector<16xi32>,
        %max3A_225 = arith.constant 0 : i32
        %max3A_226 = vector.broadcast %max3A_225 : i32 to vector<16xi32>
        %max3A_227 = arith.maxsi %get3A_214, %max3A_226 : vector<16xi32>
        %min3A_228 = arith.constant 12800 : i32
        %min3A_229 = vector.broadcast %min3A_228 : i32 to vector<16xi32>
        %min3A_230 = arith.minsi %max3A_227, %min3A_229 : vector<16xi32>
        %swap3A_231 = arith.constant 0 : i32
        %swap3A_232 = arith.index_cast %swap3A_231 : i32 to index
        %swap3A_233 = arith.constant 96 : index
        %swap3A_234 = tpu.vector_load %arg16[%swap3A_232, %swap3A_233] {strides = array<i32>} : memref<1x128xi32, #tpu.memory_space<vmem>>, vector<16xi32>,
        tpu.vector_store %arg16[%swap3A_232, %swap3A_233], %min3A_230 {strides = array<i32>} : memref<1x128xi32, #tpu.memory_space<vmem>>, vector<16xi32>,
        %get3A_235 = arith.constant 112 : index
        %get3A_236 = tpu.vector_load %arg13[%get3A_235] {strides = array<i32>} : memref<144xi32, #tpu.memory_space<vmem>>, vector<16xi32>,
        %get3A_237 = arith.constant 112 : index
        %get3A_238 = tpu.vector_load %arg14[%get3A_237] {strides = array<i32>} : memref<144xi32, #tpu.memory_space<vmem>>, vector<16xi32>,
        %max3A_239 = arith.constant 0 : i32
        %max3A_240 = vector.broadcast %max3A_239 : i32 to vector<16xi32>
        %max3A_241 = arith.maxsi %get3A_236, %max3A_240 : vector<16xi32>
        %min3A_242 = arith.constant 319999 : i32
        %min3A_243 = vector.broadcast %min3A_242 : i32 to vector<16xi32>
        %min3A_244 = arith.minsi %max3A_241, %min3A_243 : vector<16xi32>
        %swap3A_245 = arith.constant 0 : i32
        %swap3A_246 = arith.index_cast %swap3A_245 : i32 to index
        %swap3A_247 = arith.constant 112 : index
        %swap3A_248 = tpu.vector_load %arg15[%swap3A_246, %swap3A_247] {strides = array<i32>} : memref<1x128xi32, #tpu.memory_space<vmem>>, vector<16xi32>,
        tpu.vector_store %arg15[%swap3A_246, %swap3A_247], %min3A_244 {strides = array<i32>} : memref<1x128xi32, #tpu.memory_space<vmem>>, vector<16xi32>,
        %max3A_249 = arith.constant 0 : i32
        %max3A_250 = vector.broadcast %max3A_249 : i32 to vector<16xi32>
        %max3A_251 = arith.maxsi %get3A_238, %max3A_250 : vector<16xi32>
        %min3A_252 = arith.constant 12800 : i32
        %min3A_253 = vector.broadcast %min3A_252 : i32 to vector<16xi32>
        %min3A_254 = arith.minsi %max3A_251, %min3A_253 : vector<16xi32>
        %swap3A_255 = arith.constant 0 : i32
        %swap3A_256 = arith.index_cast %swap3A_255 : i32 to index
        %swap3A_257 = arith.constant 112 : index
        %swap3A_258 = tpu.vector_load %arg16[%swap3A_256, %swap3A_257] {strides = array<i32>} : memref<1x128xi32, #tpu.memory_space<vmem>>, vector<16xi32>,
        tpu.vector_store %arg16[%swap3A_256, %swap3A_257], %min3A_254 {strides = array<i32>} : memref<1x128xi32, #tpu.memory_space<vmem>>, vector<16xi32>,
        %add3A_259 = arith.addi %mul3A_24, %scan3A_68#1 : i32
        "tpu.region"() ({
          %run_scoped3A_290 = tpu.sem_alloc : memref<!tpu.dma_semaphore, #tpu.memory_space<semaphore_mem>>
          %dma_start3A_291 = arith.constant 0 : i32
          %dma_start3A_292 = tpu.memref_slice %arg7[%add3A_259, %dma_start3A_291] : memref<125600x128xi32, #tpu.memory_space<hbm>> -> memref<1x128xi32, #tpu.memory_space<hbm>>
          %dma_start3A_293 = arith.constant 0 : i32
          %dma_start3A_294 = tpu.memref_slice %arg7[%add3A_259, %dma_start3A_293] : memref<125600x128xi32, #tpu.memory_space<hbm>> -> memref<1x128xi32, #tpu.memory_space<hbm>>
          tpu.enqueue_dma source(%arg15 : memref<1x128xi32, #tpu.memory_space<vmem>>) target(%dma_start3A_294 : memref<1x128xi32, #tpu.memory_space<hbm>>) target_semaphore(%run_scoped3A_290 : memref<!tpu.dma_semaphore, #tpu.memory_space<semaphore_mem>>)
          %dma_wait3A_295 = arith.constant 0 : i32
          %dma_wait3A_296 = tpu.memref_slice %arg7[%add3A_259, %dma_wait3A_295] : memref<125600x128xi32, #tpu.memory_space<hbm>> -> memref<1x128xi32, #tpu.memory_space<hbm>>
          %dma_wait3A_297 = arith.constant 0 : i32
          %dma_wait3A_298 = tpu.memref_slice %arg7[%add3A_259, %dma_wait3A_297] : memref<125600x128xi32, #tpu.memory_space<hbm>> -> memref<1x128xi32, #tpu.memory_space<hbm>>
          tpu.wait_dma2 semaphore(%run_scoped3A_290 : memref<!tpu.dma_semaphore, #tpu.memory_space<semaphore_mem>>) src(%arg15 : memref<1x128xi32, #tpu.memory_space<vmem>>) dst(%dma_wait3A_298 : memref<1x128xi32, #tpu.memory_space<hbm>>)
          tpu.yield
        }) : () -> ()
        %add3A_260 = arith.addi %mul3A_24, %scan3A_68#1 : i32
        "tpu.region"() ({
          %run_scoped3A_290 = tpu.sem_alloc : memref<!tpu.dma_semaphore, #tpu.memory_space<semaphore_mem>>
          %dma_start3A_291 = arith.constant 0 : i32
          %dma_start3A_292 = tpu.memref_slice %arg8[%add3A_260, %dma_start3A_291] : memref<125600x128xi32, #tpu.memory_space<hbm>> -> memref<1x128xi32, #tpu.memory_space<hbm>>
          %dma_start3A_293 = arith.constant 0 : i32
          %dma_start3A_294 = tpu.memref_slice %arg8[%add3A_260, %dma_start3A_293] : memref<125600x128xi32, #tpu.memory_space<hbm>> -> memref<1x128xi32, #tpu.memory_space<hbm>>
          tpu.enqueue_dma source(%arg16 : memref<1x128xi32, #tpu.memory_space<vmem>>) target(%dma_start3A_294 : memref<1x128xi32, #tpu.memory_space<hbm>>) target_semaphore(%run_scoped3A_290 : memref<!tpu.dma_semaphore, #tpu.memory_space<semaphore_mem>>)
          %dma_wait3A_295 = arith.constant 0 : i32
          %dma_wait3A_296 = tpu.memref_slice %arg8[%add3A_260, %dma_wait3A_295] : memref<125600x128xi32, #tpu.memory_space<hbm>> -> memref<1x128xi32, #tpu.memory_space<hbm>>
          %dma_wait3A_297 = arith.constant 0 : i32
          %dma_wait3A_298 = tpu.memref_slice %arg8[%add3A_260, %dma_wait3A_297] : memref<125600x128xi32, #tpu.memory_space<hbm>> -> memref<1x128xi32, #tpu.memory_space<hbm>>
          tpu.wait_dma2 semaphore(%run_scoped3A_290 : memref<!tpu.dma_semaphore, #tpu.memory_space<semaphore_mem>>) src(%arg16 : memref<1x128xi32, #tpu.memory_space<vmem>>) dst(%dma_wait3A_298 : memref<1x128xi32, #tpu.memory_space<hbm>>)
          tpu.yield
        }) : () -> ()
        %dma_start3A = arith.constant 0 : i32
        %dma_start3A_261 = arith.constant 0 : i32
        %dma_start3A_262 = tpu.memref_slice %arg15[%dma_start3A, %dma_start3A_261] : memref<1x128xi32, #tpu.memory_space<vmem>> -> memref<1x128xi32, #tpu.memory_space<vmem>>
        %dma_start3A_263 = tpu.memref_squeeze %dma_start3A_262 : memref<1x128xi32, #tpu.memory_space<vmem>> -> memref<128xi32, #tpu.memory_space<vmem>>
        %dma_start3A_264 = arith.constant 0 : i32
        %dma_start3A_265 = arith.constant 0 : i32
        %dma_start3A_266 = tpu.memref_slice %arg2[%dma_start3A_264, %dma_start3A_265] : memref<320000x128xf32, #tpu.memory_space<hbm>> -> memref<320000x128xf32, #tpu.memory_space<hbm>>
        tpu.enqueue_indirect_dma source(%dma_start3A_266 : memref<320000x128xf32, #tpu.memory_space<hbm>>) target(%arg17 : memref<128x128xf32, #tpu.memory_space<vmem>>) offsets(%dma_start3A_263 : memref<128xi32, #tpu.memory_space<vmem>>) semaphore(%arg19 : memref<!tpu.dma_semaphore, #tpu.memory_space<semaphore_mem>>)
        %dma_wait3A = arith.constant 0 : i32
        %dma_wait3A_267 = arith.constant 0 : i32
        %dma_wait3A_268 = tpu.memref_slice %arg15[%dma_wait3A, %dma_wait3A_267] : memref<1x128xi32, #tpu.memory_space<vmem>> -> memref<1x128xi32, #tpu.memory_space<vmem>>
        %dma_wait3A_269 = tpu.memref_squeeze %dma_wait3A_268 : memref<1x128xi32, #tpu.memory_space<vmem>> -> memref<128xi32, #tpu.memory_space<vmem>>
        %dma_wait3A_270 = arith.constant 0 : i32
        %dma_wait3A_271 = arith.constant 0 : i32
        %dma_wait3A_272 = tpu.memref_slice %arg2[%dma_wait3A_270, %dma_wait3A_271] : memref<320000x128xf32, #tpu.memory_space<hbm>> -> memref<320000x128xf32, #tpu.memory_space<hbm>>
        tpu.wait_indirect_dma semaphore(%arg19 : memref<!tpu.dma_semaphore, #tpu.memory_space<semaphore_mem>>) src(%dma_wait3A_272 : memref<320000x128xf32, #tpu.memory_space<hbm>>) dst(%arg17 : memref<128x128xf32, #tpu.memory_space<vmem>>)
        %run_scoped3A = arith.constant 0 : i32
        "tpu.region"() ({
          %run_scoped3A_290 = tpu.sem_alloc : memref<!tpu.dma_semaphore, #tpu.memory_space<semaphore_mem>>
          %dma_start3A_291 = arith.constant 0 : i32
          %dma_start3A_292 = tpu.memref_slice %arg16[%run_scoped3A, %dma_start3A_291] : memref<1x128xi32, #tpu.memory_space<vmem>> -> memref<1x128xi32, #tpu.memory_space<vmem>>
          %dma_start3A_293 = tpu.memref_squeeze %dma_start3A_292 : memref<1x128xi32, #tpu.memory_space<vmem>> -> memref<128xi32, #tpu.memory_space<vmem>>
          %dma_start3A_294 = arith.constant 0 : i32
          %dma_start3A_295 = arith.constant 0 : i32
          %dma_start3A_296 = tpu.memref_slice %arg10[%dma_start3A_294, %dma_start3A_295] : memref<12808x128xf32, #tpu.memory_space<vmem_shared>> -> memref<12808x128xf32, #tpu.memory_space<vmem_shared>>
          tpu.enqueue_indirect_dma source(%arg17 : memref<128x128xf32, #tpu.memory_space<vmem>>) target(%dma_start3A_296 : memref<12808x128xf32, #tpu.memory_space<vmem_shared>>) offsets(%dma_start3A_293 : memref<128xi32, #tpu.memory_space<vmem>>) semaphore(%run_scoped3A_290 : memref<!tpu.dma_semaphore, #tpu.memory_space<semaphore_mem>>) {add = true}
          %dma_wait3A_297 = arith.constant 0 : i32
          %dma_wait3A_298 = tpu.memref_slice %arg16[%run_scoped3A, %dma_wait3A_297] : memref<1x128xi32, #tpu.memory_space<vmem>> -> memref<1x128xi32, #tpu.memory_space<vmem>>
          %dma_wait3A_299 = tpu.memref_squeeze %dma_wait3A_298 : memref<1x128xi32, #tpu.memory_space<vmem>> -> memref<128xi32, #tpu.memory_space<vmem>>
          %dma_wait3A_300 = arith.constant 0 : i32
          %dma_wait3A_301 = arith.constant 0 : i32
          %dma_wait3A_302 = tpu.memref_slice %arg10[%dma_wait3A_300, %dma_wait3A_301] : memref<12808x128xf32, #tpu.memory_space<vmem_shared>> -> memref<12808x128xf32, #tpu.memory_space<vmem_shared>>
          tpu.wait_indirect_dma semaphore(%run_scoped3A_290 : memref<!tpu.dma_semaphore, #tpu.memory_space<semaphore_mem>>) src(%arg17 : memref<128x128xf32, #tpu.memory_space<vmem>>) dst(%dma_wait3A_302 : memref<12808x128xf32, #tpu.memory_space<vmem_shared>>)
          tpu.yield
        }) : () -> ()
        %broadcast_in_dim3A_273 = arith.constant 1 : i32
        %broadcast_in_dim3A_274 = vector.broadcast %broadcast_in_dim3A_273 : i32 to vector<16xi32>
        %add3A_275 = arith.constant 1 : i32
        %add3A_276 = arith.addi %scan3A_68#1, %add3A_275 : i32
        %mul3A_277 = vector.broadcast %add3A_276 : i32 to vector<16xi32>
        %mul3A_278 = arith.muli %broadcast_in_dim3A_274, %mul3A_277 : vector<16xi32>
        %swap3A_279 = arith.constant 0 : index
        %swap3A_280 = tpu.vector_load %arg18[%swap3A_279] {strides = array<i32>} : memref<16xi32, #tpu.memory_space<vmem>>, vector<16xi32>,
        tpu.vector_store %arg18[%swap3A_279], %mul3A_278 {strides = array<i32>} : memref<16xi32, #tpu.memory_space<vmem>>, vector<16xi32>,
        %mul3A_281 = arith.constant 16 : i32
        %mul3A_282 = arith.muli %add3A_12, %mul3A_281 : i32
        %add3A_283 = arith.addi %mul3A_282, %arg1 : i32
        %mul3A_284 = arith.constant 16 : i32
        %mul3A_285 = arith.muli %add3A_283, %mul3A_284 : i32
        "tpu.region"() ({
          %run_scoped3A_290 = tpu.sem_alloc : memref<!tpu.dma_semaphore, #tpu.memory_space<semaphore_mem>>
          %dma_start3A_291 = tpu.memref_slice %arg9[%mul3A_285] : memref<6400xi32, #tpu.memory_space<hbm>> -> memref<16xi32, #tpu.memory_space<hbm>>
          %dma_start3A_292 = tpu.memref_slice %arg9[%mul3A_285] : memref<6400xi32, #tpu.memory_space<hbm>> -> memref<16xi32, #tpu.memory_space<hbm>>
          tpu.enqueue_dma source(%arg18 : memref<16xi32, #tpu.memory_space<vmem>>) target(%dma_start3A_292 : memref<16xi32, #tpu.memory_space<hbm>>) target_semaphore(%run_scoped3A_290 : memref<!tpu.dma_semaphore, #tpu.memory_space<semaphore_mem>>)
          %dma_wait3A_293 = tpu.memref_slice %arg9[%mul3A_285] : memref<6400xi32, #tpu.memory_space<hbm>> -> memref<16xi32, #tpu.memory_space<hbm>>
          %dma_wait3A_294 = tpu.memref_slice %arg9[%mul3A_285] : memref<6400xi32, #tpu.memory_space<hbm>> -> memref<16xi32, #tpu.memory_space<hbm>>
          tpu.wait_dma2 semaphore(%run_scoped3A_290 : memref<!tpu.dma_semaphore, #tpu.memory_space<semaphore_mem>>) src(%arg18 : memref<16xi32, #tpu.memory_space<vmem>>) dst(%dma_wait3A_294 : memref<16xi32, #tpu.memory_space<hbm>>)
          tpu.yield
        }) : () -> ()
        %barrier3A_286 = arith.constant 0 : index
        tpu.barrier barrier_id(%barrier3A_286)
        %mul3A_287 = arith.constant 800 : i32
        %mul3A_288 = arith.muli %arg1, %mul3A_287 : i32
        "tpu.region"() ({
          %run_scoped3A_290 = tpu.sem_alloc : memref<!tpu.dma_semaphore, #tpu.memory_space<semaphore_mem>>
          %dma_start3A_291 = arith.constant 0 : i32
          %dma_start3A_292 = tpu.memref_slice %arg6[%add3A_19, %dma_start3A_291] : memref<320000x128xf32, #tpu.memory_space<hbm>> -> memref<800x128xf32, #tpu.memory_space<hbm>>
          %dma_start3A_293 = arith.constant 0 : i32
          %dma_start3A_294 = tpu.memref_slice %arg10[%mul3A_288, %dma_start3A_293] : memref<12808x128xf32, #tpu.memory_space<vmem_shared>> -> memref<800x128xf32, #tpu.memory_space<vmem_shared>>
          tpu.enqueue_dma source(%dma_start3A_294 : memref<800x128xf32, #tpu.memory_space<vmem_shared>>) target(%dma_start3A_292 : memref<800x128xf32, #tpu.memory_space<hbm>>) target_semaphore(%run_scoped3A_290 : memref<!tpu.dma_semaphore, #tpu.memory_space<semaphore_mem>>)
          %dma_wait3A_295 = arith.constant 0 : i32
          %dma_wait3A_296 = tpu.memref_slice %arg6[%add3A_19, %dma_wait3A_295] : memref<320000x128xf32, #tpu.memory_space<hbm>> -> memref<800x128xf32, #tpu.memory_space<hbm>>
          %dma_wait3A_297 = arith.constant 0 : i32
          %dma_wait3A_298 = tpu.memref_slice %arg10[%mul3A_288, %dma_wait3A_297] : memref<12808x128xf32, #tpu.memory_space<vmem_shared>> -> memref<800x128xf32, #tpu.memory_space<vmem_shared>>
          tpu.wait_dma2 semaphore(%run_scoped3A_290 : memref<!tpu.dma_semaphore, #tpu.memory_space<semaphore_mem>>) src(%dma_wait3A_298 : memref<800x128xf32, #tpu.memory_space<vmem_shared>>) dst(%dma_wait3A_296 : memref<800x128xf32, #tpu.memory_space<hbm>>)
          tpu.yield
        }) : () -> ()
        %barrier3A_289 = arith.constant 0 : index
        tpu.barrier barrier_id(%barrier3A_289)
      } else {
      }
    }
    %scan3A_6 = arith.constant 13 : i32
    return
  }
}

#map = affine_map<(d0, d1) -> (0, 0)>
#map1 = affine_map<(d0, d1) -> (0)>
module attributes {stable_mosaic.version = 14 : i64} {
  func.func @_eab_kernel(%arg0: i32, %arg1: i32, %arg2: memref<10000x128xf32, #tpu.memory_space<hbm>>, %arg3: memref<10000x128xf32, #tpu.memory_space<hbm>>, %arg4: memref<320000xi32, #tpu.memory_space<hbm>>, %arg5: memref<320000xi32, #tpu.memory_space<hbm>>, %arg6: memref<320000x128xf32, #tpu.memory_space<hbm>>, %arg7: memref<320000x128xf32, #tpu.memory_space<hbm>>, %arg8: memref<80xi32, #tpu.memory_space<vmem>>, %arg9: memref<80xi32, #tpu.memory_space<vmem>>, %arg10: memref<80x128xf32, #tpu.memory_space<vmem>>, %arg11: memref<80x128xf32, #tpu.memory_space<vmem>>, %arg12: memref<80x128xf32, #tpu.memory_space<vmem>>, %arg13: memref<!tpu.dma_semaphore, #tpu.memory_space<semaphore_mem>>, %arg14: memref<!tpu.dma_semaphore, #tpu.memory_space<semaphore_mem>>) attributes {dimension_semantics = [#tpu.dimension_semantics<core_parallel>, #tpu.dimension_semantics<subcore_parallel>], iteration_bounds = array<i64: 2, 16>, scalar_prefetch = 0 : i64, scratch_operands = 7 : i64, tpu.core_type = #tpu.core_type<sc_vector_subcore>, window_params = [{transform_indices = #map}, {transform_indices = #map}, {transform_indices = #map1}, {transform_indices = #map1}, {transform_indices = #map}, {transform_indices = #map}]} {
    %scan3A = arith.constant 0.333333343 : f32
    %scan3A_0 = arith.constant 0 : i32
    %scan3A_1 = arith.constant 125 : i32
    %scan3A_2 = arith.addi %scan3A_0, %scan3A_1 : i32
    %scan3A_3 = arith.constant 1 : i32
    scf.for %scan3A_5 = %scan3A_0 to %scan3A_2 step %scan3A_3  : i32 {
      %mul3A = arith.constant 1 : i32
      %mul3A_6 = arith.muli %scan3A_5, %mul3A : i32
      %add3A = arith.constant 0 : i32
      %add3A_7 = arith.addi %add3A, %mul3A_6 : i32
      %mul3A_8 = arith.constant 160000 : i32
      %mul3A_9 = arith.muli %arg0, %mul3A_8 : i32
      %mul3A_10 = arith.constant 10000 : i32
      %mul3A_11 = arith.muli %arg1, %mul3A_10 : i32
      %add3A_12 = arith.addi %mul3A_9, %mul3A_11 : i32
      %mul3A_13 = arith.constant 80 : i32
      %mul3A_14 = arith.muli %add3A_7, %mul3A_13 : i32
      %add3A_15 = arith.addi %add3A_12, %mul3A_14 : i32
      "tpu.region"() ({
        %run_scoped3A = tpu.sem_alloc : memref<!tpu.dma_semaphore, #tpu.memory_space<semaphore_mem>>
        %dma_start3A_31 = tpu.memref_slice %arg4[%add3A_15] : memref<320000xi32, #tpu.memory_space<hbm>> -> memref<80xi32, #tpu.memory_space<hbm>>
        %dma_start3A_32 = tpu.memref_slice %arg4[%add3A_15] : memref<320000xi32, #tpu.memory_space<hbm>> -> memref<80xi32, #tpu.memory_space<hbm>>
        tpu.enqueue_dma source(%dma_start3A_32 : memref<80xi32, #tpu.memory_space<hbm>>) target(%arg8 : memref<80xi32, #tpu.memory_space<vmem>>) target_semaphore(%run_scoped3A : memref<!tpu.dma_semaphore, #tpu.memory_space<semaphore_mem>>)
        %dma_wait3A_33 = tpu.memref_slice %arg4[%add3A_15] : memref<320000xi32, #tpu.memory_space<hbm>> -> memref<80xi32, #tpu.memory_space<hbm>>
        %dma_wait3A_34 = tpu.memref_slice %arg4[%add3A_15] : memref<320000xi32, #tpu.memory_space<hbm>> -> memref<80xi32, #tpu.memory_space<hbm>>
        tpu.wait_dma2 semaphore(%run_scoped3A : memref<!tpu.dma_semaphore, #tpu.memory_space<semaphore_mem>>) src(%dma_wait3A_34 : memref<80xi32, #tpu.memory_space<hbm>>) dst(%arg8 : memref<80xi32, #tpu.memory_space<vmem>>)
        tpu.yield
      }) : () -> ()
      "tpu.region"() ({
        %run_scoped3A = tpu.sem_alloc : memref<!tpu.dma_semaphore, #tpu.memory_space<semaphore_mem>>
        %dma_start3A_31 = tpu.memref_slice %arg5[%add3A_15] : memref<320000xi32, #tpu.memory_space<hbm>> -> memref<80xi32, #tpu.memory_space<hbm>>
        %dma_start3A_32 = tpu.memref_slice %arg5[%add3A_15] : memref<320000xi32, #tpu.memory_space<hbm>> -> memref<80xi32, #tpu.memory_space<hbm>>
        tpu.enqueue_dma source(%dma_start3A_32 : memref<80xi32, #tpu.memory_space<hbm>>) target(%arg9 : memref<80xi32, #tpu.memory_space<vmem>>) target_semaphore(%run_scoped3A : memref<!tpu.dma_semaphore, #tpu.memory_space<semaphore_mem>>)
        %dma_wait3A_33 = tpu.memref_slice %arg5[%add3A_15] : memref<320000xi32, #tpu.memory_space<hbm>> -> memref<80xi32, #tpu.memory_space<hbm>>
        %dma_wait3A_34 = tpu.memref_slice %arg5[%add3A_15] : memref<320000xi32, #tpu.memory_space<hbm>> -> memref<80xi32, #tpu.memory_space<hbm>>
        tpu.wait_dma2 semaphore(%run_scoped3A : memref<!tpu.dma_semaphore, #tpu.memory_space<semaphore_mem>>) src(%dma_wait3A_34 : memref<80xi32, #tpu.memory_space<hbm>>) dst(%arg9 : memref<80xi32, #tpu.memory_space<vmem>>)
        tpu.yield
      }) : () -> ()
      %dma_start3A = arith.constant 0 : i32
      %dma_start3A_16 = arith.constant 0 : i32
      %dma_start3A_17 = tpu.memref_slice %arg2[%dma_start3A, %dma_start3A_16] : memref<10000x128xf32, #tpu.memory_space<hbm>> -> memref<10000x128xf32, #tpu.memory_space<hbm>>
      tpu.enqueue_indirect_dma source(%dma_start3A_17 : memref<10000x128xf32, #tpu.memory_space<hbm>>) target(%arg10 : memref<80x128xf32, #tpu.memory_space<vmem>>) offsets(%arg8 : memref<80xi32, #tpu.memory_space<vmem>>) semaphore(%arg13 : memref<!tpu.dma_semaphore, #tpu.memory_space<semaphore_mem>>)
      %dma_start3A_18 = arith.constant 0 : i32
      %dma_start3A_19 = arith.constant 0 : i32
      %dma_start3A_20 = tpu.memref_slice %arg3[%dma_start3A_18, %dma_start3A_19] : memref<10000x128xf32, #tpu.memory_space<hbm>> -> memref<10000x128xf32, #tpu.memory_space<hbm>>
      tpu.enqueue_indirect_dma source(%dma_start3A_20 : memref<10000x128xf32, #tpu.memory_space<hbm>>) target(%arg11 : memref<80x128xf32, #tpu.memory_space<vmem>>) offsets(%arg9 : memref<80xi32, #tpu.memory_space<vmem>>) semaphore(%arg14 : memref<!tpu.dma_semaphore, #tpu.memory_space<semaphore_mem>>)
      "tpu.region"() ({
        %run_scoped3A = tpu.sem_alloc : memref<!tpu.dma_semaphore, #tpu.memory_space<semaphore_mem>>
        %dma_start3A_31 = arith.constant 0 : i32
        %dma_start3A_32 = tpu.memref_slice %arg6[%add3A_15, %dma_start3A_31] : memref<320000x128xf32, #tpu.memory_space<hbm>> -> memref<80x128xf32, #tpu.memory_space<hbm>>
        %dma_start3A_33 = arith.constant 0 : i32
        %dma_start3A_34 = tpu.memref_slice %arg6[%add3A_15, %dma_start3A_33] : memref<320000x128xf32, #tpu.memory_space<hbm>> -> memref<80x128xf32, #tpu.memory_space<hbm>>
        tpu.enqueue_dma source(%dma_start3A_34 : memref<80x128xf32, #tpu.memory_space<hbm>>) target(%arg12 : memref<80x128xf32, #tpu.memory_space<vmem>>) target_semaphore(%run_scoped3A : memref<!tpu.dma_semaphore, #tpu.memory_space<semaphore_mem>>)
        %dma_wait3A_35 = arith.constant 0 : i32
        %dma_wait3A_36 = tpu.memref_slice %arg6[%add3A_15, %dma_wait3A_35] : memref<320000x128xf32, #tpu.memory_space<hbm>> -> memref<80x128xf32, #tpu.memory_space<hbm>>
        %dma_wait3A_37 = arith.constant 0 : i32
        %dma_wait3A_38 = tpu.memref_slice %arg6[%add3A_15, %dma_wait3A_37] : memref<320000x128xf32, #tpu.memory_space<hbm>> -> memref<80x128xf32, #tpu.memory_space<hbm>>
        tpu.wait_dma2 semaphore(%run_scoped3A : memref<!tpu.dma_semaphore, #tpu.memory_space<semaphore_mem>>) src(%dma_wait3A_38 : memref<80x128xf32, #tpu.memory_space<hbm>>) dst(%arg12 : memref<80x128xf32, #tpu.memory_space<vmem>>)
        tpu.yield
      }) : () -> ()
      %dma_wait3A = arith.constant 0 : i32
      %dma_wait3A_21 = arith.constant 0 : i32
      %dma_wait3A_22 = tpu.memref_slice %arg2[%dma_wait3A, %dma_wait3A_21] : memref<10000x128xf32, #tpu.memory_space<hbm>> -> memref<10000x128xf32, #tpu.memory_space<hbm>>
      tpu.wait_indirect_dma semaphore(%arg13 : memref<!tpu.dma_semaphore, #tpu.memory_space<semaphore_mem>>) src(%dma_wait3A_22 : memref<10000x128xf32, #tpu.memory_space<hbm>>) dst(%arg10 : memref<80x128xf32, #tpu.memory_space<vmem>>)
      %dma_wait3A_23 = arith.constant 0 : i32
      %dma_wait3A_24 = arith.constant 0 : i32
      %dma_wait3A_25 = tpu.memref_slice %arg3[%dma_wait3A_23, %dma_wait3A_24] : memref<10000x128xf32, #tpu.memory_space<hbm>> -> memref<10000x128xf32, #tpu.memory_space<hbm>>
      tpu.wait_indirect_dma semaphore(%arg14 : memref<!tpu.dma_semaphore, #tpu.memory_space<semaphore_mem>>) src(%dma_wait3A_25 : memref<10000x128xf32, #tpu.memory_space<hbm>>) dst(%arg11 : memref<80x128xf32, #tpu.memory_space<vmem>>)
      %scan3A_26 = arith.constant 0 : i32
      %scan3A_27 = arith.constant 80 : i32
      %scan3A_28 = arith.addi %scan3A_26, %scan3A_27 : i32
      %scan3A_29 = arith.constant 1 : i32
      scf.for %scan3A_31 = %scan3A_26 to %scan3A_28 step %scan3A_29  : i32 {
        %mul3A_32 = arith.constant 1 : i32
        %mul3A_33 = arith.muli %scan3A_31, %mul3A_32 : i32
        %add3A_34 = arith.constant 0 : i32
        %add3A_35 = arith.addi %add3A_34, %mul3A_33 : i32
        %get3A = arith.index_cast %add3A_35 : i32 to index
        %get3A_36 = arith.constant 0 : index
        %get3A_37 = tpu.vector_load %arg10[%get3A, %get3A_36] {strides = array<i32>} : memref<80x128xf32, #tpu.memory_space<vmem>>, vector<16xf32>,
        %get3A_38 = arith.index_cast %add3A_35 : i32 to index
        %get3A_39 = arith.constant 0 : index
        %get3A_40 = tpu.vector_load %arg11[%get3A_38, %get3A_39] {strides = array<i32>} : memref<80x128xf32, #tpu.memory_space<vmem>>, vector<16xf32>,
        %add3A_41 = arith.addf %get3A_37, %get3A_40 : vector<16xf32>
        %get3A_42 = arith.index_cast %add3A_35 : i32 to index
        %get3A_43 = arith.constant 0 : index
        %get3A_44 = tpu.vector_load %arg12[%get3A_42, %get3A_43] {strides = array<i32>} : memref<80x128xf32, #tpu.memory_space<vmem>>, vector<16xf32>,
        %add3A_45 = arith.addf %add3A_41, %get3A_44 : vector<16xf32>
        %mul3A_46 = vector.broadcast %scan3A : f32 to vector<16xf32>
        %mul3A_47 = arith.mulf %add3A_45, %mul3A_46 : vector<16xf32>
        %swap3A = arith.index_cast %add3A_35 : i32 to index
        %swap3A_48 = arith.constant 0 : index
        %swap3A_49 = tpu.vector_load %arg12[%swap3A, %swap3A_48] {strides = array<i32>} : memref<80x128xf32, #tpu.memory_space<vmem>>, vector<16xf32>,
        tpu.vector_store %arg12[%swap3A, %swap3A_48], %mul3A_47 {strides = array<i32>} : memref<80x128xf32, #tpu.memory_space<vmem>>, vector<16xf32>,
        %get3A_50 = arith.index_cast %add3A_35 : i32 to index
        %get3A_51 = arith.constant 16 : index
        %get3A_52 = tpu.vector_load %arg10[%get3A_50, %get3A_51] {strides = array<i32>} : memref<80x128xf32, #tpu.memory_space<vmem>>, vector<16xf32>,
        %get3A_53 = arith.index_cast %add3A_35 : i32 to index
        %get3A_54 = arith.constant 16 : index
        %get3A_55 = tpu.vector_load %arg11[%get3A_53, %get3A_54] {strides = array<i32>} : memref<80x128xf32, #tpu.memory_space<vmem>>, vector<16xf32>,
        %add3A_56 = arith.addf %get3A_52, %get3A_55 : vector<16xf32>
        %get3A_57 = arith.index_cast %add3A_35 : i32 to index
        %get3A_58 = arith.constant 16 : index
        %get3A_59 = tpu.vector_load %arg12[%get3A_57, %get3A_58] {strides = array<i32>} : memref<80x128xf32, #tpu.memory_space<vmem>>, vector<16xf32>,
        %add3A_60 = arith.addf %add3A_56, %get3A_59 : vector<16xf32>
        %mul3A_61 = vector.broadcast %scan3A : f32 to vector<16xf32>
        %mul3A_62 = arith.mulf %add3A_60, %mul3A_61 : vector<16xf32>
        %swap3A_63 = arith.index_cast %add3A_35 : i32 to index
        %swap3A_64 = arith.constant 16 : index
        %swap3A_65 = tpu.vector_load %arg12[%swap3A_63, %swap3A_64] {strides = array<i32>} : memref<80x128xf32, #tpu.memory_space<vmem>>, vector<16xf32>,
        tpu.vector_store %arg12[%swap3A_63, %swap3A_64], %mul3A_62 {strides = array<i32>} : memref<80x128xf32, #tpu.memory_space<vmem>>, vector<16xf32>,
        %get3A_66 = arith.index_cast %add3A_35 : i32 to index
        %get3A_67 = arith.constant 32 : index
        %get3A_68 = tpu.vector_load %arg10[%get3A_66, %get3A_67] {strides = array<i32>} : memref<80x128xf32, #tpu.memory_space<vmem>>, vector<16xf32>,
        %get3A_69 = arith.index_cast %add3A_35 : i32 to index
        %get3A_70 = arith.constant 32 : index
        %get3A_71 = tpu.vector_load %arg11[%get3A_69, %get3A_70] {strides = array<i32>} : memref<80x128xf32, #tpu.memory_space<vmem>>, vector<16xf32>,
        %add3A_72 = arith.addf %get3A_68, %get3A_71 : vector<16xf32>
        %get3A_73 = arith.index_cast %add3A_35 : i32 to index
        %get3A_74 = arith.constant 32 : index
        %get3A_75 = tpu.vector_load %arg12[%get3A_73, %get3A_74] {strides = array<i32>} : memref<80x128xf32, #tpu.memory_space<vmem>>, vector<16xf32>,
        %add3A_76 = arith.addf %add3A_72, %get3A_75 : vector<16xf32>
        %mul3A_77 = vector.broadcast %scan3A : f32 to vector<16xf32>
        %mul3A_78 = arith.mulf %add3A_76, %mul3A_77 : vector<16xf32>
        %swap3A_79 = arith.index_cast %add3A_35 : i32 to index
        %swap3A_80 = arith.constant 32 : index
        %swap3A_81 = tpu.vector_load %arg12[%swap3A_79, %swap3A_80] {strides = array<i32>} : memref<80x128xf32, #tpu.memory_space<vmem>>, vector<16xf32>,
        tpu.vector_store %arg12[%swap3A_79, %swap3A_80], %mul3A_78 {strides = array<i32>} : memref<80x128xf32, #tpu.memory_space<vmem>>, vector<16xf32>,
        %get3A_82 = arith.index_cast %add3A_35 : i32 to index
        %get3A_83 = arith.constant 48 : index
        %get3A_84 = tpu.vector_load %arg10[%get3A_82, %get3A_83] {strides = array<i32>} : memref<80x128xf32, #tpu.memory_space<vmem>>, vector<16xf32>,
        %get3A_85 = arith.index_cast %add3A_35 : i32 to index
        %get3A_86 = arith.constant 48 : index
        %get3A_87 = tpu.vector_load %arg11[%get3A_85, %get3A_86] {strides = array<i32>} : memref<80x128xf32, #tpu.memory_space<vmem>>, vector<16xf32>,
        %add3A_88 = arith.addf %get3A_84, %get3A_87 : vector<16xf32>
        %get3A_89 = arith.index_cast %add3A_35 : i32 to index
        %get3A_90 = arith.constant 48 : index
        %get3A_91 = tpu.vector_load %arg12[%get3A_89, %get3A_90] {strides = array<i32>} : memref<80x128xf32, #tpu.memory_space<vmem>>, vector<16xf32>,
        %add3A_92 = arith.addf %add3A_88, %get3A_91 : vector<16xf32>
        %mul3A_93 = vector.broadcast %scan3A : f32 to vector<16xf32>
        %mul3A_94 = arith.mulf %add3A_92, %mul3A_93 : vector<16xf32>
        %swap3A_95 = arith.index_cast %add3A_35 : i32 to index
        %swap3A_96 = arith.constant 48 : index
        %swap3A_97 = tpu.vector_load %arg12[%swap3A_95, %swap3A_96] {strides = array<i32>} : memref<80x128xf32, #tpu.memory_space<vmem>>, vector<16xf32>,
        tpu.vector_store %arg12[%swap3A_95, %swap3A_96], %mul3A_94 {strides = array<i32>} : memref<80x128xf32, #tpu.memory_space<vmem>>, vector<16xf32>,
        %get3A_98 = arith.index_cast %add3A_35 : i32 to index
        %get3A_99 = arith.constant 64 : index
        %get3A_100 = tpu.vector_load %arg10[%get3A_98, %get3A_99] {strides = array<i32>} : memref<80x128xf32, #tpu.memory_space<vmem>>, vector<16xf32>,
        %get3A_101 = arith.index_cast %add3A_35 : i32 to index
        %get3A_102 = arith.constant 64 : index
        %get3A_103 = tpu.vector_load %arg11[%get3A_101, %get3A_102] {strides = array<i32>} : memref<80x128xf32, #tpu.memory_space<vmem>>, vector<16xf32>,
        %add3A_104 = arith.addf %get3A_100, %get3A_103 : vector<16xf32>
        %get3A_105 = arith.index_cast %add3A_35 : i32 to index
        %get3A_106 = arith.constant 64 : index
        %get3A_107 = tpu.vector_load %arg12[%get3A_105, %get3A_106] {strides = array<i32>} : memref<80x128xf32, #tpu.memory_space<vmem>>, vector<16xf32>,
        %add3A_108 = arith.addf %add3A_104, %get3A_107 : vector<16xf32>
        %mul3A_109 = vector.broadcast %scan3A : f32 to vector<16xf32>
        %mul3A_110 = arith.mulf %add3A_108, %mul3A_109 : vector<16xf32>
        %swap3A_111 = arith.index_cast %add3A_35 : i32 to index
        %swap3A_112 = arith.constant 64 : index
        %swap3A_113 = tpu.vector_load %arg12[%swap3A_111, %swap3A_112] {strides = array<i32>} : memref<80x128xf32, #tpu.memory_space<vmem>>, vector<16xf32>,
        tpu.vector_store %arg12[%swap3A_111, %swap3A_112], %mul3A_110 {strides = array<i32>} : memref<80x128xf32, #tpu.memory_space<vmem>>, vector<16xf32>,
        %get3A_114 = arith.index_cast %add3A_35 : i32 to index
        %get3A_115 = arith.constant 80 : index
        %get3A_116 = tpu.vector_load %arg10[%get3A_114, %get3A_115] {strides = array<i32>} : memref<80x128xf32, #tpu.memory_space<vmem>>, vector<16xf32>,
        %get3A_117 = arith.index_cast %add3A_35 : i32 to index
        %get3A_118 = arith.constant 80 : index
        %get3A_119 = tpu.vector_load %arg11[%get3A_117, %get3A_118] {strides = array<i32>} : memref<80x128xf32, #tpu.memory_space<vmem>>, vector<16xf32>,
        %add3A_120 = arith.addf %get3A_116, %get3A_119 : vector<16xf32>
        %get3A_121 = arith.index_cast %add3A_35 : i32 to index
        %get3A_122 = arith.constant 80 : index
        %get3A_123 = tpu.vector_load %arg12[%get3A_121, %get3A_122] {strides = array<i32>} : memref<80x128xf32, #tpu.memory_space<vmem>>, vector<16xf32>,
        %add3A_124 = arith.addf %add3A_120, %get3A_123 : vector<16xf32>
        %mul3A_125 = vector.broadcast %scan3A : f32 to vector<16xf32>
        %mul3A_126 = arith.mulf %add3A_124, %mul3A_125 : vector<16xf32>
        %swap3A_127 = arith.index_cast %add3A_35 : i32 to index
        %swap3A_128 = arith.constant 80 : index
        %swap3A_129 = tpu.vector_load %arg12[%swap3A_127, %swap3A_128] {strides = array<i32>} : memref<80x128xf32, #tpu.memory_space<vmem>>, vector<16xf32>,
        tpu.vector_store %arg12[%swap3A_127, %swap3A_128], %mul3A_126 {strides = array<i32>} : memref<80x128xf32, #tpu.memory_space<vmem>>, vector<16xf32>,
        %get3A_130 = arith.index_cast %add3A_35 : i32 to index
        %get3A_131 = arith.constant 96 : index
        %get3A_132 = tpu.vector_load %arg10[%get3A_130, %get3A_131] {strides = array<i32>} : memref<80x128xf32, #tpu.memory_space<vmem>>, vector<16xf32>,
        %get3A_133 = arith.index_cast %add3A_35 : i32 to index
        %get3A_134 = arith.constant 96 : index
        %get3A_135 = tpu.vector_load %arg11[%get3A_133, %get3A_134] {strides = array<i32>} : memref<80x128xf32, #tpu.memory_space<vmem>>, vector<16xf32>,
        %add3A_136 = arith.addf %get3A_132, %get3A_135 : vector<16xf32>
        %get3A_137 = arith.index_cast %add3A_35 : i32 to index
        %get3A_138 = arith.constant 96 : index
        %get3A_139 = tpu.vector_load %arg12[%get3A_137, %get3A_138] {strides = array<i32>} : memref<80x128xf32, #tpu.memory_space<vmem>>, vector<16xf32>,
        %add3A_140 = arith.addf %add3A_136, %get3A_139 : vector<16xf32>
        %mul3A_141 = vector.broadcast %scan3A : f32 to vector<16xf32>
        %mul3A_142 = arith.mulf %add3A_140, %mul3A_141 : vector<16xf32>
        %swap3A_143 = arith.index_cast %add3A_35 : i32 to index
        %swap3A_144 = arith.constant 96 : index
        %swap3A_145 = tpu.vector_load %arg12[%swap3A_143, %swap3A_144] {strides = array<i32>} : memref<80x128xf32, #tpu.memory_space<vmem>>, vector<16xf32>,
        tpu.vector_store %arg12[%swap3A_143, %swap3A_144], %mul3A_142 {strides = array<i32>} : memref<80x128xf32, #tpu.memory_space<vmem>>, vector<16xf32>,
        %get3A_146 = arith.index_cast %add3A_35 : i32 to index
        %get3A_147 = arith.constant 112 : index
        %get3A_148 = tpu.vector_load %arg10[%get3A_146, %get3A_147] {strides = array<i32>} : memref<80x128xf32, #tpu.memory_space<vmem>>, vector<16xf32>,
        %get3A_149 = arith.index_cast %add3A_35 : i32 to index
        %get3A_150 = arith.constant 112 : index
        %get3A_151 = tpu.vector_load %arg11[%get3A_149, %get3A_150] {strides = array<i32>} : memref<80x128xf32, #tpu.memory_space<vmem>>, vector<16xf32>,
        %add3A_152 = arith.addf %get3A_148, %get3A_151 : vector<16xf32>
        %get3A_153 = arith.index_cast %add3A_35 : i32 to index
        %get3A_154 = arith.constant 112 : index
        %get3A_155 = tpu.vector_load %arg12[%get3A_153, %get3A_154] {strides = array<i32>} : memref<80x128xf32, #tpu.memory_space<vmem>>, vector<16xf32>,
        %add3A_156 = arith.addf %add3A_152, %get3A_155 : vector<16xf32>
        %mul3A_157 = vector.broadcast %scan3A : f32 to vector<16xf32>
        %mul3A_158 = arith.mulf %add3A_156, %mul3A_157 : vector<16xf32>
        %swap3A_159 = arith.index_cast %add3A_35 : i32 to index
        %swap3A_160 = arith.constant 112 : index
        %swap3A_161 = tpu.vector_load %arg12[%swap3A_159, %swap3A_160] {strides = array<i32>} : memref<80x128xf32, #tpu.memory_space<vmem>>, vector<16xf32>,
        tpu.vector_store %arg12[%swap3A_159, %swap3A_160], %mul3A_158 {strides = array<i32>} : memref<80x128xf32, #tpu.memory_space<vmem>>, vector<16xf32>,
      }
      %scan3A_30 = arith.constant 80 : i32
      "tpu.region"() ({
        %run_scoped3A = tpu.sem_alloc : memref<!tpu.dma_semaphore, #tpu.memory_space<semaphore_mem>>
        %dma_start3A_31 = arith.constant 0 : i32
        %dma_start3A_32 = tpu.memref_slice %arg7[%add3A_15, %dma_start3A_31] : memref<320000x128xf32, #tpu.memory_space<hbm>> -> memref<80x128xf32, #tpu.memory_space<hbm>>
        %dma_start3A_33 = arith.constant 0 : i32
        %dma_start3A_34 = tpu.memref_slice %arg7[%add3A_15, %dma_start3A_33] : memref<320000x128xf32, #tpu.memory_space<hbm>> -> memref<80x128xf32, #tpu.memory_space<hbm>>
        tpu.enqueue_dma source(%arg12 : memref<80x128xf32, #tpu.memory_space<vmem>>) target(%dma_start3A_34 : memref<80x128xf32, #tpu.memory_space<hbm>>) target_semaphore(%run_scoped3A : memref<!tpu.dma_semaphore, #tpu.memory_space<semaphore_mem>>)
        %dma_wait3A_35 = arith.constant 0 : i32
        %dma_wait3A_36 = tpu.memref_slice %arg7[%add3A_15, %dma_wait3A_35] : memref<320000x128xf32, #tpu.memory_space<hbm>> -> memref<80x128xf32, #tpu.memory_space<hbm>>
        %dma_wait3A_37 = arith.constant 0 : i32
        %dma_wait3A_38 = tpu.memref_slice %arg7[%add3A_15, %dma_wait3A_37] : memref<320000x128xf32, #tpu.memory_space<hbm>> -> memref<80x128xf32, #tpu.memory_space<hbm>>
        tpu.wait_dma2 semaphore(%run_scoped3A : memref<!tpu.dma_semaphore, #tpu.memory_space<semaphore_mem>>) src(%arg12 : memref<80x128xf32, #tpu.memory_space<vmem>>) dst(%dma_wait3A_38 : memref<80x128xf32, #tpu.memory_space<hbm>>)
        tpu.yield
      }) : () -> ()
    }
    %scan3A_4 = arith.constant 125 : i32
    return
  }
}

#map = affine_map<(d0, d1) -> (0, 0)>
#map1 = affine_map<(d0, d1) -> (0)>
module attributes {stable_mosaic.version = 14 : i64} {
  func.func @_replay_kernel(%arg0: i32, %arg1: i32, %arg2: memref<320000x128xf32, #tpu.memory_space<hbm>>, %arg3: memref<320000x128xf32, #tpu.memory_space<hbm>>, %arg4: memref<125600x128xi32, #tpu.memory_space<hbm>>, %arg5: memref<125600x128xi32, #tpu.memory_space<hbm>>, %arg6: memref<6400xi32, #tpu.memory_space<hbm>>, %arg7: memref<320000x128xf32, #tpu.memory_space<hbm>>, %arg8: memref<12808x128xf32, #tpu.memory_space<vmem_shared>>, %arg9: memref<1x128xi32, #tpu.memory_space<vmem>>, %arg10: memref<1x128xi32, #tpu.memory_space<vmem>>, %arg11: memref<128x128xf32, #tpu.memory_space<vmem>>, %arg12: memref<16xi32, #tpu.memory_space<vmem>>, %arg13: memref<!tpu.dma_semaphore, #tpu.memory_space<semaphore_mem>>) attributes {dimension_semantics = [#tpu.dimension_semantics<core_parallel>, #tpu.dimension_semantics<subcore_parallel>], iteration_bounds = array<i64: 2, 16>, scalar_prefetch = 0 : i64, scratch_operands = 6 : i64, tpu.core_type = #tpu.core_type<sc_vector_subcore>, window_params = [{transform_indices = #map}, {transform_indices = #map}, {transform_indices = #map}, {transform_indices = #map}, {transform_indices = #map1}, {transform_indices = #map}]} {
    %scan3A = arith.constant 0 : i32
    %scan3A_0 = arith.constant 13 : i32
    %scan3A_1 = arith.addi %scan3A, %scan3A_0 : i32
    %scan3A_2 = arith.constant 1 : i32
    scf.for %scan3A_4 = %scan3A to %scan3A_1 step %scan3A_2  : i32 {
      %mul3A = arith.constant 1 : i32
      %mul3A_5 = arith.muli %scan3A_4, %mul3A : i32
      %add3A = arith.constant 0 : i32
      %add3A_6 = arith.addi %add3A, %mul3A_5 : i32
      %mul3A_7 = arith.constant 13 : i32
      %mul3A_8 = arith.muli %arg0, %mul3A_7 : i32
      %add3A_9 = arith.addi %mul3A_8, %add3A_6 : i32
      %lt3A = arith.constant 25 : i32
      %lt3A_10 = arith.cmpi slt, %add3A_9, %lt3A : i32
      %convert_element_type3A = arith.extui %lt3A_10 : i1 to i32
      %cond3A = arith.constant 0 : i32
      %cond3A_11 = arith.cmpi ne, %convert_element_type3A, %cond3A : i32
      scf.if %cond3A_11 {
        %mul3A_12 = arith.constant 12800 : i32
        %mul3A_13 = arith.muli %add3A_9, %mul3A_12 : i32
        %mul3A_14 = arith.constant 800 : i32
        %mul3A_15 = arith.muli %arg1, %mul3A_14 : i32
        %add3A_16 = arith.addi %mul3A_13, %mul3A_15 : i32
        %mul3A_17 = arith.constant 16 : i32
        %mul3A_18 = arith.muli %add3A_9, %mul3A_17 : i32
        %add3A_19 = arith.addi %mul3A_18, %arg1 : i32
        %mul3A_20 = arith.constant 314 : i32
        %mul3A_21 = arith.muli %add3A_19, %mul3A_20 : i32
        %mul3A_22 = arith.constant 800 : i32
        %mul3A_23 = arith.muli %arg1, %mul3A_22 : i32
        "tpu.region"() ({
          %run_scoped3A = tpu.sem_alloc : memref<!tpu.dma_semaphore, #tpu.memory_space<semaphore_mem>>
          %dma_start3A = arith.constant 0 : i32
          %dma_start3A_57 = tpu.memref_slice %arg8[%mul3A_23, %dma_start3A] : memref<12808x128xf32, #tpu.memory_space<vmem_shared>> -> memref<800x128xf32, #tpu.memory_space<vmem_shared>>
          %dma_start3A_58 = arith.constant 0 : i32
          %dma_start3A_59 = tpu.memref_slice %arg3[%add3A_16, %dma_start3A_58] : memref<320000x128xf32, #tpu.memory_space<hbm>> -> memref<800x128xf32, #tpu.memory_space<hbm>>
          tpu.enqueue_dma source(%dma_start3A_59 : memref<800x128xf32, #tpu.memory_space<hbm>>) target(%dma_start3A_57 : memref<800x128xf32, #tpu.memory_space<vmem_shared>>) target_semaphore(%run_scoped3A : memref<!tpu.dma_semaphore, #tpu.memory_space<semaphore_mem>>)
          %dma_wait3A = arith.constant 0 : i32
          %dma_wait3A_60 = tpu.memref_slice %arg8[%mul3A_23, %dma_wait3A] : memref<12808x128xf32, #tpu.memory_space<vmem_shared>> -> memref<800x128xf32, #tpu.memory_space<vmem_shared>>
          %dma_wait3A_61 = arith.constant 0 : i32
          %dma_wait3A_62 = tpu.memref_slice %arg3[%add3A_16, %dma_wait3A_61] : memref<320000x128xf32, #tpu.memory_space<hbm>> -> memref<800x128xf32, #tpu.memory_space<hbm>>
          tpu.wait_dma2 semaphore(%run_scoped3A : memref<!tpu.dma_semaphore, #tpu.memory_space<semaphore_mem>>) src(%dma_wait3A_62 : memref<800x128xf32, #tpu.memory_space<hbm>>) dst(%dma_wait3A_60 : memref<800x128xf32, #tpu.memory_space<vmem_shared>>)
          tpu.yield
        }) : () -> ()
        %mul3A_24 = arith.constant 16 : i32
        %mul3A_25 = arith.muli %add3A_9, %mul3A_24 : i32
        %add3A_26 = arith.addi %mul3A_25, %arg1 : i32
        %mul3A_27 = arith.constant 16 : i32
        %mul3A_28 = arith.muli %add3A_26, %mul3A_27 : i32
        "tpu.region"() ({
          %run_scoped3A = tpu.sem_alloc : memref<!tpu.dma_semaphore, #tpu.memory_space<semaphore_mem>>
          %dma_start3A = tpu.memref_slice %arg6[%mul3A_28] : memref<6400xi32, #tpu.memory_space<hbm>> -> memref<16xi32, #tpu.memory_space<hbm>>
          %dma_start3A_57 = tpu.memref_slice %arg6[%mul3A_28] : memref<6400xi32, #tpu.memory_space<hbm>> -> memref<16xi32, #tpu.memory_space<hbm>>
          tpu.enqueue_dma source(%dma_start3A_57 : memref<16xi32, #tpu.memory_space<hbm>>) target(%arg12 : memref<16xi32, #tpu.memory_space<vmem>>) target_semaphore(%run_scoped3A : memref<!tpu.dma_semaphore, #tpu.memory_space<semaphore_mem>>)
          %dma_wait3A = tpu.memref_slice %arg6[%mul3A_28] : memref<6400xi32, #tpu.memory_space<hbm>> -> memref<16xi32, #tpu.memory_space<hbm>>
          %dma_wait3A_58 = tpu.memref_slice %arg6[%mul3A_28] : memref<6400xi32, #tpu.memory_space<hbm>> -> memref<16xi32, #tpu.memory_space<hbm>>
          tpu.wait_dma2 semaphore(%run_scoped3A : memref<!tpu.dma_semaphore, #tpu.memory_space<semaphore_mem>>) src(%dma_wait3A_58 : memref<16xi32, #tpu.memory_space<hbm>>) dst(%arg12 : memref<16xi32, #tpu.memory_space<vmem>>)
          tpu.yield
        }) : () -> ()
        %barrier3A = arith.constant 0 : index
        tpu.barrier barrier_id(%barrier3A)
        %get3A = arith.constant 0 : index
        %get3A_29 = tpu.vector_load %arg12[%get3A] {strides = array<i32>} : memref<16xi32, #tpu.memory_space<vmem>>, vector<16xi32>,
        %reduce_max3A = arith.constant true
        %reduce_max3A_30 = vector.broadcast %reduce_max3A : i1 to vector<16xi1>
        %reduce_max3A_31 = arith.constant -2147483648 : i32
        %reduce_max3A_32 = vector.broadcast %reduce_max3A_31 : i32 to vector<16xi32>
        %reduce_max3A_33 = arith.xori %get3A_29, %reduce_max3A_32 : vector<16xi32>
        %reduce_max3A_34 = tpu.scan <max>, %reduce_max3A_33 masked %reduce_max3A_30 : vector<16xi32>, vector<16xi1> -> vector<16xi32>
        %reduce_max3A_35 = arith.xori %reduce_max3A_34, %reduce_max3A_32 : vector<16xi32>
        %reduce_max3A_36 = vector.extract %reduce_max3A_35[15] : i32 from vector<16xi32>
        %sub3A = arith.constant 0 : i32
        %sub3A_37 = arith.subi %reduce_max3A_36, %sub3A : i32
        %sub3A_38 = arith.constant 1 : i32
        %sub3A_39 = arith.constant 1 : i32
        %sub3A_40 = arith.subi %sub3A_38, %sub3A_39 : i32
        %add3A_41 = arith.addi %sub3A_37, %sub3A_40 : i32
        %div3A = arith.constant 1 : i32
        %div3A_42 = arith.divsi %add3A_41, %div3A : i32
        %while3A = arith.constant 1 : i32
        %while3A_43 = arith.constant 0 : i32
        %while3A_44 = arith.constant 0 : i32
        %while3A_45 = arith.subi %div3A_42, %while3A_44 : i32
        %while3A_46 = arith.addi %while3A_44, %while3A_45 : i32
        %while3A_47 = arith.constant 1 : i32
        %while3A_48 = arith.divsi %while3A_45, %while3A_47 : i32
        %while3A_49 = arith.muli %while3A_48, %while3A_47 : i32
        %while3A_50 = arith.addi %while3A_44, %while3A_49 : i32
        %while3A_51 = arith.constant 1 : i32
        scf.for %while3A_57 = %while3A_44 to %while3A_50 step %while3A_51  : i32 {
          %mul3A_58 = arith.muli %while3A_57, %while3A : i32
          %add3A_59 = arith.addi %while3A_43, %mul3A_58 : i32
          %add3A_60 = arith.addi %mul3A_21, %add3A_59 : i32
          "tpu.region"() ({
            %run_scoped3A_74 = tpu.sem_alloc : memref<!tpu.dma_semaphore, #tpu.memory_space<semaphore_mem>>
            %dma_start3A_75 = arith.constant 0 : i32
            %dma_start3A_76 = tpu.memref_slice %arg4[%add3A_60, %dma_start3A_75] : memref<125600x128xi32, #tpu.memory_space<hbm>> -> memref<1x128xi32, #tpu.memory_space<hbm>>
            %dma_start3A_77 = arith.constant 0 : i32
            %dma_start3A_78 = tpu.memref_slice %arg4[%add3A_60, %dma_start3A_77] : memref<125600x128xi32, #tpu.memory_space<hbm>> -> memref<1x128xi32, #tpu.memory_space<hbm>>
            tpu.enqueue_dma source(%dma_start3A_78 : memref<1x128xi32, #tpu.memory_space<hbm>>) target(%arg9 : memref<1x128xi32, #tpu.memory_space<vmem>>) target_semaphore(%run_scoped3A_74 : memref<!tpu.dma_semaphore, #tpu.memory_space<semaphore_mem>>)
            %dma_wait3A_79 = arith.constant 0 : i32
            %dma_wait3A_80 = tpu.memref_slice %arg4[%add3A_60, %dma_wait3A_79] : memref<125600x128xi32, #tpu.memory_space<hbm>> -> memref<1x128xi32, #tpu.memory_space<hbm>>
            %dma_wait3A_81 = arith.constant 0 : i32
            %dma_wait3A_82 = tpu.memref_slice %arg4[%add3A_60, %dma_wait3A_81] : memref<125600x128xi32, #tpu.memory_space<hbm>> -> memref<1x128xi32, #tpu.memory_space<hbm>>
            tpu.wait_dma2 semaphore(%run_scoped3A_74 : memref<!tpu.dma_semaphore, #tpu.memory_space<semaphore_mem>>) src(%dma_wait3A_82 : memref<1x128xi32, #tpu.memory_space<hbm>>) dst(%arg9 : memref<1x128xi32, #tpu.memory_space<vmem>>)
            tpu.yield
          }) : () -> ()
          %add3A_61 = arith.addi %mul3A_21, %add3A_59 : i32
          "tpu.region"() ({
            %run_scoped3A_74 = tpu.sem_alloc : memref<!tpu.dma_semaphore, #tpu.memory_space<semaphore_mem>>
            %dma_start3A_75 = arith.constant 0 : i32
            %dma_start3A_76 = tpu.memref_slice %arg5[%add3A_61, %dma_start3A_75] : memref<125600x128xi32, #tpu.memory_space<hbm>> -> memref<1x128xi32, #tpu.memory_space<hbm>>
            %dma_start3A_77 = arith.constant 0 : i32
            %dma_start3A_78 = tpu.memref_slice %arg5[%add3A_61, %dma_start3A_77] : memref<125600x128xi32, #tpu.memory_space<hbm>> -> memref<1x128xi32, #tpu.memory_space<hbm>>
            tpu.enqueue_dma source(%dma_start3A_78 : memref<1x128xi32, #tpu.memory_space<hbm>>) target(%arg10 : memref<1x128xi32, #tpu.memory_space<vmem>>) target_semaphore(%run_scoped3A_74 : memref<!tpu.dma_semaphore, #tpu.memory_space<semaphore_mem>>)
            %dma_wait3A_79 = arith.constant 0 : i32
            %dma_wait3A_80 = tpu.memref_slice %arg5[%add3A_61, %dma_wait3A_79] : memref<125600x128xi32, #tpu.memory_space<hbm>> -> memref<1x128xi32, #tpu.memory_space<hbm>>
            %dma_wait3A_81 = arith.constant 0 : i32
            %dma_wait3A_82 = tpu.memref_slice %arg5[%add3A_61, %dma_wait3A_81] : memref<125600x128xi32, #tpu.memory_space<hbm>> -> memref<1x128xi32, #tpu.memory_space<hbm>>
            tpu.wait_dma2 semaphore(%run_scoped3A_74 : memref<!tpu.dma_semaphore, #tpu.memory_space<semaphore_mem>>) src(%dma_wait3A_82 : memref<1x128xi32, #tpu.memory_space<hbm>>) dst(%arg10 : memref<1x128xi32, #tpu.memory_space<vmem>>)
            tpu.yield
          }) : () -> ()
          %dma_start3A = arith.constant 0 : i32
          %dma_start3A_62 = arith.constant 0 : i32
          %dma_start3A_63 = tpu.memref_slice %arg9[%dma_start3A, %dma_start3A_62] : memref<1x128xi32, #tpu.memory_space<vmem>> -> memref<1x128xi32, #tpu.memory_space<vmem>>
          %dma_start3A_64 = tpu.memref_squeeze %dma_start3A_63 : memref<1x128xi32, #tpu.memory_space<vmem>> -> memref<128xi32, #tpu.memory_space<vmem>>
          %dma_start3A_65 = arith.constant 0 : i32
          %dma_start3A_66 = arith.constant 0 : i32
          %dma_start3A_67 = tpu.memref_slice %arg2[%dma_start3A_65, %dma_start3A_66] : memref<320000x128xf32, #tpu.memory_space<hbm>> -> memref<320000x128xf32, #tpu.memory_space<hbm>>
          tpu.enqueue_indirect_dma source(%dma_start3A_67 : memref<320000x128xf32, #tpu.memory_space<hbm>>) target(%arg11 : memref<128x128xf32, #tpu.memory_space<vmem>>) offsets(%dma_start3A_64 : memref<128xi32, #tpu.memory_space<vmem>>) semaphore(%arg13 : memref<!tpu.dma_semaphore, #tpu.memory_space<semaphore_mem>>)
          %dma_wait3A = arith.constant 0 : i32
          %dma_wait3A_68 = arith.constant 0 : i32
          %dma_wait3A_69 = tpu.memref_slice %arg9[%dma_wait3A, %dma_wait3A_68] : memref<1x128xi32, #tpu.memory_space<vmem>> -> memref<1x128xi32, #tpu.memory_space<vmem>>
          %dma_wait3A_70 = tpu.memref_squeeze %dma_wait3A_69 : memref<1x128xi32, #tpu.memory_space<vmem>> -> memref<128xi32, #tpu.memory_space<vmem>>
          %dma_wait3A_71 = arith.constant 0 : i32
          %dma_wait3A_72 = arith.constant 0 : i32
          %dma_wait3A_73 = tpu.memref_slice %arg2[%dma_wait3A_71, %dma_wait3A_72] : memref<320000x128xf32, #tpu.memory_space<hbm>> -> memref<320000x128xf32, #tpu.memory_space<hbm>>
          tpu.wait_indirect_dma semaphore(%arg13 : memref<!tpu.dma_semaphore, #tpu.memory_space<semaphore_mem>>) src(%dma_wait3A_73 : memref<320000x128xf32, #tpu.memory_space<hbm>>) dst(%arg11 : memref<128x128xf32, #tpu.memory_space<vmem>>)
          %run_scoped3A = arith.constant 0 : i32
          "tpu.region"() ({
            %run_scoped3A_74 = tpu.sem_alloc : memref<!tpu.dma_semaphore, #tpu.memory_space<semaphore_mem>>
            %dma_start3A_75 = arith.constant 0 : i32
            %dma_start3A_76 = tpu.memref_slice %arg10[%run_scoped3A, %dma_start3A_75] : memref<1x128xi32, #tpu.memory_space<vmem>> -> memref<1x128xi32, #tpu.memory_space<vmem>>
            %dma_start3A_77 = tpu.memref_squeeze %dma_start3A_76 : memref<1x128xi32, #tpu.memory_space<vmem>> -> memref<128xi32, #tpu.memory_space<vmem>>
            %dma_start3A_78 = arith.constant 0 : i32
            %dma_start3A_79 = arith.constant 0 : i32
            %dma_start3A_80 = tpu.memref_slice %arg8[%dma_start3A_78, %dma_start3A_79] : memref<12808x128xf32, #tpu.memory_space<vmem_shared>> -> memref<12808x128xf32, #tpu.memory_space<vmem_shared>>
            tpu.enqueue_indirect_dma source(%arg11 : memref<128x128xf32, #tpu.memory_space<vmem>>) target(%dma_start3A_80 : memref<12808x128xf32, #tpu.memory_space<vmem_shared>>) offsets(%dma_start3A_77 : memref<128xi32, #tpu.memory_space<vmem>>) semaphore(%run_scoped3A_74 : memref<!tpu.dma_semaphore, #tpu.memory_space<semaphore_mem>>) {add = true}
            %dma_wait3A_81 = arith.constant 0 : i32
            %dma_wait3A_82 = tpu.memref_slice %arg10[%run_scoped3A, %dma_wait3A_81] : memref<1x128xi32, #tpu.memory_space<vmem>> -> memref<1x128xi32, #tpu.memory_space<vmem>>
            %dma_wait3A_83 = tpu.memref_squeeze %dma_wait3A_82 : memref<1x128xi32, #tpu.memory_space<vmem>> -> memref<128xi32, #tpu.memory_space<vmem>>
            %dma_wait3A_84 = arith.constant 0 : i32
            %dma_wait3A_85 = arith.constant 0 : i32
            %dma_wait3A_86 = tpu.memref_slice %arg8[%dma_wait3A_84, %dma_wait3A_85] : memref<12808x128xf32, #tpu.memory_space<vmem_shared>> -> memref<12808x128xf32, #tpu.memory_space<vmem_shared>>
            tpu.wait_indirect_dma semaphore(%run_scoped3A_74 : memref<!tpu.dma_semaphore, #tpu.memory_space<semaphore_mem>>) src(%arg11 : memref<128x128xf32, #tpu.memory_space<vmem>>) dst(%dma_wait3A_86 : memref<12808x128xf32, #tpu.memory_space<vmem_shared>>)
            tpu.yield
          }) : () -> ()
        }
        %while3A_52 = arith.constant 1 : i32
        scf.for %while3A_57 = %while3A_50 to %while3A_46 step %while3A_52  : i32 {
          %mul3A_58 = arith.muli %while3A_57, %while3A : i32
          %add3A_59 = arith.addi %while3A_43, %mul3A_58 : i32
          %add3A_60 = arith.addi %mul3A_21, %add3A_59 : i32
          "tpu.region"() ({
            %run_scoped3A_74 = tpu.sem_alloc : memref<!tpu.dma_semaphore, #tpu.memory_space<semaphore_mem>>
            %dma_start3A_75 = arith.constant 0 : i32
            %dma_start3A_76 = tpu.memref_slice %arg4[%add3A_60, %dma_start3A_75] : memref<125600x128xi32, #tpu.memory_space<hbm>> -> memref<1x128xi32, #tpu.memory_space<hbm>>
            %dma_start3A_77 = arith.constant 0 : i32
            %dma_start3A_78 = tpu.memref_slice %arg4[%add3A_60, %dma_start3A_77] : memref<125600x128xi32, #tpu.memory_space<hbm>> -> memref<1x128xi32, #tpu.memory_space<hbm>>
            tpu.enqueue_dma source(%dma_start3A_78 : memref<1x128xi32, #tpu.memory_space<hbm>>) target(%arg9 : memref<1x128xi32, #tpu.memory_space<vmem>>) target_semaphore(%run_scoped3A_74 : memref<!tpu.dma_semaphore, #tpu.memory_space<semaphore_mem>>)
            %dma_wait3A_79 = arith.constant 0 : i32
            %dma_wait3A_80 = tpu.memref_slice %arg4[%add3A_60, %dma_wait3A_79] : memref<125600x128xi32, #tpu.memory_space<hbm>> -> memref<1x128xi32, #tpu.memory_space<hbm>>
            %dma_wait3A_81 = arith.constant 0 : i32
            %dma_wait3A_82 = tpu.memref_slice %arg4[%add3A_60, %dma_wait3A_81] : memref<125600x128xi32, #tpu.memory_space<hbm>> -> memref<1x128xi32, #tpu.memory_space<hbm>>
            tpu.wait_dma2 semaphore(%run_scoped3A_74 : memref<!tpu.dma_semaphore, #tpu.memory_space<semaphore_mem>>) src(%dma_wait3A_82 : memref<1x128xi32, #tpu.memory_space<hbm>>) dst(%arg9 : memref<1x128xi32, #tpu.memory_space<vmem>>)
            tpu.yield
          }) : () -> ()
          %add3A_61 = arith.addi %mul3A_21, %add3A_59 : i32
          "tpu.region"() ({
            %run_scoped3A_74 = tpu.sem_alloc : memref<!tpu.dma_semaphore, #tpu.memory_space<semaphore_mem>>
            %dma_start3A_75 = arith.constant 0 : i32
            %dma_start3A_76 = tpu.memref_slice %arg5[%add3A_61, %dma_start3A_75] : memref<125600x128xi32, #tpu.memory_space<hbm>> -> memref<1x128xi32, #tpu.memory_space<hbm>>
            %dma_start3A_77 = arith.constant 0 : i32
            %dma_start3A_78 = tpu.memref_slice %arg5[%add3A_61, %dma_start3A_77] : memref<125600x128xi32, #tpu.memory_space<hbm>> -> memref<1x128xi32, #tpu.memory_space<hbm>>
            tpu.enqueue_dma source(%dma_start3A_78 : memref<1x128xi32, #tpu.memory_space<hbm>>) target(%arg10 : memref<1x128xi32, #tpu.memory_space<vmem>>) target_semaphore(%run_scoped3A_74 : memref<!tpu.dma_semaphore, #tpu.memory_space<semaphore_mem>>)
            %dma_wait3A_79 = arith.constant 0 : i32
            %dma_wait3A_80 = tpu.memref_slice %arg5[%add3A_61, %dma_wait3A_79] : memref<125600x128xi32, #tpu.memory_space<hbm>> -> memref<1x128xi32, #tpu.memory_space<hbm>>
            %dma_wait3A_81 = arith.constant 0 : i32
            %dma_wait3A_82 = tpu.memref_slice %arg5[%add3A_61, %dma_wait3A_81] : memref<125600x128xi32, #tpu.memory_space<hbm>> -> memref<1x128xi32, #tpu.memory_space<hbm>>
            tpu.wait_dma2 semaphore(%run_scoped3A_74 : memref<!tpu.dma_semaphore, #tpu.memory_space<semaphore_mem>>) src(%dma_wait3A_82 : memref<1x128xi32, #tpu.memory_space<hbm>>) dst(%arg10 : memref<1x128xi32, #tpu.memory_space<vmem>>)
            tpu.yield
          }) : () -> ()
          %dma_start3A = arith.constant 0 : i32
          %dma_start3A_62 = arith.constant 0 : i32
          %dma_start3A_63 = tpu.memref_slice %arg9[%dma_start3A, %dma_start3A_62] : memref<1x128xi32, #tpu.memory_space<vmem>> -> memref<1x128xi32, #tpu.memory_space<vmem>>
          %dma_start3A_64 = tpu.memref_squeeze %dma_start3A_63 : memref<1x128xi32, #tpu.memory_space<vmem>> -> memref<128xi32, #tpu.memory_space<vmem>>
          %dma_start3A_65 = arith.constant 0 : i32
          %dma_start3A_66 = arith.constant 0 : i32
          %dma_start3A_67 = tpu.memref_slice %arg2[%dma_start3A_65, %dma_start3A_66] : memref<320000x128xf32, #tpu.memory_space<hbm>> -> memref<320000x128xf32, #tpu.memory_space<hbm>>
          tpu.enqueue_indirect_dma source(%dma_start3A_67 : memref<320000x128xf32, #tpu.memory_space<hbm>>) target(%arg11 : memref<128x128xf32, #tpu.memory_space<vmem>>) offsets(%dma_start3A_64 : memref<128xi32, #tpu.memory_space<vmem>>) semaphore(%arg13 : memref<!tpu.dma_semaphore, #tpu.memory_space<semaphore_mem>>)
          %dma_wait3A = arith.constant 0 : i32
          %dma_wait3A_68 = arith.constant 0 : i32
          %dma_wait3A_69 = tpu.memref_slice %arg9[%dma_wait3A, %dma_wait3A_68] : memref<1x128xi32, #tpu.memory_space<vmem>> -> memref<1x128xi32, #tpu.memory_space<vmem>>
          %dma_wait3A_70 = tpu.memref_squeeze %dma_wait3A_69 : memref<1x128xi32, #tpu.memory_space<vmem>> -> memref<128xi32, #tpu.memory_space<vmem>>
          %dma_wait3A_71 = arith.constant 0 : i32
          %dma_wait3A_72 = arith.constant 0 : i32
          %dma_wait3A_73 = tpu.memref_slice %arg2[%dma_wait3A_71, %dma_wait3A_72] : memref<320000x128xf32, #tpu.memory_space<hbm>> -> memref<320000x128xf32, #tpu.memory_space<hbm>>
          tpu.wait_indirect_dma semaphore(%arg13 : memref<!tpu.dma_semaphore, #tpu.memory_space<semaphore_mem>>) src(%dma_wait3A_73 : memref<320000x128xf32, #tpu.memory_space<hbm>>) dst(%arg11 : memref<128x128xf32, #tpu.memory_space<vmem>>)
          %run_scoped3A = arith.constant 0 : i32
          "tpu.region"() ({
            %run_scoped3A_74 = tpu.sem_alloc : memref<!tpu.dma_semaphore, #tpu.memory_space<semaphore_mem>>
            %dma_start3A_75 = arith.constant 0 : i32
            %dma_start3A_76 = tpu.memref_slice %arg10[%run_scoped3A, %dma_start3A_75] : memref<1x128xi32, #tpu.memory_space<vmem>> -> memref<1x128xi32, #tpu.memory_space<vmem>>
            %dma_start3A_77 = tpu.memref_squeeze %dma_start3A_76 : memref<1x128xi32, #tpu.memory_space<vmem>> -> memref<128xi32, #tpu.memory_space<vmem>>
            %dma_start3A_78 = arith.constant 0 : i32
            %dma_start3A_79 = arith.constant 0 : i32
            %dma_start3A_80 = tpu.memref_slice %arg8[%dma_start3A_78, %dma_start3A_79] : memref<12808x128xf32, #tpu.memory_space<vmem_shared>> -> memref<12808x128xf32, #tpu.memory_space<vmem_shared>>
            tpu.enqueue_indirect_dma source(%arg11 : memref<128x128xf32, #tpu.memory_space<vmem>>) target(%dma_start3A_80 : memref<12808x128xf32, #tpu.memory_space<vmem_shared>>) offsets(%dma_start3A_77 : memref<128xi32, #tpu.memory_space<vmem>>) semaphore(%run_scoped3A_74 : memref<!tpu.dma_semaphore, #tpu.memory_space<semaphore_mem>>) {add = true}
            %dma_wait3A_81 = arith.constant 0 : i32
            %dma_wait3A_82 = tpu.memref_slice %arg10[%run_scoped3A, %dma_wait3A_81] : memref<1x128xi32, #tpu.memory_space<vmem>> -> memref<1x128xi32, #tpu.memory_space<vmem>>
            %dma_wait3A_83 = tpu.memref_squeeze %dma_wait3A_82 : memref<1x128xi32, #tpu.memory_space<vmem>> -> memref<128xi32, #tpu.memory_space<vmem>>
            %dma_wait3A_84 = arith.constant 0 : i32
            %dma_wait3A_85 = arith.constant 0 : i32
            %dma_wait3A_86 = tpu.memref_slice %arg8[%dma_wait3A_84, %dma_wait3A_85] : memref<12808x128xf32, #tpu.memory_space<vmem_shared>> -> memref<12808x128xf32, #tpu.memory_space<vmem_shared>>
            tpu.wait_indirect_dma semaphore(%run_scoped3A_74 : memref<!tpu.dma_semaphore, #tpu.memory_space<semaphore_mem>>) src(%arg11 : memref<128x128xf32, #tpu.memory_space<vmem>>) dst(%dma_wait3A_86 : memref<12808x128xf32, #tpu.memory_space<vmem_shared>>)
            tpu.yield
          }) : () -> ()
        }
        %barrier3A_53 = arith.constant 0 : index
        tpu.barrier barrier_id(%barrier3A_53)
        %mul3A_54 = arith.constant 800 : i32
        %mul3A_55 = arith.muli %arg1, %mul3A_54 : i32
        "tpu.region"() ({
          %run_scoped3A = tpu.sem_alloc : memref<!tpu.dma_semaphore, #tpu.memory_space<semaphore_mem>>
          %dma_start3A = arith.constant 0 : i32
          %dma_start3A_57 = tpu.memref_slice %arg7[%add3A_16, %dma_start3A] : memref<320000x128xf32, #tpu.memory_space<hbm>> -> memref<800x128xf32, #tpu.memory_space<hbm>>
          %dma_start3A_58 = arith.constant 0 : i32
          %dma_start3A_59 = tpu.memref_slice %arg8[%mul3A_55, %dma_start3A_58] : memref<12808x128xf32, #tpu.memory_space<vmem_shared>> -> memref<800x128xf32, #tpu.memory_space<vmem_shared>>
          tpu.enqueue_dma source(%dma_start3A_59 : memref<800x128xf32, #tpu.memory_space<vmem_shared>>) target(%dma_start3A_57 : memref<800x128xf32, #tpu.memory_space<hbm>>) target_semaphore(%run_scoped3A : memref<!tpu.dma_semaphore, #tpu.memory_space<semaphore_mem>>)
          %dma_wait3A = arith.constant 0 : i32
          %dma_wait3A_60 = tpu.memref_slice %arg7[%add3A_16, %dma_wait3A] : memref<320000x128xf32, #tpu.memory_space<hbm>> -> memref<800x128xf32, #tpu.memory_space<hbm>>
          %dma_wait3A_61 = arith.constant 0 : i32
          %dma_wait3A_62 = tpu.memref_slice %arg8[%mul3A_55, %dma_wait3A_61] : memref<12808x128xf32, #tpu.memory_space<vmem_shared>> -> memref<800x128xf32, #tpu.memory_space<vmem_shared>>
          tpu.wait_dma2 semaphore(%run_scoped3A : memref<!tpu.dma_semaphore, #tpu.memory_space<semaphore_mem>>) src(%dma_wait3A_62 : memref<800x128xf32, #tpu.memory_space<vmem_shared>>) dst(%dma_wait3A_60 : memref<800x128xf32, #tpu.memory_space<hbm>>)
          tpu.yield
        }) : () -> ()
        %barrier3A_56 = arith.constant 0 : index
        tpu.barrier barrier_id(%barrier3A_56)
      } else {
      }
    }
    %scan3A_3 = arith.constant 13 : i32
    return
  }
}

#map = affine_map<(d0, d1) -> (0, 0)>
#map1 = affine_map<(d0, d1) -> (0)>
module attributes {stable_mosaic.version = 14 : i64} {
  func.func @_replay_kernel(%arg0: i32, %arg1: i32, %arg2: memref<320000x128xf32, #tpu.memory_space<hbm>>, %arg3: memref<320000x128xf32, #tpu.memory_space<hbm>>, %arg4: memref<125600x128xi32, #tpu.memory_space<hbm>>, %arg5: memref<125600x128xi32, #tpu.memory_space<hbm>>, %arg6: memref<6400xi32, #tpu.memory_space<hbm>>, %arg7: memref<320000x128xf32, #tpu.memory_space<hbm>>, %arg8: memref<12808x128xf32, #tpu.memory_space<vmem_shared>>, %arg9: memref<1x128xi32, #tpu.memory_space<vmem>>, %arg10: memref<1x128xi32, #tpu.memory_space<vmem>>, %arg11: memref<128x128xf32, #tpu.memory_space<vmem>>, %arg12: memref<16xi32, #tpu.memory_space<vmem>>, %arg13: memref<!tpu.dma_semaphore, #tpu.memory_space<semaphore_mem>>) attributes {dimension_semantics = [#tpu.dimension_semantics<core_parallel>, #tpu.dimension_semantics<subcore_parallel>], iteration_bounds = array<i64: 2, 16>, scalar_prefetch = 0 : i64, scratch_operands = 6 : i64, tpu.core_type = #tpu.core_type<sc_vector_subcore>, window_params = [{transform_indices = #map}, {transform_indices = #map}, {transform_indices = #map}, {transform_indices = #map}, {transform_indices = #map1}, {transform_indices = #map}]} {
    %scan3A = arith.constant 0 : i32
    %scan3A_0 = arith.constant 13 : i32
    %scan3A_1 = arith.addi %scan3A, %scan3A_0 : i32
    %scan3A_2 = arith.constant 1 : i32
    scf.for %scan3A_4 = %scan3A to %scan3A_1 step %scan3A_2  : i32 {
      %mul3A = arith.constant 1 : i32
      %mul3A_5 = arith.muli %scan3A_4, %mul3A : i32
      %add3A = arith.constant 0 : i32
      %add3A_6 = arith.addi %add3A, %mul3A_5 : i32
      %mul3A_7 = arith.constant 13 : i32
      %mul3A_8 = arith.muli %arg0, %mul3A_7 : i32
      %add3A_9 = arith.addi %mul3A_8, %add3A_6 : i32
      %lt3A = arith.constant 25 : i32
      %lt3A_10 = arith.cmpi slt, %add3A_9, %lt3A : i32
      %convert_element_type3A = arith.extui %lt3A_10 : i1 to i32
      %cond3A = arith.constant 0 : i32
      %cond3A_11 = arith.cmpi ne, %convert_element_type3A, %cond3A : i32
      scf.if %cond3A_11 {
        %mul3A_12 = arith.constant 12800 : i32
        %mul3A_13 = arith.muli %add3A_9, %mul3A_12 : i32
        %mul3A_14 = arith.constant 800 : i32
        %mul3A_15 = arith.muli %arg1, %mul3A_14 : i32
        %add3A_16 = arith.addi %mul3A_13, %mul3A_15 : i32
        %mul3A_17 = arith.constant 16 : i32
        %mul3A_18 = arith.muli %add3A_9, %mul3A_17 : i32
        %add3A_19 = arith.addi %mul3A_18, %arg1 : i32
        %mul3A_20 = arith.constant 314 : i32
        %mul3A_21 = arith.muli %add3A_19, %mul3A_20 : i32
        %mul3A_22 = arith.constant 800 : i32
        %mul3A_23 = arith.muli %arg1, %mul3A_22 : i32
        "tpu.region"() ({
          %run_scoped3A = tpu.sem_alloc : memref<!tpu.dma_semaphore, #tpu.memory_space<semaphore_mem>>
          %dma_start3A = arith.constant 0 : i32
          %dma_start3A_57 = tpu.memref_slice %arg8[%mul3A_23, %dma_start3A] : memref<12808x128xf32, #tpu.memory_space<vmem_shared>> -> memref<800x128xf32, #tpu.memory_space<vmem_shared>>
          %dma_start3A_58 = arith.constant 0 : i32
          %dma_start3A_59 = tpu.memref_slice %arg3[%add3A_16, %dma_start3A_58] : memref<320000x128xf32, #tpu.memory_space<hbm>> -> memref<800x128xf32, #tpu.memory_space<hbm>>
          tpu.enqueue_dma source(%dma_start3A_59 : memref<800x128xf32, #tpu.memory_space<hbm>>) target(%dma_start3A_57 : memref<800x128xf32, #tpu.memory_space<vmem_shared>>) target_semaphore(%run_scoped3A : memref<!tpu.dma_semaphore, #tpu.memory_space<semaphore_mem>>)
          %dma_wait3A = arith.constant 0 : i32
          %dma_wait3A_60 = tpu.memref_slice %arg8[%mul3A_23, %dma_wait3A] : memref<12808x128xf32, #tpu.memory_space<vmem_shared>> -> memref<800x128xf32, #tpu.memory_space<vmem_shared>>
          %dma_wait3A_61 = arith.constant 0 : i32
          %dma_wait3A_62 = tpu.memref_slice %arg3[%add3A_16, %dma_wait3A_61] : memref<320000x128xf32, #tpu.memory_space<hbm>> -> memref<800x128xf32, #tpu.memory_space<hbm>>
          tpu.wait_dma2 semaphore(%run_scoped3A : memref<!tpu.dma_semaphore, #tpu.memory_space<semaphore_mem>>) src(%dma_wait3A_62 : memref<800x128xf32, #tpu.memory_space<hbm>>) dst(%dma_wait3A_60 : memref<800x128xf32, #tpu.memory_space<vmem_shared>>)
          tpu.yield
        }) : () -> ()
        %mul3A_24 = arith.constant 16 : i32
        %mul3A_25 = arith.muli %add3A_9, %mul3A_24 : i32
        %add3A_26 = arith.addi %mul3A_25, %arg1 : i32
        %mul3A_27 = arith.constant 16 : i32
        %mul3A_28 = arith.muli %add3A_26, %mul3A_27 : i32
        "tpu.region"() ({
          %run_scoped3A = tpu.sem_alloc : memref<!tpu.dma_semaphore, #tpu.memory_space<semaphore_mem>>
          %dma_start3A = tpu.memref_slice %arg6[%mul3A_28] : memref<6400xi32, #tpu.memory_space<hbm>> -> memref<16xi32, #tpu.memory_space<hbm>>
          %dma_start3A_57 = tpu.memref_slice %arg6[%mul3A_28] : memref<6400xi32, #tpu.memory_space<hbm>> -> memref<16xi32, #tpu.memory_space<hbm>>
          tpu.enqueue_dma source(%dma_start3A_57 : memref<16xi32, #tpu.memory_space<hbm>>) target(%arg12 : memref<16xi32, #tpu.memory_space<vmem>>) target_semaphore(%run_scoped3A : memref<!tpu.dma_semaphore, #tpu.memory_space<semaphore_mem>>)
          %dma_wait3A = tpu.memref_slice %arg6[%mul3A_28] : memref<6400xi32, #tpu.memory_space<hbm>> -> memref<16xi32, #tpu.memory_space<hbm>>
          %dma_wait3A_58 = tpu.memref_slice %arg6[%mul3A_28] : memref<6400xi32, #tpu.memory_space<hbm>> -> memref<16xi32, #tpu.memory_space<hbm>>
          tpu.wait_dma2 semaphore(%run_scoped3A : memref<!tpu.dma_semaphore, #tpu.memory_space<semaphore_mem>>) src(%dma_wait3A_58 : memref<16xi32, #tpu.memory_space<hbm>>) dst(%arg12 : memref<16xi32, #tpu.memory_space<vmem>>)
          tpu.yield
        }) : () -> ()
        %barrier3A = arith.constant 0 : index
        tpu.barrier barrier_id(%barrier3A)
        %get3A = arith.constant 0 : index
        %get3A_29 = tpu.vector_load %arg12[%get3A] {strides = array<i32>} : memref<16xi32, #tpu.memory_space<vmem>>, vector<16xi32>,
        %reduce_max3A = arith.constant true
        %reduce_max3A_30 = vector.broadcast %reduce_max3A : i1 to vector<16xi1>
        %reduce_max3A_31 = arith.constant -2147483648 : i32
        %reduce_max3A_32 = vector.broadcast %reduce_max3A_31 : i32 to vector<16xi32>
        %reduce_max3A_33 = arith.xori %get3A_29, %reduce_max3A_32 : vector<16xi32>
        %reduce_max3A_34 = tpu.scan <max>, %reduce_max3A_33 masked %reduce_max3A_30 : vector<16xi32>, vector<16xi1> -> vector<16xi32>
        %reduce_max3A_35 = arith.xori %reduce_max3A_34, %reduce_max3A_32 : vector<16xi32>
        %reduce_max3A_36 = vector.extract %reduce_max3A_35[15] : i32 from vector<16xi32>
        %sub3A = arith.constant 0 : i32
        %sub3A_37 = arith.subi %reduce_max3A_36, %sub3A : i32
        %sub3A_38 = arith.constant 1 : i32
        %sub3A_39 = arith.constant 1 : i32
        %sub3A_40 = arith.subi %sub3A_38, %sub3A_39 : i32
        %add3A_41 = arith.addi %sub3A_37, %sub3A_40 : i32
        %div3A = arith.constant 1 : i32
        %div3A_42 = arith.divsi %add3A_41, %div3A : i32
        %while3A = arith.constant 1 : i32
        %while3A_43 = arith.constant 0 : i32
        %while3A_44 = arith.constant 0 : i32
        %while3A_45 = arith.subi %div3A_42, %while3A_44 : i32
        %while3A_46 = arith.addi %while3A_44, %while3A_45 : i32
        %while3A_47 = arith.constant 1 : i32
        %while3A_48 = arith.divsi %while3A_45, %while3A_47 : i32
        %while3A_49 = arith.muli %while3A_48, %while3A_47 : i32
        %while3A_50 = arith.addi %while3A_44, %while3A_49 : i32
        %while3A_51 = arith.constant 1 : i32
        scf.for %while3A_57 = %while3A_44 to %while3A_50 step %while3A_51  : i32 {
          %mul3A_58 = arith.muli %while3A_57, %while3A : i32
          %add3A_59 = arith.addi %while3A_43, %mul3A_58 : i32
          %add3A_60 = arith.addi %mul3A_21, %add3A_59 : i32
          "tpu.region"() ({
            %run_scoped3A_74 = tpu.sem_alloc : memref<!tpu.dma_semaphore, #tpu.memory_space<semaphore_mem>>
            %dma_start3A_75 = arith.constant 0 : i32
            %dma_start3A_76 = tpu.memref_slice %arg4[%add3A_60, %dma_start3A_75] : memref<125600x128xi32, #tpu.memory_space<hbm>> -> memref<1x128xi32, #tpu.memory_space<hbm>>
            %dma_start3A_77 = arith.constant 0 : i32
            %dma_start3A_78 = tpu.memref_slice %arg4[%add3A_60, %dma_start3A_77] : memref<125600x128xi32, #tpu.memory_space<hbm>> -> memref<1x128xi32, #tpu.memory_space<hbm>>
            tpu.enqueue_dma source(%dma_start3A_78 : memref<1x128xi32, #tpu.memory_space<hbm>>) target(%arg9 : memref<1x128xi32, #tpu.memory_space<vmem>>) target_semaphore(%run_scoped3A_74 : memref<!tpu.dma_semaphore, #tpu.memory_space<semaphore_mem>>)
            %dma_wait3A_79 = arith.constant 0 : i32
            %dma_wait3A_80 = tpu.memref_slice %arg4[%add3A_60, %dma_wait3A_79] : memref<125600x128xi32, #tpu.memory_space<hbm>> -> memref<1x128xi32, #tpu.memory_space<hbm>>
            %dma_wait3A_81 = arith.constant 0 : i32
            %dma_wait3A_82 = tpu.memref_slice %arg4[%add3A_60, %dma_wait3A_81] : memref<125600x128xi32, #tpu.memory_space<hbm>> -> memref<1x128xi32, #tpu.memory_space<hbm>>
            tpu.wait_dma2 semaphore(%run_scoped3A_74 : memref<!tpu.dma_semaphore, #tpu.memory_space<semaphore_mem>>) src(%dma_wait3A_82 : memref<1x128xi32, #tpu.memory_space<hbm>>) dst(%arg9 : memref<1x128xi32, #tpu.memory_space<vmem>>)
            tpu.yield
          }) : () -> ()
          %add3A_61 = arith.addi %mul3A_21, %add3A_59 : i32
          "tpu.region"() ({
            %run_scoped3A_74 = tpu.sem_alloc : memref<!tpu.dma_semaphore, #tpu.memory_space<semaphore_mem>>
            %dma_start3A_75 = arith.constant 0 : i32
            %dma_start3A_76 = tpu.memref_slice %arg5[%add3A_61, %dma_start3A_75] : memref<125600x128xi32, #tpu.memory_space<hbm>> -> memref<1x128xi32, #tpu.memory_space<hbm>>
            %dma_start3A_77 = arith.constant 0 : i32
            %dma_start3A_78 = tpu.memref_slice %arg5[%add3A_61, %dma_start3A_77] : memref<125600x128xi32, #tpu.memory_space<hbm>> -> memref<1x128xi32, #tpu.memory_space<hbm>>
            tpu.enqueue_dma source(%dma_start3A_78 : memref<1x128xi32, #tpu.memory_space<hbm>>) target(%arg10 : memref<1x128xi32, #tpu.memory_space<vmem>>) target_semaphore(%run_scoped3A_74 : memref<!tpu.dma_semaphore, #tpu.memory_space<semaphore_mem>>)
            %dma_wait3A_79 = arith.constant 0 : i32
            %dma_wait3A_80 = tpu.memref_slice %arg5[%add3A_61, %dma_wait3A_79] : memref<125600x128xi32, #tpu.memory_space<hbm>> -> memref<1x128xi32, #tpu.memory_space<hbm>>
            %dma_wait3A_81 = arith.constant 0 : i32
            %dma_wait3A_82 = tpu.memref_slice %arg5[%add3A_61, %dma_wait3A_81] : memref<125600x128xi32, #tpu.memory_space<hbm>> -> memref<1x128xi32, #tpu.memory_space<hbm>>
            tpu.wait_dma2 semaphore(%run_scoped3A_74 : memref<!tpu.dma_semaphore, #tpu.memory_space<semaphore_mem>>) src(%dma_wait3A_82 : memref<1x128xi32, #tpu.memory_space<hbm>>) dst(%arg10 : memref<1x128xi32, #tpu.memory_space<vmem>>)
            tpu.yield
          }) : () -> ()
          %dma_start3A = arith.constant 0 : i32
          %dma_start3A_62 = arith.constant 0 : i32
          %dma_start3A_63 = tpu.memref_slice %arg9[%dma_start3A, %dma_start3A_62] : memref<1x128xi32, #tpu.memory_space<vmem>> -> memref<1x128xi32, #tpu.memory_space<vmem>>
          %dma_start3A_64 = tpu.memref_squeeze %dma_start3A_63 : memref<1x128xi32, #tpu.memory_space<vmem>> -> memref<128xi32, #tpu.memory_space<vmem>>
          %dma_start3A_65 = arith.constant 0 : i32
          %dma_start3A_66 = arith.constant 0 : i32
          %dma_start3A_67 = tpu.memref_slice %arg2[%dma_start3A_65, %dma_start3A_66] : memref<320000x128xf32, #tpu.memory_space<hbm>> -> memref<320000x128xf32, #tpu.memory_space<hbm>>
          tpu.enqueue_indirect_dma source(%dma_start3A_67 : memref<320000x128xf32, #tpu.memory_space<hbm>>) target(%arg11 : memref<128x128xf32, #tpu.memory_space<vmem>>) offsets(%dma_start3A_64 : memref<128xi32, #tpu.memory_space<vmem>>) semaphore(%arg13 : memref<!tpu.dma_semaphore, #tpu.memory_space<semaphore_mem>>)
          %dma_wait3A = arith.constant 0 : i32
          %dma_wait3A_68 = arith.constant 0 : i32
          %dma_wait3A_69 = tpu.memref_slice %arg9[%dma_wait3A, %dma_wait3A_68] : memref<1x128xi32, #tpu.memory_space<vmem>> -> memref<1x128xi32, #tpu.memory_space<vmem>>
          %dma_wait3A_70 = tpu.memref_squeeze %dma_wait3A_69 : memref<1x128xi32, #tpu.memory_space<vmem>> -> memref<128xi32, #tpu.memory_space<vmem>>
          %dma_wait3A_71 = arith.constant 0 : i32
          %dma_wait3A_72 = arith.constant 0 : i32
          %dma_wait3A_73 = tpu.memref_slice %arg2[%dma_wait3A_71, %dma_wait3A_72] : memref<320000x128xf32, #tpu.memory_space<hbm>> -> memref<320000x128xf32, #tpu.memory_space<hbm>>
          tpu.wait_indirect_dma semaphore(%arg13 : memref<!tpu.dma_semaphore, #tpu.memory_space<semaphore_mem>>) src(%dma_wait3A_73 : memref<320000x128xf32, #tpu.memory_space<hbm>>) dst(%arg11 : memref<128x128xf32, #tpu.memory_space<vmem>>)
          %run_scoped3A = arith.constant 0 : i32
          "tpu.region"() ({
            %run_scoped3A_74 = tpu.sem_alloc : memref<!tpu.dma_semaphore, #tpu.memory_space<semaphore_mem>>
            %dma_start3A_75 = arith.constant 0 : i32
            %dma_start3A_76 = tpu.memref_slice %arg10[%run_scoped3A, %dma_start3A_75] : memref<1x128xi32, #tpu.memory_space<vmem>> -> memref<1x128xi32, #tpu.memory_space<vmem>>
            %dma_start3A_77 = tpu.memref_squeeze %dma_start3A_76 : memref<1x128xi32, #tpu.memory_space<vmem>> -> memref<128xi32, #tpu.memory_space<vmem>>
            %dma_start3A_78 = arith.constant 0 : i32
            %dma_start3A_79 = arith.constant 0 : i32
            %dma_start3A_80 = tpu.memref_slice %arg8[%dma_start3A_78, %dma_start3A_79] : memref<12808x128xf32, #tpu.memory_space<vmem_shared>> -> memref<12808x128xf32, #tpu.memory_space<vmem_shared>>
            tpu.enqueue_indirect_dma source(%arg11 : memref<128x128xf32, #tpu.memory_space<vmem>>) target(%dma_start3A_80 : memref<12808x128xf32, #tpu.memory_space<vmem_shared>>) offsets(%dma_start3A_77 : memref<128xi32, #tpu.memory_space<vmem>>) semaphore(%run_scoped3A_74 : memref<!tpu.dma_semaphore, #tpu.memory_space<semaphore_mem>>) {add = true}
            %dma_wait3A_81 = arith.constant 0 : i32
            %dma_wait3A_82 = tpu.memref_slice %arg10[%run_scoped3A, %dma_wait3A_81] : memref<1x128xi32, #tpu.memory_space<vmem>> -> memref<1x128xi32, #tpu.memory_space<vmem>>
            %dma_wait3A_83 = tpu.memref_squeeze %dma_wait3A_82 : memref<1x128xi32, #tpu.memory_space<vmem>> -> memref<128xi32, #tpu.memory_space<vmem>>
            %dma_wait3A_84 = arith.constant 0 : i32
            %dma_wait3A_85 = arith.constant 0 : i32
            %dma_wait3A_86 = tpu.memref_slice %arg8[%dma_wait3A_84, %dma_wait3A_85] : memref<12808x128xf32, #tpu.memory_space<vmem_shared>> -> memref<12808x128xf32, #tpu.memory_space<vmem_shared>>
            tpu.wait_indirect_dma semaphore(%run_scoped3A_74 : memref<!tpu.dma_semaphore, #tpu.memory_space<semaphore_mem>>) src(%arg11 : memref<128x128xf32, #tpu.memory_space<vmem>>) dst(%dma_wait3A_86 : memref<12808x128xf32, #tpu.memory_space<vmem_shared>>)
            tpu.yield
          }) : () -> ()
        }
        %while3A_52 = arith.constant 1 : i32
        scf.for %while3A_57 = %while3A_50 to %while3A_46 step %while3A_52  : i32 {
          %mul3A_58 = arith.muli %while3A_57, %while3A : i32
          %add3A_59 = arith.addi %while3A_43, %mul3A_58 : i32
          %add3A_60 = arith.addi %mul3A_21, %add3A_59 : i32
          "tpu.region"() ({
            %run_scoped3A_74 = tpu.sem_alloc : memref<!tpu.dma_semaphore, #tpu.memory_space<semaphore_mem>>
            %dma_start3A_75 = arith.constant 0 : i32
            %dma_start3A_76 = tpu.memref_slice %arg4[%add3A_60, %dma_start3A_75] : memref<125600x128xi32, #tpu.memory_space<hbm>> -> memref<1x128xi32, #tpu.memory_space<hbm>>
            %dma_start3A_77 = arith.constant 0 : i32
            %dma_start3A_78 = tpu.memref_slice %arg4[%add3A_60, %dma_start3A_77] : memref<125600x128xi32, #tpu.memory_space<hbm>> -> memref<1x128xi32, #tpu.memory_space<hbm>>
            tpu.enqueue_dma source(%dma_start3A_78 : memref<1x128xi32, #tpu.memory_space<hbm>>) target(%arg9 : memref<1x128xi32, #tpu.memory_space<vmem>>) target_semaphore(%run_scoped3A_74 : memref<!tpu.dma_semaphore, #tpu.memory_space<semaphore_mem>>)
            %dma_wait3A_79 = arith.constant 0 : i32
            %dma_wait3A_80 = tpu.memref_slice %arg4[%add3A_60, %dma_wait3A_79] : memref<125600x128xi32, #tpu.memory_space<hbm>> -> memref<1x128xi32, #tpu.memory_space<hbm>>
            %dma_wait3A_81 = arith.constant 0 : i32
            %dma_wait3A_82 = tpu.memref_slice %arg4[%add3A_60, %dma_wait3A_81] : memref<125600x128xi32, #tpu.memory_space<hbm>> -> memref<1x128xi32, #tpu.memory_space<hbm>>
            tpu.wait_dma2 semaphore(%run_scoped3A_74 : memref<!tpu.dma_semaphore, #tpu.memory_space<semaphore_mem>>) src(%dma_wait3A_82 : memref<1x128xi32, #tpu.memory_space<hbm>>) dst(%arg9 : memref<1x128xi32, #tpu.memory_space<vmem>>)
            tpu.yield
          }) : () -> ()
          %add3A_61 = arith.addi %mul3A_21, %add3A_59 : i32
          "tpu.region"() ({
            %run_scoped3A_74 = tpu.sem_alloc : memref<!tpu.dma_semaphore, #tpu.memory_space<semaphore_mem>>
            %dma_start3A_75 = arith.constant 0 : i32
            %dma_start3A_76 = tpu.memref_slice %arg5[%add3A_61, %dma_start3A_75] : memref<125600x128xi32, #tpu.memory_space<hbm>> -> memref<1x128xi32, #tpu.memory_space<hbm>>
            %dma_start3A_77 = arith.constant 0 : i32
            %dma_start3A_78 = tpu.memref_slice %arg5[%add3A_61, %dma_start3A_77] : memref<125600x128xi32, #tpu.memory_space<hbm>> -> memref<1x128xi32, #tpu.memory_space<hbm>>
            tpu.enqueue_dma source(%dma_start3A_78 : memref<1x128xi32, #tpu.memory_space<hbm>>) target(%arg10 : memref<1x128xi32, #tpu.memory_space<vmem>>) target_semaphore(%run_scoped3A_74 : memref<!tpu.dma_semaphore, #tpu.memory_space<semaphore_mem>>)
            %dma_wait3A_79 = arith.constant 0 : i32
            %dma_wait3A_80 = tpu.memref_slice %arg5[%add3A_61, %dma_wait3A_79] : memref<125600x128xi32, #tpu.memory_space<hbm>> -> memref<1x128xi32, #tpu.memory_space<hbm>>
            %dma_wait3A_81 = arith.constant 0 : i32
            %dma_wait3A_82 = tpu.memref_slice %arg5[%add3A_61, %dma_wait3A_81] : memref<125600x128xi32, #tpu.memory_space<hbm>> -> memref<1x128xi32, #tpu.memory_space<hbm>>
            tpu.wait_dma2 semaphore(%run_scoped3A_74 : memref<!tpu.dma_semaphore, #tpu.memory_space<semaphore_mem>>) src(%dma_wait3A_82 : memref<1x128xi32, #tpu.memory_space<hbm>>) dst(%arg10 : memref<1x128xi32, #tpu.memory_space<vmem>>)
            tpu.yield
          }) : () -> ()
          %dma_start3A = arith.constant 0 : i32
          %dma_start3A_62 = arith.constant 0 : i32
          %dma_start3A_63 = tpu.memref_slice %arg9[%dma_start3A, %dma_start3A_62] : memref<1x128xi32, #tpu.memory_space<vmem>> -> memref<1x128xi32, #tpu.memory_space<vmem>>
          %dma_start3A_64 = tpu.memref_squeeze %dma_start3A_63 : memref<1x128xi32, #tpu.memory_space<vmem>> -> memref<128xi32, #tpu.memory_space<vmem>>
          %dma_start3A_65 = arith.constant 0 : i32
          %dma_start3A_66 = arith.constant 0 : i32
          %dma_start3A_67 = tpu.memref_slice %arg2[%dma_start3A_65, %dma_start3A_66] : memref<320000x128xf32, #tpu.memory_space<hbm>> -> memref<320000x128xf32, #tpu.memory_space<hbm>>
          tpu.enqueue_indirect_dma source(%dma_start3A_67 : memref<320000x128xf32, #tpu.memory_space<hbm>>) target(%arg11 : memref<128x128xf32, #tpu.memory_space<vmem>>) offsets(%dma_start3A_64 : memref<128xi32, #tpu.memory_space<vmem>>) semaphore(%arg13 : memref<!tpu.dma_semaphore, #tpu.memory_space<semaphore_mem>>)
          %dma_wait3A = arith.constant 0 : i32
          %dma_wait3A_68 = arith.constant 0 : i32
          %dma_wait3A_69 = tpu.memref_slice %arg9[%dma_wait3A, %dma_wait3A_68] : memref<1x128xi32, #tpu.memory_space<vmem>> -> memref<1x128xi32, #tpu.memory_space<vmem>>
          %dma_wait3A_70 = tpu.memref_squeeze %dma_wait3A_69 : memref<1x128xi32, #tpu.memory_space<vmem>> -> memref<128xi32, #tpu.memory_space<vmem>>
          %dma_wait3A_71 = arith.constant 0 : i32
          %dma_wait3A_72 = arith.constant 0 : i32
          %dma_wait3A_73 = tpu.memref_slice %arg2[%dma_wait3A_71, %dma_wait3A_72] : memref<320000x128xf32, #tpu.memory_space<hbm>> -> memref<320000x128xf32, #tpu.memory_space<hbm>>
          tpu.wait_indirect_dma semaphore(%arg13 : memref<!tpu.dma_semaphore, #tpu.memory_space<semaphore_mem>>) src(%dma_wait3A_73 : memref<320000x128xf32, #tpu.memory_space<hbm>>) dst(%arg11 : memref<128x128xf32, #tpu.memory_space<vmem>>)
          %run_scoped3A = arith.constant 0 : i32
          "tpu.region"() ({
            %run_scoped3A_74 = tpu.sem_alloc : memref<!tpu.dma_semaphore, #tpu.memory_space<semaphore_mem>>
            %dma_start3A_75 = arith.constant 0 : i32
            %dma_start3A_76 = tpu.memref_slice %arg10[%run_scoped3A, %dma_start3A_75] : memref<1x128xi32, #tpu.memory_space<vmem>> -> memref<1x128xi32, #tpu.memory_space<vmem>>
            %dma_start3A_77 = tpu.memref_squeeze %dma_start3A_76 : memref<1x128xi32, #tpu.memory_space<vmem>> -> memref<128xi32, #tpu.memory_space<vmem>>
            %dma_start3A_78 = arith.constant 0 : i32
            %dma_start3A_79 = arith.constant 0 : i32
            %dma_start3A_80 = tpu.memref_slice %arg8[%dma_start3A_78, %dma_start3A_79] : memref<12808x128xf32, #tpu.memory_space<vmem_shared>> -> memref<12808x128xf32, #tpu.memory_space<vmem_shared>>
            tpu.enqueue_indirect_dma source(%arg11 : memref<128x128xf32, #tpu.memory_space<vmem>>) target(%dma_start3A_80 : memref<12808x128xf32, #tpu.memory_space<vmem_shared>>) offsets(%dma_start3A_77 : memref<128xi32, #tpu.memory_space<vmem>>) semaphore(%run_scoped3A_74 : memref<!tpu.dma_semaphore, #tpu.memory_space<semaphore_mem>>) {add = true}
            %dma_wait3A_81 = arith.constant 0 : i32
            %dma_wait3A_82 = tpu.memref_slice %arg10[%run_scoped3A, %dma_wait3A_81] : memref<1x128xi32, #tpu.memory_space<vmem>> -> memref<1x128xi32, #tpu.memory_space<vmem>>
            %dma_wait3A_83 = tpu.memref_squeeze %dma_wait3A_82 : memref<1x128xi32, #tpu.memory_space<vmem>> -> memref<128xi32, #tpu.memory_space<vmem>>
            %dma_wait3A_84 = arith.constant 0 : i32
            %dma_wait3A_85 = arith.constant 0 : i32
            %dma_wait3A_86 = tpu.memref_slice %arg8[%dma_wait3A_84, %dma_wait3A_85] : memref<12808x128xf32, #tpu.memory_space<vmem_shared>> -> memref<12808x128xf32, #tpu.memory_space<vmem_shared>>
            tpu.wait_indirect_dma semaphore(%run_scoped3A_74 : memref<!tpu.dma_semaphore, #tpu.memory_space<semaphore_mem>>) src(%arg11 : memref<128x128xf32, #tpu.memory_space<vmem>>) dst(%dma_wait3A_86 : memref<12808x128xf32, #tpu.memory_space<vmem_shared>>)
            tpu.yield
          }) : () -> ()
        }
        %barrier3A_53 = arith.constant 0 : index
        tpu.barrier barrier_id(%barrier3A_53)
        %mul3A_54 = arith.constant 800 : i32
        %mul3A_55 = arith.muli %arg1, %mul3A_54 : i32
        "tpu.region"() ({
          %run_scoped3A = tpu.sem_alloc : memref<!tpu.dma_semaphore, #tpu.memory_space<semaphore_mem>>
          %dma_start3A = arith.constant 0 : i32
          %dma_start3A_57 = tpu.memref_slice %arg7[%add3A_16, %dma_start3A] : memref<320000x128xf32, #tpu.memory_space<hbm>> -> memref<800x128xf32, #tpu.memory_space<hbm>>
          %dma_start3A_58 = arith.constant 0 : i32
          %dma_start3A_59 = tpu.memref_slice %arg8[%mul3A_55, %dma_start3A_58] : memref<12808x128xf32, #tpu.memory_space<vmem_shared>> -> memref<800x128xf32, #tpu.memory_space<vmem_shared>>
          tpu.enqueue_dma source(%dma_start3A_59 : memref<800x128xf32, #tpu.memory_space<vmem_shared>>) target(%dma_start3A_57 : memref<800x128xf32, #tpu.memory_space<hbm>>) target_semaphore(%run_scoped3A : memref<!tpu.dma_semaphore, #tpu.memory_space<semaphore_mem>>)
          %dma_wait3A = arith.constant 0 : i32
          %dma_wait3A_60 = tpu.memref_slice %arg7[%add3A_16, %dma_wait3A] : memref<320000x128xf32, #tpu.memory_space<hbm>> -> memref<800x128xf32, #tpu.memory_space<hbm>>
          %dma_wait3A_61 = arith.constant 0 : i32
          %dma_wait3A_62 = tpu.memref_slice %arg8[%mul3A_55, %dma_wait3A_61] : memref<12808x128xf32, #tpu.memory_space<vmem_shared>> -> memref<800x128xf32, #tpu.memory_space<vmem_shared>>
          tpu.wait_dma2 semaphore(%run_scoped3A : memref<!tpu.dma_semaphore, #tpu.memory_space<semaphore_mem>>) src(%dma_wait3A_62 : memref<800x128xf32, #tpu.memory_space<vmem_shared>>) dst(%dma_wait3A_60 : memref<800x128xf32, #tpu.memory_space<hbm>>)
          tpu.yield
        }) : () -> ()
        %barrier3A_56 = arith.constant 0 : index
        tpu.barrier barrier_id(%barrier3A_56)
      } else {
      }
    }
    %scan3A_3 = arith.constant 13 : i32
    return
  }
}

#map = affine_map<(d0, d1) -> (0, 0)>
#map1 = affine_map<(d0, d1) -> (0)>
#map2 = affine_map<(d0, d1) -> (0, 0, 0)>
module attributes {stable_mosaic.version = 14 : i64} {
  func.func @_nscat_kernel(%arg0: i32, %arg1: i32, %arg2: memref<320000x128xf32, #tpu.memory_space<hbm>>, %arg3: memref<320000xi32, #tpu.memory_space<hbm>>, %arg4: memref<10000x128xf32, #tpu.memory_space<hbm>>, %arg5: memref<640x128xf32, #tpu.memory_space<hbm>>, %arg6: memref<2x10000x128xf32, #tpu.memory_space<hbm>>, %arg7: memref<10008x128xf32, #tpu.memory_space<vmem_shared>>, %arg8: memref<80xi32, #tpu.memory_space<vmem>>, %arg9: memref<80x128xf32, #tpu.memory_space<vmem>>, %arg10: memref<!tpu.dma_semaphore, #tpu.memory_space<semaphore_mem>>) attributes {dimension_semantics = [#tpu.dimension_semantics<core_parallel>, #tpu.dimension_semantics<subcore_parallel>], iteration_bounds = array<i64: 2, 16>, scalar_prefetch = 0 : i64, scratch_operands = 4 : i64, tpu.core_type = #tpu.core_type<sc_vector_subcore>, window_params = [{transform_indices = #map}, {transform_indices = #map1}, {transform_indices = #map}, {transform_indices = #map}, {transform_indices = #map2}]} {
    %eq3A = arith.constant 0 : i32
    %eq3A_0 = arith.cmpi eq, %arg0, %eq3A : i32
    %convert_element_type3A = arith.extui %eq3A_0 : i1 to i32
    %cond3A = arith.constant 0 : i32
    %cond3A_1 = arith.cmpi ne, %convert_element_type3A, %cond3A : i32
    scf.if %cond3A_1 {
      %lt3A_20 = arith.constant 15 : i32
      %lt3A_21 = arith.cmpi slt, %arg1, %lt3A_20 : i32
      %convert_element_type3A_22 = arith.extui %lt3A_21 : i1 to i32
      %cond3A_23 = arith.constant 0 : i32
      %cond3A_24 = arith.cmpi ne, %convert_element_type3A_22, %cond3A_23 : i32
      scf.if %cond3A_24 {
        %mul3A = arith.constant 624 : i32
        %mul3A_30 = arith.muli %arg1, %mul3A : i32
        "tpu.region"() ({
          %run_scoped3A = tpu.sem_alloc : memref<!tpu.dma_semaphore, #tpu.memory_space<semaphore_mem>>
          %dma_start3A = arith.constant 0 : i32
          %dma_start3A_31 = tpu.memref_slice %arg7[%mul3A_30, %dma_start3A] : memref<10008x128xf32, #tpu.memory_space<vmem_shared>> -> memref<624x128xf32, #tpu.memory_space<vmem_shared>>
          %dma_start3A_32 = arith.constant 0 : i32
          %dma_start3A_33 = tpu.memref_slice %arg4[%mul3A_30, %dma_start3A_32] : memref<10000x128xf32, #tpu.memory_space<hbm>> -> memref<624x128xf32, #tpu.memory_space<hbm>>
          tpu.enqueue_dma source(%dma_start3A_33 : memref<624x128xf32, #tpu.memory_space<hbm>>) target(%dma_start3A_31 : memref<624x128xf32, #tpu.memory_space<vmem_shared>>) target_semaphore(%run_scoped3A : memref<!tpu.dma_semaphore, #tpu.memory_space<semaphore_mem>>)
          %dma_wait3A = arith.constant 0 : i32
          %dma_wait3A_34 = tpu.memref_slice %arg7[%mul3A_30, %dma_wait3A] : memref<10008x128xf32, #tpu.memory_space<vmem_shared>> -> memref<624x128xf32, #tpu.memory_space<vmem_shared>>
          %dma_wait3A_35 = arith.constant 0 : i32
          %dma_wait3A_36 = tpu.memref_slice %arg4[%mul3A_30, %dma_wait3A_35] : memref<10000x128xf32, #tpu.memory_space<hbm>> -> memref<624x128xf32, #tpu.memory_space<hbm>>
          tpu.wait_dma2 semaphore(%run_scoped3A : memref<!tpu.dma_semaphore, #tpu.memory_space<semaphore_mem>>) src(%dma_wait3A_36 : memref<624x128xf32, #tpu.memory_space<hbm>>) dst(%dma_wait3A_34 : memref<624x128xf32, #tpu.memory_space<vmem_shared>>)
          tpu.yield
        }) : () -> ()
      } else {
      }
      %eq3A_25 = arith.constant 15 : i32
      %eq3A_26 = arith.cmpi eq, %arg1, %eq3A_25 : i32
      %convert_element_type3A_27 = arith.extui %eq3A_26 : i1 to i32
      %cond3A_28 = arith.constant 0 : i32
      %cond3A_29 = arith.cmpi ne, %convert_element_type3A_27, %cond3A_28 : i32
      scf.if %cond3A_29 {
        "tpu.region"() ({
          %run_scoped3A = tpu.sem_alloc : memref<!tpu.dma_semaphore, #tpu.memory_space<semaphore_mem>>
          %dma_start3A = arith.constant 9360 : i32
          %dma_start3A_30 = arith.constant 0 : i32
          %dma_start3A_31 = tpu.memref_slice %arg7[%dma_start3A, %dma_start3A_30] : memref<10008x128xf32, #tpu.memory_space<vmem_shared>> -> memref<640x128xf32, #tpu.memory_space<vmem_shared>>
          %dma_start3A_32 = arith.constant 9360 : i32
          %dma_start3A_33 = arith.constant 0 : i32
          %dma_start3A_34 = tpu.memref_slice %arg4[%dma_start3A_32, %dma_start3A_33] : memref<10000x128xf32, #tpu.memory_space<hbm>> -> memref<640x128xf32, #tpu.memory_space<hbm>>
          tpu.enqueue_dma source(%dma_start3A_34 : memref<640x128xf32, #tpu.memory_space<hbm>>) target(%dma_start3A_31 : memref<640x128xf32, #tpu.memory_space<vmem_shared>>) target_semaphore(%run_scoped3A : memref<!tpu.dma_semaphore, #tpu.memory_space<semaphore_mem>>)
          %dma_wait3A = arith.constant 9360 : i32
          %dma_wait3A_35 = arith.constant 0 : i32
          %dma_wait3A_36 = tpu.memref_slice %arg7[%dma_wait3A, %dma_wait3A_35] : memref<10008x128xf32, #tpu.memory_space<vmem_shared>> -> memref<640x128xf32, #tpu.memory_space<vmem_shared>>
          %dma_wait3A_37 = arith.constant 9360 : i32
          %dma_wait3A_38 = arith.constant 0 : i32
          %dma_wait3A_39 = tpu.memref_slice %arg4[%dma_wait3A_37, %dma_wait3A_38] : memref<10000x128xf32, #tpu.memory_space<hbm>> -> memref<640x128xf32, #tpu.memory_space<hbm>>
          tpu.wait_dma2 semaphore(%run_scoped3A : memref<!tpu.dma_semaphore, #tpu.memory_space<semaphore_mem>>) src(%dma_wait3A_39 : memref<640x128xf32, #tpu.memory_space<hbm>>) dst(%dma_wait3A_36 : memref<640x128xf32, #tpu.memory_space<vmem_shared>>)
          tpu.yield
        }) : () -> ()
      } else {
      }
    } else {
    }
    %ne3A = arith.constant 0 : i32
    %ne3A_2 = arith.cmpi ne, %arg0, %ne3A : i32
    %convert_element_type3A_3 = arith.extui %ne3A_2 : i1 to i32
    %cond3A_4 = arith.constant 0 : i32
    %cond3A_5 = arith.cmpi ne, %convert_element_type3A_3, %cond3A_4 : i32
    scf.if %cond3A_5 {
      %lt3A_20 = arith.constant 15 : i32
      %lt3A_21 = arith.cmpi slt, %arg1, %lt3A_20 : i32
      %convert_element_type3A_22 = arith.extui %lt3A_21 : i1 to i32
      %cond3A_23 = arith.constant 0 : i32
      %cond3A_24 = arith.cmpi ne, %convert_element_type3A_22, %cond3A_23 : i32
      scf.if %cond3A_24 {
        %mul3A = arith.constant 624 : i32
        %mul3A_30 = arith.muli %arg1, %mul3A : i32
        "tpu.region"() ({
          %run_scoped3A = tpu.sem_alloc : memref<!tpu.dma_semaphore, #tpu.memory_space<semaphore_mem>>
          %dma_start3A = arith.constant 0 : i32
          %dma_start3A_31 = tpu.memref_slice %arg7[%mul3A_30, %dma_start3A] : memref<10008x128xf32, #tpu.memory_space<vmem_shared>> -> memref<624x128xf32, #tpu.memory_space<vmem_shared>>
          %dma_start3A_32 = arith.constant 0 : i32
          %dma_start3A_33 = arith.constant 0 : i32
          %dma_start3A_34 = tpu.memref_slice %arg5[%dma_start3A_32, %dma_start3A_33] : memref<640x128xf32, #tpu.memory_space<hbm>> -> memref<624x128xf32, #tpu.memory_space<hbm>>
          tpu.enqueue_dma source(%dma_start3A_34 : memref<624x128xf32, #tpu.memory_space<hbm>>) target(%dma_start3A_31 : memref<624x128xf32, #tpu.memory_space<vmem_shared>>) target_semaphore(%run_scoped3A : memref<!tpu.dma_semaphore, #tpu.memory_space<semaphore_mem>>)
          %dma_wait3A = arith.constant 0 : i32
          %dma_wait3A_35 = tpu.memref_slice %arg7[%mul3A_30, %dma_wait3A] : memref<10008x128xf32, #tpu.memory_space<vmem_shared>> -> memref<624x128xf32, #tpu.memory_space<vmem_shared>>
          %dma_wait3A_36 = arith.constant 0 : i32
          %dma_wait3A_37 = arith.constant 0 : i32
          %dma_wait3A_38 = tpu.memref_slice %arg5[%dma_wait3A_36, %dma_wait3A_37] : memref<640x128xf32, #tpu.memory_space<hbm>> -> memref<624x128xf32, #tpu.memory_space<hbm>>
          tpu.wait_dma2 semaphore(%run_scoped3A : memref<!tpu.dma_semaphore, #tpu.memory_space<semaphore_mem>>) src(%dma_wait3A_38 : memref<624x128xf32, #tpu.memory_space<hbm>>) dst(%dma_wait3A_35 : memref<624x128xf32, #tpu.memory_space<vmem_shared>>)
          tpu.yield
        }) : () -> ()
      } else {
      }
      %eq3A_25 = arith.constant 15 : i32
      %eq3A_26 = arith.cmpi eq, %arg1, %eq3A_25 : i32
      %convert_element_type3A_27 = arith.extui %eq3A_26 : i1 to i32
      %cond3A_28 = arith.constant 0 : i32
      %cond3A_29 = arith.cmpi ne, %convert_element_type3A_27, %cond3A_28 : i32
      scf.if %cond3A_29 {
        "tpu.region"() ({
          %run_scoped3A = tpu.sem_alloc : memref<!tpu.dma_semaphore, #tpu.memory_space<semaphore_mem>>
          %dma_start3A = arith.constant 9360 : i32
          %dma_start3A_30 = arith.constant 0 : i32
          %dma_start3A_31 = tpu.memref_slice %arg7[%dma_start3A, %dma_start3A_30] : memref<10008x128xf32, #tpu.memory_space<vmem_shared>> -> memref<640x128xf32, #tpu.memory_space<vmem_shared>>
          %dma_start3A_32 = arith.constant 0 : i32
          %dma_start3A_33 = arith.constant 0 : i32
          %dma_start3A_34 = tpu.memref_slice %arg5[%dma_start3A_32, %dma_start3A_33] : memref<640x128xf32, #tpu.memory_space<hbm>> -> memref<640x128xf32, #tpu.memory_space<hbm>>
          tpu.enqueue_dma source(%dma_start3A_34 : memref<640x128xf32, #tpu.memory_space<hbm>>) target(%dma_start3A_31 : memref<640x128xf32, #tpu.memory_space<vmem_shared>>) target_semaphore(%run_scoped3A : memref<!tpu.dma_semaphore, #tpu.memory_space<semaphore_mem>>)
          %dma_wait3A = arith.constant 9360 : i32
          %dma_wait3A_35 = arith.constant 0 : i32
          %dma_wait3A_36 = tpu.memref_slice %arg7[%dma_wait3A, %dma_wait3A_35] : memref<10008x128xf32, #tpu.memory_space<vmem_shared>> -> memref<640x128xf32, #tpu.memory_space<vmem_shared>>
          %dma_wait3A_37 = arith.constant 0 : i32
          %dma_wait3A_38 = arith.constant 0 : i32
          %dma_wait3A_39 = tpu.memref_slice %arg5[%dma_wait3A_37, %dma_wait3A_38] : memref<640x128xf32, #tpu.memory_space<hbm>> -> memref<640x128xf32, #tpu.memory_space<hbm>>
          tpu.wait_dma2 semaphore(%run_scoped3A : memref<!tpu.dma_semaphore, #tpu.memory_space<semaphore_mem>>) src(%dma_wait3A_39 : memref<640x128xf32, #tpu.memory_space<hbm>>) dst(%dma_wait3A_36 : memref<640x128xf32, #tpu.memory_space<vmem_shared>>)
          tpu.yield
        }) : () -> ()
      } else {
      }
    } else {
    }
    %barrier3A = arith.constant 0 : index
    tpu.barrier barrier_id(%barrier3A)
    %scan3A = arith.constant 0 : i32
    %scan3A_6 = arith.constant 125 : i32
    %scan3A_7 = arith.addi %scan3A, %scan3A_6 : i32
    %scan3A_8 = arith.constant 1 : i32
    scf.for %scan3A_20 = %scan3A to %scan3A_7 step %scan3A_8  : i32 {
      %mul3A = arith.constant 1 : i32
      %mul3A_21 = arith.muli %scan3A_20, %mul3A : i32
      %add3A = arith.constant 0 : i32
      %add3A_22 = arith.addi %add3A, %mul3A_21 : i32
      %mul3A_23 = arith.constant 160000 : i32
      %mul3A_24 = arith.muli %arg0, %mul3A_23 : i32
      %mul3A_25 = arith.constant 10000 : i32
      %mul3A_26 = arith.muli %arg1, %mul3A_25 : i32
      %add3A_27 = arith.addi %mul3A_24, %mul3A_26 : i32
      %mul3A_28 = arith.constant 80 : i32
      %mul3A_29 = arith.muli %add3A_22, %mul3A_28 : i32
      %add3A_30 = arith.addi %add3A_27, %mul3A_29 : i32
      "tpu.region"() ({
        %run_scoped3A = tpu.sem_alloc : memref<!tpu.dma_semaphore, #tpu.memory_space<semaphore_mem>>
        %dma_start3A_37 = tpu.memref_slice %arg3[%add3A_30] : memref<320000xi32, #tpu.memory_space<hbm>> -> memref<80xi32, #tpu.memory_space<hbm>>
        %dma_start3A_38 = tpu.memref_slice %arg3[%add3A_30] : memref<320000xi32, #tpu.memory_space<hbm>> -> memref<80xi32, #tpu.memory_space<hbm>>
        tpu.enqueue_dma source(%dma_start3A_38 : memref<80xi32, #tpu.memory_space<hbm>>) target(%arg8 : memref<80xi32, #tpu.memory_space<vmem>>) target_semaphore(%run_scoped3A : memref<!tpu.dma_semaphore, #tpu.memory_space<semaphore_mem>>)
        %dma_wait3A_39 = tpu.memref_slice %arg3[%add3A_30] : memref<320000xi32, #tpu.memory_space<hbm>> -> memref<80xi32, #tpu.memory_space<hbm>>
        %dma_wait3A_40 = tpu.memref_slice %arg3[%add3A_30] : memref<320000xi32, #tpu.memory_space<hbm>> -> memref<80xi32, #tpu.memory_space<hbm>>
        tpu.wait_dma2 semaphore(%run_scoped3A : memref<!tpu.dma_semaphore, #tpu.memory_space<semaphore_mem>>) src(%dma_wait3A_40 : memref<80xi32, #tpu.memory_space<hbm>>) dst(%arg8 : memref<80xi32, #tpu.memory_space<vmem>>)
        tpu.yield
      }) : () -> ()
      %dma_start3A = arith.constant 0 : i32
      %dma_start3A_31 = tpu.memref_slice %arg2[%add3A_30, %dma_start3A] : memref<320000x128xf32, #tpu.memory_space<hbm>> -> memref<80x128xf32, #tpu.memory_space<hbm>>
      %dma_start3A_32 = arith.constant 0 : i32
      %dma_start3A_33 = tpu.memref_slice %arg2[%add3A_30, %dma_start3A_32] : memref<320000x128xf32, #tpu.memory_space<hbm>> -> memref<80x128xf32, #tpu.memory_space<hbm>>
      tpu.enqueue_dma source(%dma_start3A_33 : memref<80x128xf32, #tpu.memory_space<hbm>>) target(%arg9 : memref<80x128xf32, #tpu.memory_space<vmem>>) target_semaphore(%arg10 : memref<!tpu.dma_semaphore, #tpu.memory_space<semaphore_mem>>)
      %dma_wait3A = arith.constant 0 : i32
      %dma_wait3A_34 = tpu.memref_slice %arg2[%add3A_30, %dma_wait3A] : memref<320000x128xf32, #tpu.memory_space<hbm>> -> memref<80x128xf32, #tpu.memory_space<hbm>>
      %dma_wait3A_35 = arith.constant 0 : i32
      %dma_wait3A_36 = tpu.memref_slice %arg2[%add3A_30, %dma_wait3A_35] : memref<320000x128xf32, #tpu.memory_space<hbm>> -> memref<80x128xf32, #tpu.memory_space<hbm>>
      tpu.wait_dma2 semaphore(%arg10 : memref<!tpu.dma_semaphore, #tpu.memory_space<semaphore_mem>>) src(%dma_wait3A_36 : memref<80x128xf32, #tpu.memory_space<hbm>>) dst(%arg9 : memref<80x128xf32, #tpu.memory_space<vmem>>)
      "tpu.region"() ({
        %run_scoped3A = tpu.sem_alloc : memref<!tpu.dma_semaphore, #tpu.memory_space<semaphore_mem>>
        %dma_start3A_37 = arith.constant 0 : i32
        %dma_start3A_38 = arith.constant 0 : i32
        %dma_start3A_39 = tpu.memref_slice %arg7[%dma_start3A_37, %dma_start3A_38] : memref<10008x128xf32, #tpu.memory_space<vmem_shared>> -> memref<10008x128xf32, #tpu.memory_space<vmem_shared>>
        tpu.enqueue_indirect_dma source(%arg9 : memref<80x128xf32, #tpu.memory_space<vmem>>) target(%dma_start3A_39 : memref<10008x128xf32, #tpu.memory_space<vmem_shared>>) offsets(%arg8 : memref<80xi32, #tpu.memory_space<vmem>>) semaphore(%run_scoped3A : memref<!tpu.dma_semaphore, #tpu.memory_space<semaphore_mem>>) {add = true}
        %dma_wait3A_40 = arith.constant 0 : i32
        %dma_wait3A_41 = arith.constant 0 : i32
        %dma_wait3A_42 = tpu.memref_slice %arg7[%dma_wait3A_40, %dma_wait3A_41] : memref<10008x128xf32, #tpu.memory_space<vmem_shared>> -> memref<10008x128xf32, #tpu.memory_space<vmem_shared>>
        tpu.wait_indirect_dma semaphore(%run_scoped3A : memref<!tpu.dma_semaphore, #tpu.memory_space<semaphore_mem>>) src(%arg9 : memref<80x128xf32, #tpu.memory_space<vmem>>) dst(%dma_wait3A_42 : memref<10008x128xf32, #tpu.memory_space<vmem_shared>>)
        tpu.yield
      }) : () -> ()
    }
    %scan3A_9 = arith.constant 125 : i32
    %barrier3A_10 = arith.constant 0 : index
    tpu.barrier barrier_id(%barrier3A_10)
    %lt3A = arith.constant 15 : i32
    %lt3A_11 = arith.cmpi slt, %arg1, %lt3A : i32
    %convert_element_type3A_12 = arith.extui %lt3A_11 : i1 to i32
    %cond3A_13 = arith.constant 0 : i32
    %cond3A_14 = arith.cmpi ne, %convert_element_type3A_12, %cond3A_13 : i32
    scf.if %cond3A_14 {
      %mul3A = arith.constant 624 : i32
      %mul3A_20 = arith.muli %arg1, %mul3A : i32
      "tpu.region"() ({
        %run_scoped3A = tpu.sem_alloc : memref<!tpu.dma_semaphore, #tpu.memory_space<semaphore_mem>>
        %dma_start3A = arith.constant 0 : i32
        %dma_start3A_21 = tpu.memref_slice %arg6[%arg0, %mul3A_20, %dma_start3A] : memref<2x10000x128xf32, #tpu.memory_space<hbm>> -> memref<1x624x128xf32, #tpu.memory_space<hbm>>
        %dma_start3A_22 = tpu.memref_squeeze %dma_start3A_21 : memref<1x624x128xf32, #tpu.memory_space<hbm>> -> memref<624x128xf32, #tpu.memory_space<hbm>>
        %dma_start3A_23 = arith.constant 0 : i32
        %dma_start3A_24 = tpu.memref_slice %arg7[%mul3A_20, %dma_start3A_23] : memref<10008x128xf32, #tpu.memory_space<vmem_shared>> -> memref<624x128xf32, #tpu.memory_space<vmem_shared>>
        tpu.enqueue_dma source(%dma_start3A_24 : memref<624x128xf32, #tpu.memory_space<vmem_shared>>) target(%dma_start3A_22 : memref<624x128xf32, #tpu.memory_space<hbm>>) target_semaphore(%run_scoped3A : memref<!tpu.dma_semaphore, #tpu.memory_space<semaphore_mem>>)
        %dma_wait3A = arith.constant 0 : i32
        %dma_wait3A_25 = tpu.memref_slice %arg6[%arg0, %mul3A_20, %dma_wait3A] : memref<2x10000x128xf32, #tpu.memory_space<hbm>> -> memref<1x624x128xf32, #tpu.memory_space<hbm>>
        %dma_wait3A_26 = tpu.memref_squeeze %dma_wait3A_25 : memref<1x624x128xf32, #tpu.memory_space<hbm>> -> memref<624x128xf32, #tpu.memory_space<hbm>>
        %dma_wait3A_27 = arith.constant 0 : i32
        %dma_wait3A_28 = tpu.memref_slice %arg7[%mul3A_20, %dma_wait3A_27] : memref<10008x128xf32, #tpu.memory_space<vmem_shared>> -> memref<624x128xf32, #tpu.memory_space<vmem_shared>>
        tpu.wait_dma2 semaphore(%run_scoped3A : memref<!tpu.dma_semaphore, #tpu.memory_space<semaphore_mem>>) src(%dma_wait3A_28 : memref<624x128xf32, #tpu.memory_space<vmem_shared>>) dst(%dma_wait3A_26 : memref<624x128xf32, #tpu.memory_space<hbm>>)
        tpu.yield
      }) : () -> ()
    } else {
    }
    %eq3A_15 = arith.constant 15 : i32
    %eq3A_16 = arith.cmpi eq, %arg1, %eq3A_15 : i32
    %convert_element_type3A_17 = arith.extui %eq3A_16 : i1 to i32
    %cond3A_18 = arith.constant 0 : i32
    %cond3A_19 = arith.cmpi ne, %convert_element_type3A_17, %cond3A_18 : i32
    scf.if %cond3A_19 {
      "tpu.region"() ({
        %run_scoped3A = tpu.sem_alloc : memref<!tpu.dma_semaphore, #tpu.memory_space<semaphore_mem>>
        %dma_start3A = arith.constant 9360 : i32
        %dma_start3A_20 = arith.constant 0 : i32
        %dma_start3A_21 = tpu.memref_slice %arg6[%arg0, %dma_start3A, %dma_start3A_20] : memref<2x10000x128xf32, #tpu.memory_space<hbm>> -> memref<1x640x128xf32, #tpu.memory_space<hbm>>
        %dma_start3A_22 = tpu.memref_squeeze %dma_start3A_21 : memref<1x640x128xf32, #tpu.memory_space<hbm>> -> memref<640x128xf32, #tpu.memory_space<hbm>>
        %dma_start3A_23 = arith.constant 9360 : i32
        %dma_start3A_24 = arith.constant 0 : i32
        %dma_start3A_25 = tpu.memref_slice %arg7[%dma_start3A_23, %dma_start3A_24] : memref<10008x128xf32, #tpu.memory_space<vmem_shared>> -> memref<640x128xf32, #tpu.memory_space<vmem_shared>>
        tpu.enqueue_dma source(%dma_start3A_25 : memref<640x128xf32, #tpu.memory_space<vmem_shared>>) target(%dma_start3A_22 : memref<640x128xf32, #tpu.memory_space<hbm>>) target_semaphore(%run_scoped3A : memref<!tpu.dma_semaphore, #tpu.memory_space<semaphore_mem>>)
        %dma_wait3A = arith.constant 9360 : i32
        %dma_wait3A_26 = arith.constant 0 : i32
        %dma_wait3A_27 = tpu.memref_slice %arg6[%arg0, %dma_wait3A, %dma_wait3A_26] : memref<2x10000x128xf32, #tpu.memory_space<hbm>> -> memref<1x640x128xf32, #tpu.memory_space<hbm>>
        %dma_wait3A_28 = tpu.memref_squeeze %dma_wait3A_27 : memref<1x640x128xf32, #tpu.memory_space<hbm>> -> memref<640x128xf32, #tpu.memory_space<hbm>>
        %dma_wait3A_29 = arith.constant 9360 : i32
        %dma_wait3A_30 = arith.constant 0 : i32
        %dma_wait3A_31 = tpu.memref_slice %arg7[%dma_wait3A_29, %dma_wait3A_30] : memref<10008x128xf32, #tpu.memory_space<vmem_shared>> -> memref<640x128xf32, #tpu.memory_space<vmem_shared>>
        tpu.wait_dma2 semaphore(%run_scoped3A : memref<!tpu.dma_semaphore, #tpu.memory_space<semaphore_mem>>) src(%dma_wait3A_31 : memref<640x128xf32, #tpu.memory_space<vmem_shared>>) dst(%dma_wait3A_28 : memref<640x128xf32, #tpu.memory_space<hbm>>)
        tpu.yield
      }) : () -> ()
    } else {
    }
    return
  }
}

module attributes {stable_mosaic.version = 14 : i64} {
  func.func @_proj_body(%arg0: i32, %arg1: memref<2000x128xf32, #tpu.memory_space<vmem>>, %arg2: memref<128x128xf32, #tpu.memory_space<vmem>>, %arg3: memref<128x128xf32, #tpu.memory_space<vmem>>, %arg4: memref<2000x128xf32, #tpu.memory_space<vmem>>, %arg5: memref<2000x128xf32, #tpu.memory_space<vmem>>) attributes {dimension_semantics = [#tpu.dimension_semantics<arbitrary>], iteration_bounds = array<i64: 5>, scalar_prefetch = 0 : i64, scratch_operands = 0 : i64, tpu.core_type = #tpu.core_type<tc>, window_params = [{transform_indices = @transform_0, window_bounds = array<i64: 2000, 128>}, {pipeline_mode = #tpu.pipeline_mode<synchronous>, transform_indices = @transform_1, window_bounds = array<i64: 128, 128>}, {pipeline_mode = #tpu.pipeline_mode<synchronous>, transform_indices = @transform_2, window_bounds = array<i64: 128, 128>}, {transform_indices = @transform_3, window_bounds = array<i64: 2000, 128>}, {transform_indices = @transform_4, window_bounds = array<i64: 2000, 128>}]} {
    %get3A = arith.constant 0 : index
    %get3A_0 = arith.constant 0 : index
    %get3A_1 = vector.load %arg1[%get3A, %get3A_0] : memref<2000x128xf32, #tpu.memory_space<vmem>>, vector<2000x128xf32>
    %get3A_2 = arith.constant 0 : index
    %get3A_3 = arith.constant 0 : index
    %get3A_4 = vector.load %arg2[%get3A_2, %get3A_3] : memref<128x128xf32, #tpu.memory_space<vmem>>, vector<128x128xf32>
    %dot_general3A = arith.constant dense<0.000000e+00> : vector<2000x128xf32>
    %dot_general3A_5 = tpu.matmul %get3A_1, %get3A_4, %dot_general3A {dimension_numbers = #tpu.dot_dimension_numbers<[1], [1], [0], [0], [0, 0, 1, 0], [], []>, transpose_lhs_hint = false} : vector<2000x128xf32>, vector<128x128xf32>, vector<2000x128xf32> -> vector<2000x128xf32>
    %swap3A = arith.constant 0 : index
    %swap3A_6 = arith.constant 0 : index
    %swap3A_7 = vector.load %arg4[%swap3A, %swap3A_6] : memref<2000x128xf32, #tpu.memory_space<vmem>>, vector<2000x128xf32>
    tpu.vector_store %arg4[%swap3A, %swap3A_6], %dot_general3A_5 {strides = array<i32>} : memref<2000x128xf32, #tpu.memory_space<vmem>>, vector<2000x128xf32>,
    %get3A_8 = arith.constant 0 : index
    %get3A_9 = arith.constant 0 : index
    %get3A_10 = vector.load %arg3[%get3A_8, %get3A_9] : memref<128x128xf32, #tpu.memory_space<vmem>>, vector<128x128xf32>
    %dot_general3A_11 = arith.constant dense<0.000000e+00> : vector<2000x128xf32>
    %dot_general3A_12 = tpu.matmul %get3A_1, %get3A_10, %dot_general3A_11 {dimension_numbers = #tpu.dot_dimension_numbers<[1], [1], [0], [0], [0, 0, 1, 0], [], []>, transpose_lhs_hint = false} : vector<2000x128xf32>, vector<128x128xf32>, vector<2000x128xf32> -> vector<2000x128xf32>
    %swap3A_13 = arith.constant 0 : index
    %swap3A_14 = arith.constant 0 : index
    %swap3A_15 = vector.load %arg5[%swap3A_13, %swap3A_14] : memref<2000x128xf32, #tpu.memory_space<vmem>>, vector<2000x128xf32>
    tpu.vector_store %arg5[%swap3A_13, %swap3A_14], %dot_general3A_12 {strides = array<i32>} : memref<2000x128xf32, #tpu.memory_space<vmem>>, vector<2000x128xf32>,
    return
  }
  func.func @transform_0(%arg0: i32) -> (i32, i32) {
    %c0_i32 = arith.constant 0 : i32
    %c0_i32_0 = arith.constant 0 : i32
    return %arg0, %c0_i32 : i32, i32
  }
  func.func @transform_1(%arg0: i32) -> (i32, i32) {
    %c0_i32 = arith.constant 0 : i32
    %c0_i32_0 = arith.constant 0 : i32
    %c0_i32_1 = arith.constant 0 : i32
    return %c0_i32, %c0_i32_0 : i32, i32
  }
  func.func @transform_2(%arg0: i32) -> (i32, i32) {
    %c0_i32 = arith.constant 0 : i32
    %c0_i32_0 = arith.constant 0 : i32
    %c0_i32_1 = arith.constant 0 : i32
    return %c0_i32, %c0_i32_0 : i32, i32
  }
  func.func @transform_3(%arg0: i32) -> (i32, i32) {
    %c0_i32 = arith.constant 0 : i32
    %c0_i32_0 = arith.constant 0 : i32
    return %arg0, %c0_i32 : i32, i32
  }
  func.func @transform_4(%arg0: i32) -> (i32, i32) {
    %c0_i32 = arith.constant 0 : i32
    %c0_i32_0 = arith.constant 0 : i32
    return %arg0, %c0_i32 : i32, i32
  }
}

module attributes {stable_mosaic.version = 14 : i64} {
  func.func @_attn_body(%arg0: i32, %arg1: memref<6400x128xf32, #tpu.memory_space<vmem>>, %arg2: memref<1x1x6400xi32, #tpu.memory_space<vmem>>, %arg3: memref<1x128xf32, #tpu.memory_space<vmem>>, %arg4: memref<1x1xf32, #tpu.memory_space<vmem>>, %arg5: memref<256x128xf32, #tpu.memory_space<vmem>>, %arg6: memref<256x1xf32, #tpu.memory_space<vmem>>, %arg7: memref<256x1xf32, #tpu.memory_space<vmem>>, %arg8: memref<256x128xf32, #tpu.memory_space<vmem>>) attributes {dimension_semantics = [#tpu.dimension_semantics<arbitrary>], iteration_bounds = array<i64: 50>, scalar_prefetch = 0 : i64, scratch_operands = 3 : i64, tpu.core_type = #tpu.core_type<tc>, window_params = [{transform_indices = @transform_0, window_bounds = array<i64: 6400, 128>}, {transform_indices = @transform_1, window_bounds = array<i64: 1, 1, 6400>}, {pipeline_mode = #tpu.pipeline_mode<synchronous>, transform_indices = @transform_2, window_bounds = array<i64: 1, 128>}, {pipeline_mode = #tpu.pipeline_mode<synchronous>, transform_indices = @transform_3, window_bounds = array<i64: 1, 1>}, {pipeline_mode = #tpu.pipeline_mode<synchronous>, transform_indices = @transform_4, window_bounds = array<i64: 256, 128>}]} {
    %eq3A = arith.constant 0 : i32
    %eq3A_0 = arith.cmpi eq, %arg0, %eq3A : i32
    %convert_element_type3A = arith.extui %eq3A_0 : i1 to i32
    %cond3A = arith.constant 0 : i32
    %cond3A_1 = arith.cmpi ne, %convert_element_type3A, %cond3A : i32
    scf.if %cond3A_1 {
      %broadcast_in_dim3A_61 = arith.constant -1.000000e+30 : f32
      %broadcast_in_dim3A_62 = vector.broadcast %broadcast_in_dim3A_61 : f32 to vector<256x1xf32>
      %swap3A_63 = arith.constant 0 : index
      %swap3A_64 = arith.constant 0 : index
      %swap3A_65 = vector.load %arg6[%swap3A_63, %swap3A_64] : memref<256x1xf32, #tpu.memory_space<vmem>>, vector<256x1xf32>
      tpu.vector_store %arg6[%swap3A_63, %swap3A_64], %broadcast_in_dim3A_62 {strides = array<i32>} : memref<256x1xf32, #tpu.memory_space<vmem>>, vector<256x1xf32>,
      %broadcast_in_dim3A_66 = arith.constant 0.000000e+00 : f32
      %broadcast_in_dim3A_67 = vector.broadcast %broadcast_in_dim3A_66 : f32 to vector<256x1xf32>
      %swap3A_68 = arith.constant 0 : index
      %swap3A_69 = arith.constant 0 : index
      %swap3A_70 = vector.load %arg7[%swap3A_68, %swap3A_69] : memref<256x1xf32, #tpu.memory_space<vmem>>, vector<256x1xf32>
      tpu.vector_store %arg7[%swap3A_68, %swap3A_69], %broadcast_in_dim3A_67 {strides = array<i32>} : memref<256x1xf32, #tpu.memory_space<vmem>>, vector<256x1xf32>,
      %broadcast_in_dim3A_71 = arith.constant 0.000000e+00 : f32
      %broadcast_in_dim3A_72 = vector.broadcast %broadcast_in_dim3A_71 : f32 to vector<256x128xf32>
      %swap3A_73 = arith.constant 0 : index
      %swap3A_74 = arith.constant 0 : index
      %swap3A_75 = vector.load %arg8[%swap3A_73, %swap3A_74] : memref<256x128xf32, #tpu.memory_space<vmem>>, vector<256x128xf32>
      tpu.vector_store %arg8[%swap3A_73, %swap3A_74], %broadcast_in_dim3A_72 {strides = array<i32>} : memref<256x128xf32, #tpu.memory_space<vmem>>, vector<256x128xf32>,
    } else {
    }
    %get3A = arith.constant 0 : index
    %get3A_2 = arith.constant 0 : index
    %get3A_3 = vector.load %arg1[%get3A, %get3A_2] : memref<6400x128xf32, #tpu.memory_space<vmem>>, vector<6400x128xf32>
    %get3A_4 = arith.constant 0 : index
    %get3A_5 = arith.constant 0 : index
    %get3A_6 = vector.load %arg3[%get3A_4, %get3A_5] : memref<1x128xf32, #tpu.memory_space<vmem>>, vector<1x128xf32>
    %dot_general3A = arith.constant dense<0.000000e+00> : vector<1x6400xf32>
    %dot_general3A_7 = tpu.matmul %get3A_6, %get3A_3, %dot_general3A {dimension_numbers = #tpu.dot_dimension_numbers<[1], [1], [0], [0], [0, 0, 1, 0], [], []>, transpose_lhs_hint = false} : vector<1x128xf32>, vector<6400x128xf32>, vector<1x6400xf32> -> vector<1x6400xf32>
    %get3A_8 = arith.constant 0 : index
    %get3A_9 = arith.constant 0 : index
    %get3A_10 = vector.load %arg4[%get3A_8, %get3A_9] : memref<1x1xf32, #tpu.memory_space<vmem>>, vector<1x1xf32>
    %get3A_11 = vector.extract %get3A_10[0, 0] : f32 from vector<1x1xf32>
    %add3A = vector.broadcast %get3A_11 : f32 to vector<1x6400xf32>
    %add3A_12 = arith.addf %dot_general3A_7, %add3A : vector<1x6400xf32>
    %get3A_13 = arith.constant 0 : index
    %get3A_14 = arith.constant 0 : index
    %get3A_15 = arith.constant 0 : index
    %get3A_16 = vector.load %arg2[%get3A_13, %get3A_14, %get3A_15] : memref<1x1x6400xi32, #tpu.memory_space<vmem>>, vector<1x1x6400xi32>
    %get3A_17 = vector.shape_cast %get3A_16 : vector<1x1x6400xi32> to vector<1x6400xi32>
    %iota3A = tpu.iota {dimensions = array<i32: 0>} : vector<256x6400xi32>
    %eq3A_18 = vector.broadcast %get3A_17 : vector<1x6400xi32> to vector<256x6400xi32>
    %eq3A_19 = arith.cmpi eq, %eq3A_18, %iota3A : vector<256x6400xi32>
    %convert_element_type3A_20 = arith.extui %eq3A_19 : vector<256x6400xi1> to vector<256x6400xi32>
    %convert_element_type3A_21 = arith.sitofp %convert_element_type3A_20 : vector<256x6400xi32> to vector<256x6400xf32>
    %jit3A = arith.constant -1.000000e+30 : f32
    %broadcast_in_dim3A = vector.shape_cast %add3A_12 : vector<1x6400xf32> to vector<1x6400xf32>
    %broadcast_in_dim3A_22 = vector.broadcast %broadcast_in_dim3A : vector<1x6400xf32> to vector<256x6400xf32>
    %broadcast_in_dim3A_23 = vector.broadcast %jit3A : f32 to vector<256x6400xf32>
    %select_n3A = arith.select %eq3A_19, %broadcast_in_dim3A_22, %broadcast_in_dim3A_23 : vector<256x6400xi1>, vector<256x6400xf32>
    %reduce_max3A = arith.constant dense<0xFF800000> : vector<256xf32>
    %reduce_max3A_24 = vector.multi_reduction <maximumf>, %select_n3A, %reduce_max3A [1] : vector<256x6400xf32> to vector<256xf32>
    %reshape3A = vector.shape_cast %reduce_max3A_24 : vector<256xf32> to vector<256x1xf32>
    %get3A_25 = arith.constant 0 : index
    %get3A_26 = arith.constant 0 : index
    %get3A_27 = vector.load %arg6[%get3A_25, %get3A_26] : memref<256x1xf32, #tpu.memory_space<vmem>>, vector<256x1xf32>
    %max3A = arith.maximumf %get3A_27, %reshape3A : vector<256x1xf32>
    %sub3A = arith.subf %get3A_27, %max3A : vector<256x1xf32>
    %exp3A = math.exp %sub3A : vector<256x1xf32>
    %dot_general3A_28 = arith.constant dense<0.000000e+00> : vector<1x6400xf32>
    %dot_general3A_29 = tpu.matmul %max3A, %convert_element_type3A_21, %dot_general3A_28 {dimension_numbers = #tpu.dot_dimension_numbers<[0], [0], [1], [1], [0, 1, 1, 1], [], []>, transpose_lhs_hint = false} : vector<256x1xf32>, vector<256x6400xf32>, vector<1x6400xf32> -> vector<1x6400xf32>
    %sub3A_30 = arith.subf %add3A_12, %dot_general3A_29 : vector<1x6400xf32>
    %exp3A_31 = math.exp %sub3A_30 : vector<1x6400xf32>
    %mul3A = vector.broadcast %exp3A_31 : vector<1x6400xf32> to vector<256x6400xf32>
    %mul3A_32 = arith.mulf %convert_element_type3A_21, %mul3A : vector<256x6400xf32>
    %get3A_33 = arith.constant 0 : index
    %get3A_34 = arith.constant 0 : index
    %get3A_35 = vector.load %arg7[%get3A_33, %get3A_34] : memref<256x1xf32, #tpu.memory_space<vmem>>, vector<256x1xf32>
    %mul3A_36 = arith.mulf %get3A_35, %exp3A : vector<256x1xf32>
    %reduce_sum3A = arith.constant dense<0.000000e+00> : vector<256xf32>
    %reduce_sum3A_37 = vector.multi_reduction <add>, %mul3A_32, %reduce_sum3A [1] : vector<256x6400xf32> to vector<256xf32>
    %reshape3A_38 = vector.shape_cast %reduce_sum3A_37 : vector<256xf32> to vector<256x1xf32>
    %add3A_39 = arith.addf %mul3A_36, %reshape3A_38 : vector<256x1xf32>
    %swap3A = arith.constant 0 : index
    %swap3A_40 = arith.constant 0 : index
    %swap3A_41 = vector.load %arg7[%swap3A, %swap3A_40] : memref<256x1xf32, #tpu.memory_space<vmem>>, vector<256x1xf32>
    tpu.vector_store %arg7[%swap3A, %swap3A_40], %add3A_39 {strides = array<i32>} : memref<256x1xf32, #tpu.memory_space<vmem>>, vector<256x1xf32>,
    %get3A_42 = arith.constant 0 : index
    %get3A_43 = arith.constant 0 : index
    %get3A_44 = vector.load %arg8[%get3A_42, %get3A_43] : memref<256x128xf32, #tpu.memory_space<vmem>>, vector<256x128xf32>
    %mul3A_45 = vector.broadcast %exp3A : vector<256x1xf32> to vector<256x128xf32>
    %mul3A_46 = arith.mulf %get3A_44, %mul3A_45 : vector<256x128xf32>
    %dot_general3A_47 = arith.constant dense<0.000000e+00> : vector<256x128xf32>
    %dot_general3A_48 = tpu.matmul %mul3A_32, %get3A_3, %dot_general3A_47 {dimension_numbers = #tpu.dot_dimension_numbers<[1], [0], [0], [1], [0, 0, 1, 1], [], []>, transpose_lhs_hint = false} : vector<256x6400xf32>, vector<6400x128xf32>, vector<256x128xf32> -> vector<256x128xf32>
    %add3A_49 = arith.addf %mul3A_46, %dot_general3A_48 : vector<256x128xf32>
    %swap3A_50 = arith.constant 0 : index
    %swap3A_51 = arith.constant 0 : index
    %swap3A_52 = vector.load %arg8[%swap3A_50, %swap3A_51] : memref<256x128xf32, #tpu.memory_space<vmem>>, vector<256x128xf32>
    tpu.vector_store %arg8[%swap3A_50, %swap3A_51], %add3A_49 {strides = array<i32>} : memref<256x128xf32, #tpu.memory_space<vmem>>, vector<256x128xf32>,
    %swap3A_53 = arith.constant 0 : index
    %swap3A_54 = arith.constant 0 : index
    %swap3A_55 = vector.load %arg6[%swap3A_53, %swap3A_54] : memref<256x1xf32, #tpu.memory_space<vmem>>, vector<256x1xf32>
    tpu.vector_store %arg6[%swap3A_53, %swap3A_54], %max3A {strides = array<i32>} : memref<256x1xf32, #tpu.memory_space<vmem>>, vector<256x1xf32>,
    %eq3A_56 = arith.constant 49 : i32
    %eq3A_57 = arith.cmpi eq, %arg0, %eq3A_56 : i32
    %convert_element_type3A_58 = arith.extui %eq3A_57 : i1 to i32
    %cond3A_59 = arith.constant 0 : i32
    %cond3A_60 = arith.cmpi ne, %convert_element_type3A_58, %cond3A_59 : i32
    scf.if %cond3A_60 {
      %get3A_61 = arith.constant 0 : index
      %get3A_62 = arith.constant 0 : index
      %get3A_63 = vector.load %arg8[%get3A_61, %get3A_62] : memref<256x128xf32, #tpu.memory_space<vmem>>, vector<256x128xf32>
      %get3A_64 = arith.constant 0 : index
      %get3A_65 = arith.constant 0 : index
      %get3A_66 = vector.load %arg7[%get3A_64, %get3A_65] : memref<256x1xf32, #tpu.memory_space<vmem>>, vector<256x1xf32>
      %add3A_67 = arith.constant 1.000000e-16 : f32
      %add3A_68 = vector.broadcast %add3A_67 : f32 to vector<256x1xf32>
      %add3A_69 = arith.addf %get3A_66, %add3A_68 : vector<256x1xf32>
      %div3A = vector.broadcast %add3A_69 : vector<256x1xf32> to vector<256x128xf32>
      %div3A_70 = arith.divf %get3A_63, %div3A : vector<256x128xf32>
      %swap3A_71 = arith.constant 0 : index
      %swap3A_72 = arith.constant 0 : index
      %swap3A_73 = vector.load %arg5[%swap3A_71, %swap3A_72] : memref<256x128xf32, #tpu.memory_space<vmem>>, vector<256x128xf32>
      tpu.vector_store %arg5[%swap3A_71, %swap3A_72], %div3A_70 {strides = array<i32>} : memref<256x128xf32, #tpu.memory_space<vmem>>, vector<256x128xf32>,
    } else {
    }
    return
  }
  func.func @transform_0(%arg0: i32) -> (i32, i32) {
    %c0_i32 = arith.constant 0 : i32
    %c0_i32_0 = arith.constant 0 : i32
    return %arg0, %c0_i32 : i32, i32
  }
  func.func @transform_1(%arg0: i32) -> (i32, i32, i32) {
    %c0_i32 = arith.constant 0 : i32
    %c0_i32_0 = arith.constant 0 : i32
    %c0_i32_1 = arith.constant 0 : i32
    return %arg0, %c0_i32, %c0_i32_0 : i32, i32, i32
  }
  func.func @transform_2(%arg0: i32) -> (i32, i32) {
    %c0_i32 = arith.constant 0 : i32
    %c0_i32_0 = arith.constant 0 : i32
    %c0_i32_1 = arith.constant 0 : i32
    return %c0_i32, %c0_i32_0 : i32, i32
  }
  func.func @transform_3(%arg0: i32) -> (i32, i32) {
    %c0_i32 = arith.constant 0 : i32
    %c0_i32_0 = arith.constant 0 : i32
    %c0_i32_1 = arith.constant 0 : i32
    return %c0_i32, %c0_i32_0 : i32, i32
  }
  func.func @transform_4(%arg0: i32) -> (i32, i32) {
    %c0_i32 = arith.constant 0 : i32
    %c0_i32_0 = arith.constant 0 : i32
    %c0_i32_1 = arith.constant 0 : i32
    return %c0_i32, %c0_i32_0 : i32, i32
  }
}

</mosaic_0001>

<sc_bundles>
// kernel: kernel.11.cloned.1.call-start
scs
__scs_entry_jumppad:
0x0: {  	(pc) =	sbr.rel $0x88, $3  }
0x1: {  	(tag) =	ssettag $0x0;
	lr =	simm.s32 $0x1  }
0x2: {  	[smem:$0x3F7B] =	sst lr;
	_ =	strace $0xD0000000  }
0x3: {  	_ = 	snop  }
0x4: {  	_ = 	snop  }
0x5: {  	_ = 	snop  }
0x6: {  	_ = 	snop  }
0x7: {  	_ = 	snop  }
__scs_overlays_trampoline_lowered:
0x8: {  	[smem:$0x3F8A] =	sst s0  }
0x9: {  	[smem:$0x3F8B] =	sst s1  }
0xa: {  	[smem:$0x3F8C] =	sst s2  }
0xb: {  	[smem:$0x3F8D] =	sst s3  }
0xc: {  	[smem:$0x3F8E] =	sst s4  }
0xd: {  	[smem:$0x3F8F] =	sst s5  }
0xe: {  	[smem:$0x3F90] =	sst s6  }
0xf: {  	[smem:$0x3F91] =	sst s7  }
0x10: {  	[smem:$0x3F92] =	sst s8  }
0x11: {  	[smem:$0x3F93] =	sst s9;
	s0 =	simm.s32 @!p0 $0x0  }
0x12: {  	s1 =	sld [smem:$0x3F79];
	s0 =	simm.s32 @p0 $0x1  }
0x13: {  	[smem:$0x3F94] =	sst s0;
	s0 =	simm.s32 @!p1 $0x0  }
0x14: {  	s2 =	sld [smem:$0x3F78];
	s0 =	simm.s32 @p1 $0x1  }
0x15: {  	[smem:$0x3F95] =	sst s0;
	s0 =	simm.s32 @!p2 $0x0  }
0x16: {  	s3 =	sld [smem:$0x3FDB];
	s0 =	simm.s32 @p2 $0x1  }
0x17: {  	s4 =	simm.s32 $0x1BF5;
	[smem:$0x3F97] =	sst s0  }
0x18: {  	s0 =	sld [smem:$0x3F7A];
	_ =	swait.ge [sflag:s4], $0x0  }
0x19: {  	s7 =	sld [smem:$0x3F7B]  }
0x1a: {  	s8 =	sadd.s32 $0xFFFFE003, lr  }
0x1b: {  	s9 =	sadd.s32 $0xFFFFFEF7, lr;
	s5 =	simm.s32 $0xFFFFFFFF;
	p2 =	slt.u32 s8, $0xFFFFF086  }
0x1c: {  	p1 =	slt.u32 s9, $0xF7A;
	s5 =	simm.s32 @!p2 $0x0  }
0x1d: {  	s5 =	simm.s32 @p1 $0x1;
	p0 =	seq.s32 s7, s2  }
0x1e: {  	s7 =	smul.u32 @!p0 $0xF7A, s2;
	p2 =	seq.s32 @!p0 s5, $0x0  }
0x1f: {  	s9 =	smul.u32 $0xF7A, s1;
	s8 =	simm.s32 @!p0 $0x1BF5;
	p2 =	por !p2, p0  }
0x20: {  	[sflag:s8] =	ssyncset.s32 @!p0 $0xFFFFF086;
	s6 =	sadd.s32 @!p0 s3, s7;
	s7 =	simm.s32 @!p0 $0x108  }
0x21: {  	s3 =	sadd.s32 s3, s9;
	s6 =	sadd.s32 @!p0 $0x88, s6;
	s7 =	simm.s32 @p2 $0x1082  }
0x22: {  	[simem:s7], [sflag:s8] =	dma.local @!p0 [hbm:s6], $0xF7A  }
0x23: {  	s9 =	sor.u32 $0xD0000000, s2;
	s6 =	simm.s32 $0x108;
	_ =	swait.ge @!p0 [sflag:s8], $0x0  }
0x24: {  	s3 =	sadd.s32 $0x88, s3;
	s6 =	simm.s32 @!p1 $0x1082;
	[sflag:s4] =	ssyncset.s32 $0xFFFFF086  }
0x25: {  	[simem:s6], [sflag:s4] =	dma.local [hbm:s3], $0xF7A  }
0x26: {  	[smem:$0x3F7B] =	sst s1;
	(tag) =	ssettag s2;
	_ =	strace s9  }
0x27: {  	s1 =	sld [smem:$0x3F8B]  }
0x28: {  	s2 =	sld [smem:$0x3F8C]  }
0x29: {  	s4 =	sld [smem:$0x3F8E]  }
0x2a: {  	p0 =	seq.s32 s5, $0x0;
	s5 =	sld [smem:$0x3F8F]  }
0x2b: {  	s6 =	sld [smem:$0x3F90]  }
0x2c: {  	s7 =	sld [smem:$0x3F91]  }
0x2d: {  	s3 =	simm.s32 $0x108;
	s8 =	sld [smem:$0x3F92]  }
0x2e: {  	s3 =	simm.s32 @!p0 $0x1082;
	s9 =	sld [smem:$0x3F93]  }
0x2f: {  	lr =	sadd.s32 s0, s3;
	s0 =	sld [smem:$0x3F8A]  }
0x30: {  	s3 =	sld [smem:$0x3F8D]  }
0x31: {  	[smem:$0x3F96] =	sst s10  }
0x32: {  	s10 =	sld [smem:$0x3F94];
	_ =	sdelay $0x3  }
0x33: {  	p0 =	seq.s32 s10, $0x1;
	s10 =	sld [smem:$0x3F96];
	_ =	sdelay $0x3  }
0x34: {  	[smem:$0x3F96] =	sst s10  }
0x35: {  	s10 =	sld [smem:$0x3F95];
	_ =	sdelay $0x3  }
0x36: {  	p1 =	seq.s32 s10, $0x1;
	s10 =	sld [smem:$0x3F96];
	_ =	sdelay $0x3  }
0x37: {  	[smem:$0x3F96] =	sst s10  }
0x38: {  	s10 =	sld [smem:$0x3F97]  }
0x39: {  	_ = 	snop;
	(pc) =	sbr.ind lr, $3  }
0x3a: {  	_ = 	snop  }
0x3b: {  	_ = 	snop  }
0x3c: {  	p2 =	seq.s32 s10, $0x1;
	s10 =	sld [smem:$0x3F96]  }
0x3d: {  	_ =	shalt  }
0x3e: {  	_ =	shalt  }
0x3f: {  	_ =	shalt  }
0x40: {  	_ =	shalt  }
0x41: {  	_ =	shalt  }
0x42: {  	_ =	shalt  }
0x43: {  	_ =	shalt  }
0x44: {  	_ =	shalt  }
0x45: {  	_ =	shalt  }
0x46: {  	_ =	shalt  }
0x47: {  	_ =	shalt  }
0x48: {  	_ =	shalt  }
0x49: {  	_ =	shalt  }
0x4a: {  	_ =	shalt  }
0x4b: {  	_ =	shalt  }
0x4c: {  	_ =	shalt  }
0x4d: {  	_ =	shalt  }
0x4e: {  	_ =	shalt  }
0x4f: {  	_ =	shalt  }
0x50: {  	_ =	shalt  }
0x51: {  	_ =	shalt  }
0x52: {  	_ =	shalt  }
0x53: {  	_ =	shalt  }
0x54: {  	_ =	shalt  }
0x55: {  	_ =	shalt  }
0x56: {  	_ =	shalt  }
0x57: {  	_ =	shalt  }
0x58: {  	_ =	shalt  }
0x59: {  	_ =	shalt  }
0x5a: {  	_ =	shalt  }
0x5b: {  	_ =	shalt  }
0x5c: {  	_ =	shalt  }
0x5d: {  	_ =	shalt  }
0x5e: {  	_ =	shalt  }
0x5f: {  	_ =	shalt  }
0x60: {  	_ =	shalt  }
0x61: {  	_ =	shalt  }
0x62: {  	_ =	shalt  }
0x63: {  	_ =	shalt  }
0x64: {  	_ =	shalt  }
0x65: {  	_ =	shalt  }
0x66: {  	_ =	shalt  }
0x67: {  	_ =	shalt  }
0x68: {  	_ =	shalt  }
0x69: {  	_ =	shalt  }
0x6a: {  	_ =	shalt  }
0x6b: {  	_ =	shalt  }
0x6c: {  	_ =	shalt  }
0x6d: {  	_ =	shalt  }
0x6e: {  	_ =	shalt  }
0x6f: {  	_ =	shalt  }
0x70: {  	_ =	shalt  }
0x71: {  	_ =	shalt  }
0x72: {  	_ =	shalt  }
0x73: {  	_ =	shalt  }
0x74: {  	_ =	shalt  }
0x75: {  	_ =	shalt  }
0x76: {  	_ =	shalt  }
0x77: {  	_ =	shalt  }
0x78: {  	_ =	shalt  }
0x79: {  	_ =	shalt  }
0x7a: {  	_ =	shalt  }
0x7b: {  	_ =	shalt  }
0x7c: {  	_ =	shalt  }
0x7d: {  	_ =	shalt  }
0x7e: {  	_ =	shalt  }
0x7f: {  	_ =	shalt  }
0x80: {  	_ =	shalt  }
0x81: {  	_ =	shalt  }
0x82: {  	_ =	shalt  }
0x83: {  	_ =	shalt  }
0x84: {  	_ =	shalt  }
0x85: {  	_ =	shalt  }
0x86: {  	_ =	shalt  }
0x87: {  	_ =	shalt  }
.Lfunc_end0:
.L_simem_size_0:
called_computation_lowered:
.L_overlay_start_0:
0x88: {  	s2 =	sld [smem:$0x3FD9]  }
0x89: {  	s3 =	sld [smem:$0x3FFE];
	_ =	sdelay $0x1  }
0x8a: {  	s1 =	srdreg.scid  }
0x8b: {  	s0 =	sand.u32 $0x1, s1  }
0x8c: {  	s17 =	sshll.u32 s0, $0xA;
	s2 =	sadd.s32 s3, s2  }
0x8d: {  	s2 =	sadd.s32 s2, s17  }
0x8e: {  	[smem:$0x3FA2] =	sst s2  }
0x8f: {  	_ = 	snop  }
0x90: {  	s2 =	sld [smem:$0x3FD0];
	(tm) =	ssettm $0x1  }
0x91: {  	s18 =	sld [smem:$0x3FFB];
	_ =	sdelay $0x3  }
0x92: {  	_ =	strace s18  }
0x93: {  	s3 =	sld [smem:$0x3FFC];
	_ =	sdelay $0x3  }
0x94: {  	_ =	strace s3  }
0x95: {  	s3 =	sld [smem:$0x3FFD];
	_ =	sdelay $0x3  }
0x96: {  	_ =	strace s3  }
0x97: {  	_ =	strace $0x8FFFFFFF  }
0x98: {  	s19 =	sld [smem:$0x3FDB];
	_ =	sdelay $0x1  }
0x99: {  	s4 =	simm.s32 $_scs_section_size  }
0x9a: {  	s5 =	simm.s32 $_size__tile_overlayer_lowered;
	s6 =	simm.s32 $_tile_overlayer_lowered  }
0x9b: {  	s22 =	simm.s32 $0x1BFF;
	s21 =	sshll.u32 s6, $0x1;
	s3 =	sadd.s32 s4, s19  }
0x9c: {  	s7 =	simm.s32 $0x0;
	s20 =	sshll.u32 s5, $0x1;
	s5 =	sadd.s32 s21, s3  }
0x9d: {  	[timem:s7], [sflag:s22] =	dma.local [hbm:s5], s20  }
0x9e: {  	_ =	swait.ge [sflag:s22], s20  }
0x9f: {  	s4 =	ssub.s32 $0x0, s20;
	[sflag:s22] =	ssyncset.done $0x0  }
0xa0: {  	[sflag:s22] =	ssyncadd.s32 s4;
	_ =	sdelay $0x1  }
0xa1: {  	s23 =	simm.s32 $0x1B8B  }
0xa2: {  	_ =	swait.ge [sflag:s23], $0x1  }
0xa3: {  	[sflag:s23] =	ssyncset.done $0x0  }
0xa4: {  	s25 =	simm.s32 $0x1B8E;
	s24 =	sld [smem:$0x3FFE];
	[sflag:s23] =	ssyncadd.s32 $0xFFFFFFFF  }
0xa5: {  	s26 =	simm.s32 $execute0_lowered;
	[smem:$0x3FD2] =	sst s25  }
0xa6: {  	s5 =	sshll.u32 s26, $0x1;
	_ =	strace $0x80000046;
	[dreg:$0x1] =	wrdreg $0xFFFFFFFF  }
0xa7: {  	s28 =	simm.s32 $_size_execute0_lowered;
	s3 =	sadd.s32 s3, s5;
	[dreg:$0x0] =	wrdreg $0x0  }
0xa8: {  	s5 =	sshll.u32 s28, $0x1;
	[dreg:$0x2] =	wrdreg s3  }
0xa9: {  	[dreg:$0x3] =	wrdreg s5  }
0xaa: {  	[dreg:$0x4] =	wrdreg $0xC0  }
0xab: {  	_ =	task [dreg:s7], $0x5FFFF  }
0xac: {  	[dreg:$0x1] =	wrdreg $0xFFFFFFFF  }
0xad: {  	[dreg:$0x0] =	wrdreg $0x60  }
0xae: {  	[dreg:$0x2] =	wrdreg s2  }
0xaf: {  	[dreg:$0x3] =	wrdreg s24  }
0xb0: {  	[dreg:$0x4] =	wrdreg $0x9  }
0xb1: {  	_ =	task.clear_ibuf [dreg:s7], $0x5FFFF;
	_ =	strace $0x90000046  }
0xb2: {  	s29 =	simm.s32 $0x9;
	_ =	strace $0x80000048  }
0xb3: {  	_ =	swait.ge [sflag:s29], $0x1  }
0xb4: {  	[sflag:s29] =	ssyncadd.s32 $0xFFFFFFFF  }
0xb5: {  	_ =	strace $0x90000048  }
0xb6: {  	_ =	sfence  }
0xb7: {  	s30 =	sld [smem:$0x0];
	_ =	sdelay $0x2  }
0xb8: {  	s31 =	sshll.u32 s1, $0xD;
	s1 =	sshrl.u32 s1, $0x2  }
0xb9: {  	s3 =	sand.u32 $0x4000, s31;
	s1 =	sadd.s32 s1, s30  }
0xba: {  	s0 =	sor.u32 s3, s0;
	s1 =	sshll.u32 s1, $0x11  }
0xbb: {  	s0 =	sor.u32 s1, s0  }
0xbc: {  	s0 =	sadd.s32 $0x8F2B, s0  }
0xbd: {  	[sflag:s0] =	ssyncadd.remote.s32 $0x1  }
0xbe: {  	_ =	sfence.sel $0xFFFF  }
0xbf: {  	[dreg:$0x0] =	wrdreg $0xFFFFFFFF;
	(pc) =	sbr.abs _section_cstart, $3  }
0xc0: {  	[dreg:$0x1] =	wrdreg $0xFFFFFFFF  }
0xc1: {  	_ =	task.clear_ibuf [dreg:s7], $0x2FFFF;
	_ =	strace $0x9FFFFFFF  }
0xc2: {  	(tm) =	ssettm $0x7FFFFFFF  }
0xc3: {  	_ =	shalt  }
tec
execute0_lowered:
.L_overlay_start_1:
0x0: {  	(tag) =	ssettag $0x1  }
0x1: {  	s1 =	rddreg [dreg:$0x0]  }
0x2: {  	s8 =	rddreg [dreg:$0x1]  }
0x3: {  	s0 =	rddreg [dreg:$0x2]  }
0x4: {  	s2 =	simm.s32 $0x0;
	s3 =	srdreg.scid;
	s13 =	simm.s32 $0x50  }
0x5: {  	s14 =	simm.s32 $0x100;
	s15 =	simm.s32 $0x2900;
	s16 =	simm.s32 $0x5100  }
0x6: {  	s17 =	simm.s32 $0x1;
	s18 =	simm.s32 $0x2;
	s19 =	simm.s32 $0x0  }
0x7: {  	[smem:$0x7FF] =	sst s2;
	s4 =	sadd.s32 $0x4F6000, s8;
	s5 =	sand.u32 $0x1, s3  }
0x8: {  	s3 =	stileid.u32;
	s6 =	sadd.s32 $0xA200, s8;
	s10 =	smul.u32 $0x27100, s5  }
0x9: {  	s7 =	sadd.s32 $0x14000, s8;
	s9 =	ssub.s32 $0x2, s5;
	s12 =	smul.u32 $0x2710, s3  }
0xa: {  	_ =	strace $0x80000047;
	s5 =	sadd.s32 $0x400, s8;
	s11 =	sshrl.u32 s9, $0x1  }
0xb: {  	s8 =	sadd.s32 $0x51D200, s8;
	s11 =	ssub.s32 s9, s11;
	s9 =	sadd.s32 s12, s10  }
0xc: {  	s12 =	simm.s32 $0x80;
	s10 =	smax.u32 s11, $0x1;
	s11 =	simm.s32 $0x3  }
.LBB2_1:
0xd: {  	s20 =	simm.s32 $0x0  }
.LBB2_2:
0xe: {  	s21 =	smul.u32 $0x50, s20;
	_ =	sdelay $0x1  }
0xf: {  	s21 =	sadd.s32 s21, s9  }
0x10: {  	s22 =	sshrl.u32 s21, $0x3  }
0x11: {  	s24 =	simm.s32 $0x0;
	s23 =	sadd.s32 s5, s22  }
0x12: {  	[tilespmem:s24], [sflag:$0x3] =	stream.linear.gather [hbm4b:s23+s24], $0x50, $0x38;
	[tilespmem:$0x7900] =	vst v63  }
0x13: {  	_ =	swait.ge [sflag:s11], $0x50  }
0x14: {  	[sflag:s11] =	ssyncset.done $0x0  }
0x15: {  	s22 =	sadd.s32 s6, s22;
	[sflag:s11] =	ssyncadd.s32 $0xFFFFFFB0  }
0x16: {  	[tilespmem:s12], [sflag:$0x3] =	stream.linear.gather [hbm4b:s22+s24], $0x50, $0x38;
	[tilespmem:$0x7900] =	vst v63  }
0x17: {  	_ =	swait.ge [sflag:s11], $0x50  }
0x18: {  	[sflag:s11] =	ssyncset.done $0x0  }
0x19: {  	[sflag:s11] =	ssyncadd.s32 $0xFFFFFFB0  }
0x1a: {  	[tilespmem:s14], [sflag:$0x1] =	stream.indirect.gather [hbm4b:s1+s13], $0x80, s24, s13, $0xb8;
	[tilespmem:$0x7900] =	vst v63  }
0x1b: {  	s21 =	sshll.u32 s21, $0x4  }
0x1c: {  	[tilespmem:s15], [sflag:$0x2] =	stream.indirect.gather [hbm4b:s4+s13], $0x80, s12, s13, $0xb8;
	[tilespmem:$0x7900] =	vst v63  }
0x1d: {  	s31 =	sadd.s32 s7, s21  }
0x1e: {  	[tilespmem:s16], [sflag:$0x3] =	stream.linear.gather [hbm4b:s31+s24], $0x2800, $0x38;
	[tilespmem:$0x7900] =	vst v63  }
0x1f: {  	_ =	swait.ge [sflag:s11], $0x2800  }
0x20: {  	[sflag:s11] =	ssyncset.done $0x0  }
0x21: {  	[sflag:s11] =	ssyncadd.s32 $0xFFFFD800  }
0x22: {  	_ =	swait.ge [sflag:s17], $0x2800  }
0x23: {  	[sflag:s17] =	ssyncset.done $0x0  }
0x24: {  	[sflag:s17] =	ssyncadd.s32 $0xFFFFD800  }
0x25: {  	_ =	swait.ge [sflag:s18], $0x2800  }
0x26: {  	[sflag:s18] =	ssyncset.done $0x0  }
0x27: {  	s22 =	simm.s32 $0x0;
	[sflag:s18] =	ssyncadd.s32 $0xFFFFD800  }
0x28: {  	v12 =	vld [tilespmem:s22+$0x100]  }
0x29: {  	v17 =	vld [tilespmem:s22+$0x2900]  }
0x2a: {  	v19 =	vld [tilespmem:s22+$0x110]  }
0x2b: {  	v20 =	vld [tilespmem:s22+$0x2910]  }
0x2c: {  	v3 =	vld [tilespmem:s22+$0x120]  }
0x2d: {  	v9 =	vld [tilespmem:s22+$0x2920]  }
0x2e: {  	v7 =	vld [tilespmem:s22+$0x130]  }
0x2f: {  	v11 =	vld [tilespmem:s22+$0x2930]  }
0x30: {  	v6 =	vld [tilespmem:s22+$0x140]  }
0x31: {  	v10 =	vld [tilespmem:s22+$0x2940]  }
0x32: {  	v5 =	vld [tilespmem:s22+$0x150]  }
0x33: {  	v8 =	vld [tilespmem:s22+$0x2950]  }
0x34: {  	v2 =	vld [tilespmem:s22+$0x160]  }
0x35: {  	v4 =	vld [tilespmem:s22+$0x2960]  }
0x36: {  	v0 =	vld [tilespmem:s22+$0x170]  }
0x37: {  	v1 =	vld [tilespmem:s22+$0x2970]  }
0x38: {  	v16 =	vld [tilespmem:s22+$0x5100]  }
0x39: {  	v15 =	vld [tilespmem:s22+$0x5110]  }
0x3a: {  	v14 =	vld [tilespmem:s22+$0x5120]  }
0x3b: {  	v13 =	vld [tilespmem:s22+$0x5130];
	v18 =	vadd.f32 v17, v12  }
0x3c: {  	s23 =	simm.s32 $0x200;
	v17 =	vadd.f32 v20, v19;
	v12 =	vld [tilespmem:s22+$0x5140]  }
.LBB2_3:
0x3d: {  	p0 =	sne.s32 s23, $0x9E00;
	v16 =	vadd.f32 v16, v18;
	v3 =	vadd.f32 v9, v3;
	v9 =	vld [tilespmem:s22+$0x5150]  }
0x3e: {  	v7 =	vadd.f32 v11, v7;
	v15 =	vadd.f32 v15, v17;
	v11 =	vld [tilespmem:s22+$0x5160]  }
0x3f: {  	s24 =	sshra.s32 s23, $0x2;
	v6 =	vadd.f32 v10, v6;
	v16 =	vmul.f32 $3.333333430e-01, v16;
	v3 =	vadd.f32 v14, v3;
	v10 =	vld [tilespmem:s22+$0x5170]  }
0x40: {  	v5 =	vadd.f32 v8, v5;
	v17 =	vld [tilespmem:s24+$0x100];
	v14 =	vmul.f32 $3.333333430e-01, v15;
	v7 =	vadd.f32 v13, v7  }
0x41: {  	v2 =	vadd.f32 v4, v2;
	v13 =	vld [tilespmem:s24+$0x2900];
	[tilespmem:s22+$0x5100] =	vst v16;
	v3 =	vmul.f32 $3.333333430e-01, v3;
	v6 =	vadd.f32 v12, v6  }
0x42: {  	v0 =	vadd.f32 v1, v0;
	v12 =	vld [tilespmem:s24+$0x110];
	[tilespmem:s22+$0x5110] =	vst v14;
	v4 =	vmul.f32 $3.333333430e-01, v7;
	v5 =	vadd.f32 v9, v5  }
0x43: {  	v19 =	vld [tilespmem:s24+$0x2910];
	[tilespmem:s22+$0x5120] =	vst v3;
	v1 =	vmul.f32 $3.333333430e-01, v6;
	v2 =	vadd.f32 v11, v2  }
0x44: {  	v3 =	vld [tilespmem:s24+$0x120];
	[tilespmem:s22+$0x5130] =	vst v4;
	v4 =	vmul.f32 $3.333333430e-01, v5;
	v0 =	vadd.f32 v10, v0  }
0x45: {  	v9 =	vld [tilespmem:s24+$0x2920];
	[tilespmem:s22+$0x5140] =	vst v1;
	v1 =	vmul.f32 $3.333333430e-01, v2  }
0x46: {  	v7 =	vld [tilespmem:s24+$0x130];
	[tilespmem:s22+$0x5150] =	vst v4;
	v0 =	vmul.f32 $3.333333430e-01, v0  }
0x47: {  	v11 =	vld [tilespmem:s24+$0x2930];
	[tilespmem:s22+$0x5160] =	vst v1  }
0x48: {  	v6 =	vld [tilespmem:s24+$0x140];
	[tilespmem:s22+$0x5170] =	vst v0;
	s22 =	smov.u32 s24  }
0x49: {  	v10 =	vld [tilespmem:s22+$0x2940]  }
0x4a: {  	v5 =	vld [tilespmem:s22+$0x150]  }
0x4b: {  	v8 =	vld [tilespmem:s22+$0x2950]  }
0x4c: {  	v2 =	vld [tilespmem:s22+$0x160]  }
0x4d: {  	v4 =	vld [tilespmem:s22+$0x2960]  }
0x4e: {  	v0 =	vld [tilespmem:s22+$0x170]  }
0x4f: {  	v1 =	vld [tilespmem:s22+$0x2970]  }
.Ltmp0:
0x50: {  	v16 =	vld [tilespmem:s22+$0x5100];
	(pc) =	sbr.rel @p0 .LBB2_3-.Ltmp0, $4  }
0x51: {  	v15 =	vld [tilespmem:s22+$0x5110]  }
0x52: {  	v14 =	vld [tilespmem:s22+$0x5120]  }
0x53: {  	v18 =	vadd.f32 v13, v17;
	v13 =	vld [tilespmem:s22+$0x5130]  }
0x54: {  	s23 =	sadd.s32 $0x200, s23;
	v17 =	vadd.f32 v19, v12;
	v12 =	vld [tilespmem:s22+$0x5140]  }
0x55: {  	v16 =	vadd.f32 v16, v18;
	v3 =	vadd.f32 v9, v3;
	v56 =	vld [tilespmem:s22+$0x5150]  }
0x56: {  	v7 =	vadd.f32 v11, v7;
	v57 =	vld [tilespmem:s22+$0x5160];
	v15 =	vadd.f32 v15, v17  }
0x57: {  	v6 =	vadd.f32 v10, v6;
	v58 =	vld [tilespmem:s22+$0x5170];
	v16 =	vmul.f32 $3.333333430e-01, v16;
	v3 =	vadd.f32 v14, v3  }
0x58: {  	v5 =	vadd.f32 v8, v5;
	v59 =	vmul.f32 $3.333333430e-01, v15;
	v7 =	vadd.f32 v13, v7  }
0x59: {  	v2 =	vadd.f32 v4, v2;
	[tilespmem:s22+$0x5100] =	vst v16;
	v3 =	vmul.f32 $3.333333430e-01, v3;
	v6 =	vadd.f32 v12, v6  }
0x5a: {  	v0 =	vadd.f32 v1, v0;
	[tilespmem:s22+$0x5110] =	vst v59;
	v60 =	vmul.f32 $3.333333430e-01, v7;
	v5 =	vadd.f32 v56, v5  }
0x5b: {  	v2 =	vadd.f32 v57, v2;
	[tilespmem:s22+$0x5120] =	vst v3;
	v61 =	vmul.f32 $3.333333430e-01, v6  }
0x5c: {  	v0 =	vadd.f32 v58, v0;
	[tilespmem:s22+$0x5130] =	vst v60;
	v62 =	vmul.f32 $3.333333430e-01, v5  }
0x5d: {  	v63 =	vmul.f32 $3.333333430e-01, v2;
	[tilespmem:s22+$0x5140] =	vst v61  }
0x5e: {  	s20 =	sadd.s32 $0x1, s20;
	v0 =	vmul.f32 $3.333333430e-01, v0;
	[tilespmem:s22+$0x5150] =	vst v62  }
0x5f: {  	p0 =	sne.s32 s20, $0x7D;
	[tilespmem:s22+$0x5160] =	vst v63  }
.Ltmp1:
0x60: {  	s21 =	sadd.s32 s8, s21;
	[tilespmem:s22+$0x5170] =	vst v0;
	(pc) =	sbr.rel @p0 .LBB2_2-.Ltmp1, $4  }
0x61: {  	[hbm4b:s21+s2] =	stream.linear.scatter [tilespmem:s16], [sflag:$0x3], $0x2800, $0x38;
	[tilespmem:$0x7900] =	vst v63  }
0x62: {  	_ =	swait.ge [sflag:s11], $0x2800  }
0x63: {  	[sflag:s11] =	ssyncset.done $0x0  }
0x64: {  	[sflag:s11] =	ssyncadd.s32 $0xFFFFD800  }
0x65: {  	s19 =	sadd.s32 $0x1, s19  }
0x66: {  	p0 =	sne.s32 s19, s10  }
.Ltmp2:
0x67: {  	_ = 	snop;
	(pc) =	sbr.rel @p0 .LBB2_1-.Ltmp2, $1  }
0x68: {  	_ =	sdelay $0x3  }
0x69: {  	_ =	sfence.sel $0x180000  }
0x6a: {  	[bflag:$0x0] =	sbarrier.arrive $0xFFFF  }
0x6b: {  	p0 =	sne.s32 s3, $0x0;
	_ =	strace $0x90000047  }
0x6c: {  	s0 =	sadd.s32 @!p0 $0x100000, s0;
	[bflag:$0x2] =	sbarrier.arrive $0xFFFF  }
0x6d: {  	[sflag:s0] =	ssyncadd.tile.s32 @!p0 $0x1;
	_ =	shalt  }
.Lfunc_end2:
_tile_overlayer_lowered:
.L_overlay_start_2:
0x6e: {  	(tag) =	ssettag $0x2  }
0x6f: {  	s0 =	rddreg [dreg:$0x0];
	s2 =	stileid.u32  }
0x70: {  	s1 =	rddreg [dreg:$0x1];
	p0 =	sne.s32 s2, $0x0  }
0x71: {  	s3 =	rddreg [dreg:$0x2];
	[bflag:$0x3] =	sbarrier.arrive $0xFFFF;
	s2 =	simm.s32 @!p0 $0x1C03  }
0x72: {  	[timem:s3], [sflag:s2] =	dma.local @!p0 [hbm:s0], s1  }
0x73: {  	s0 =	simm.s32 @!p0 $0x3  }
0x74: {  	_ =	swait.ge @!p0 [sflag:s0], s1  }
0x75: {  	s1 =	ssub.s32 @!p0 $0x0, s1;
	[sflag:s0] =	ssyncset.done @!p0 $0x0  }
0x76: {  	[sflag:s0] =	ssyncadd.s32 @!p0 s1  }
0x77: {  	[bflag:$0x3] =	sbarrier.arrive $0xFFFF  }
0x78: {  	_ =	shalt  }

// kernel: kernel.14.cloned.1.call-start
scs
__scs_entry_jumppad:
0x0: {  	(pc) =	sbr.rel $0x88, $3  }
0x1: {  	(tag) =	ssettag $0x0;
	lr =	simm.s32 $0x1  }
0x2: {  	[smem:$0x3F7B] =	sst lr;
	_ =	strace $0xD0000000  }
0x3: {  	_ = 	snop  }
0x4: {  	_ = 	snop  }
0x5: {  	_ = 	snop  }
0x6: {  	_ = 	snop  }
0x7: {  	_ = 	snop  }
__scs_overlays_trampoline_lowered:
0x8: {  	[smem:$0x3F8A] =	sst s0  }
0x9: {  	[smem:$0x3F8B] =	sst s1  }
0xa: {  	[smem:$0x3F8C] =	sst s2  }
0xb: {  	[smem:$0x3F8D] =	sst s3  }
0xc: {  	[smem:$0x3F8E] =	sst s4  }
0xd: {  	[smem:$0x3F8F] =	sst s5  }
0xe: {  	[smem:$0x3F90] =	sst s6  }
0xf: {  	[smem:$0x3F91] =	sst s7  }
0x10: {  	[smem:$0x3F92] =	sst s8  }
0x11: {  	[smem:$0x3F93] =	sst s9;
	s0 =	simm.s32 @!p0 $0x0  }
0x12: {  	s1 =	sld [smem:$0x3F79];
	s0 =	simm.s32 @p0 $0x1  }
0x13: {  	[smem:$0x3F94] =	sst s0;
	s0 =	simm.s32 @!p1 $0x0  }
0x14: {  	s2 =	sld [smem:$0x3F78];
	s0 =	simm.s32 @p1 $0x1  }
0x15: {  	[smem:$0x3F95] =	sst s0;
	s0 =	simm.s32 @!p2 $0x0  }
0x16: {  	s3 =	sld [smem:$0x3FDB];
	s0 =	simm.s32 @p2 $0x1  }
0x17: {  	s4 =	simm.s32 $0x1BF5;
	[smem:$0x3F97] =	sst s0  }
0x18: {  	s0 =	sld [smem:$0x3F7A];
	_ =	swait.ge [sflag:s4], $0x0  }
0x19: {  	s7 =	sld [smem:$0x3F7B]  }
0x1a: {  	s8 =	sadd.s32 $0xFFFFE003, lr  }
0x1b: {  	s9 =	sadd.s32 $0xFFFFFEF7, lr;
	s5 =	simm.s32 $0xFFFFFFFF;
	p2 =	slt.u32 s8, $0xFFFFF086  }
0x1c: {  	p1 =	slt.u32 s9, $0xF7A;
	s5 =	simm.s32 @!p2 $0x0  }
0x1d: {  	s5 =	simm.s32 @p1 $0x1;
	p0 =	seq.s32 s7, s2  }
0x1e: {  	s7 =	smul.u32 @!p0 $0xF7A, s2;
	p2 =	seq.s32 @!p0 s5, $0x0  }
0x1f: {  	s9 =	smul.u32 $0xF7A, s1;
	s8 =	simm.s32 @!p0 $0x1BF5;
	p2 =	por !p2, p0  }
0x20: {  	[sflag:s8] =	ssyncset.s32 @!p0 $0xFFFFF086;
	s6 =	sadd.s32 @!p0 s3, s7;
	s7 =	simm.s32 @!p0 $0x108  }
0x21: {  	s3 =	sadd.s32 s3, s9;
	s6 =	sadd.s32 @!p0 $0x88, s6;
	s7 =	simm.s32 @p2 $0x1082  }
0x22: {  	[simem:s7], [sflag:s8] =	dma.local @!p0 [hbm:s6], $0xF7A  }
0x23: {  	s9 =	sor.u32 $0xD0000000, s2;
	s6 =	simm.s32 $0x108;
	_ =	swait.ge @!p0 [sflag:s8], $0x0  }
0x24: {  	s3 =	sadd.s32 $0x88, s3;
	s6 =	simm.s32 @!p1 $0x1082;
	[sflag:s4] =	ssyncset.s32 $0xFFFFF086  }
0x25: {  	[simem:s6], [sflag:s4] =	dma.local [hbm:s3], $0xF7A  }
0x26: {  	[smem:$0x3F7B] =	sst s1;
	(tag) =	ssettag s2;
	_ =	strace s9  }
0x27: {  	s1 =	sld [smem:$0x3F8B]  }
0x28: {  	s2 =	sld [smem:$0x3F8C]  }
0x29: {  	s4 =	sld [smem:$0x3F8E]  }
0x2a: {  	p0 =	seq.s32 s5, $0x0;
	s5 =	sld [smem:$0x3F8F]  }
0x2b: {  	s6 =	sld [smem:$0x3F90]  }
0x2c: {  	s7 =	sld [smem:$0x3F91]  }
0x2d: {  	s3 =	simm.s32 $0x108;
	s8 =	sld [smem:$0x3F92]  }
0x2e: {  	s3 =	simm.s32 @!p0 $0x1082;
	s9 =	sld [smem:$0x3F93]  }
0x2f: {  	lr =	sadd.s32 s0, s3;
	s0 =	sld [smem:$0x3F8A]  }
0x30: {  	s3 =	sld [smem:$0x3F8D]  }
0x31: {  	[smem:$0x3F96] =	sst s10  }
0x32: {  	s10 =	sld [smem:$0x3F94];
	_ =	sdelay $0x3  }
0x33: {  	p0 =	seq.s32 s10, $0x1;
	s10 =	sld [smem:$0x3F96];
	_ =	sdelay $0x3  }
0x34: {  	[smem:$0x3F96] =	sst s10  }
0x35: {  	s10 =	sld [smem:$0x3F95];
	_ =	sdelay $0x3  }
0x36: {  	p1 =	seq.s32 s10, $0x1;
	s10 =	sld [smem:$0x3F96];
	_ =	sdelay $0x3  }
0x37: {  	[smem:$0x3F96] =	sst s10  }
0x38: {  	s10 =	sld [smem:$0x3F97]  }
0x39: {  	_ = 	snop;
	(pc) =	sbr.ind lr, $3  }
0x3a: {  	_ = 	snop  }
0x3b: {  	_ = 	snop  }
0x3c: {  	p2 =	seq.s32 s10, $0x1;
	s10 =	sld [smem:$0x3F96]  }
0x3d: {  	_ =	shalt  }
0x3e: {  	_ =	shalt  }
0x3f: {  	_ =	shalt  }
0x40: {  	_ =	shalt  }
0x41: {  	_ =	shalt  }
0x42: {  	_ =	shalt  }
0x43: {  	_ =	shalt  }
0x44: {  	_ =	shalt  }
0x45: {  	_ =	shalt  }
0x46: {  	_ =	shalt  }
0x47: {  	_ =	shalt  }
0x48: {  	_ =	shalt  }
0x49: {  	_ =	shalt  }
0x4a: {  	_ =	shalt  }
0x4b: {  	_ =	shalt  }
0x4c: {  	_ =	shalt  }
0x4d: {  	_ =	shalt  }
0x4e: {  	_ =	shalt  }
0x4f: {  	_ =	shalt  }
0x50: {  	_ =	shalt  }
0x51: {  	_ =	shalt  }
0x52: {  	_ =	shalt  }
0x53: {  	_ =	shalt  }
0x54: {  	_ =	shalt  }
0x55: {  	_ =	shalt  }
0x56: {  	_ =	shalt  }
0x57: {  	_ =	shalt  }
0x58: {  	_ =	shalt  }
0x59: {  	_ =	shalt  }
0x5a: {  	_ =	shalt  }
0x5b: {  	_ =	shalt  }
0x5c: {  	_ =	shalt  }
0x5d: {  	_ =	shalt  }
0x5e: {  	_ =	shalt  }
0x5f: {  	_ =	shalt  }
0x60: {  	_ =	shalt  }
0x61: {  	_ =	shalt  }
0x62: {  	_ =	shalt  }
0x63: {  	_ =	shalt  }
0x64: {  	_ =	shalt  }
0x65: {  	_ =	shalt  }
0x66: {  	_ =	shalt  }
0x67: {  	_ =	shalt  }
0x68: {  	_ =	shalt  }
0x69: {  	_ =	shalt  }
0x6a: {  	_ =	shalt  }
0x6b: {  	_ =	shalt  }
0x6c: {  	_ =	shalt  }
0x6d: {  	_ =	shalt  }
0x6e: {  	_ =	shalt  }
0x6f: {  	_ =	shalt  }
0x70: {  	_ =	shalt  }
0x71: {  	_ =	shalt  }
0x72: {  	_ =	shalt  }
0x73: {  	_ =	shalt  }
0x74: {  	_ =	shalt  }
0x75: {  	_ =	shalt  }
0x76: {  	_ =	shalt  }
0x77: {  	_ =	shalt  }
0x78: {  	_ =	shalt  }
0x79: {  	_ =	shalt  }
0x7a: {  	_ =	shalt  }
0x7b: {  	_ =	shalt  }
0x7c: {  	_ =	shalt  }
0x7d: {  	_ =	shalt  }
0x7e: {  	_ =	shalt  }
0x7f: {  	_ =	shalt  }
0x80: {  	_ =	shalt  }
0x81: {  	_ =	shalt  }
0x82: {  	_ =	shalt  }
0x83: {  	_ =	shalt  }
0x84: {  	_ =	shalt  }
0x85: {  	_ =	shalt  }
0x86: {  	_ =	shalt  }
0x87: {  	_ =	shalt  }
.Lfunc_end0:
.L_simem_size_0:
called_computation.1_lowered:
.L_overlay_start_0:
0x88: {  	s2 =	sld [smem:$0x3FD9]  }
0x89: {  	s3 =	sld [smem:$0x3FFE];
	_ =	sdelay $0x1  }
0x8a: {  	s1 =	srdreg.scid  }
0x8b: {  	s0 =	sand.u32 $0x1, s1  }
0x8c: {  	s17 =	sshll.u32 s0, $0xA;
	s2 =	sadd.s32 s3, s2  }
0x8d: {  	s2 =	sadd.s32 s2, s17  }
0x8e: {  	[smem:$0x3FA2] =	sst s2  }
0x8f: {  	_ = 	snop  }
0x90: {  	s2 =	sld [smem:$0x3FD0];
	(tm) =	ssettm $0x1  }
0x91: {  	s18 =	sld [smem:$0x3FFB];
	_ =	sdelay $0x3  }
0x92: {  	_ =	strace s18  }
0x93: {  	s3 =	sld [smem:$0x3FFC];
	_ =	sdelay $0x3  }
0x94: {  	_ =	strace s3  }
0x95: {  	s3 =	sld [smem:$0x3FFD];
	_ =	sdelay $0x3  }
0x96: {  	_ =	strace s3  }
0x97: {  	_ =	strace $0x8FFFFFFF  }
0x98: {  	s19 =	sld [smem:$0x3FDB];
	_ =	sdelay $0x1  }
0x99: {  	s4 =	simm.s32 $_scs_section_size  }
0x9a: {  	s5 =	simm.s32 $_size__tile_overlayer_lowered;
	s6 =	simm.s32 $_tile_overlayer_lowered  }
0x9b: {  	s22 =	simm.s32 $0x1BFF;
	s21 =	sshll.u32 s6, $0x1;
	s3 =	sadd.s32 s4, s19  }
0x9c: {  	s7 =	simm.s32 $0x0;
	s20 =	sshll.u32 s5, $0x1;
	s5 =	sadd.s32 s21, s3  }
0x9d: {  	[timem:s7], [sflag:s22] =	dma.local [hbm:s5], s20  }
0x9e: {  	_ =	swait.ge [sflag:s22], s20  }
0x9f: {  	s4 =	ssub.s32 $0x0, s20;
	[sflag:s22] =	ssyncset.done $0x0  }
0xa0: {  	[sflag:s22] =	ssyncadd.s32 s4;
	_ =	sdelay $0x1  }
0xa1: {  	s23 =	simm.s32 $0x1B8B  }
0xa2: {  	_ =	swait.ge [sflag:s23], $0x1  }
0xa3: {  	[sflag:s23] =	ssyncset.done $0x0  }
0xa4: {  	s25 =	simm.s32 $0x1B8E;
	s24 =	sld [smem:$0x3FFE];
	[sflag:s23] =	ssyncadd.s32 $0xFFFFFFFF  }
0xa5: {  	s26 =	simm.s32 $execute0_lowered;
	[smem:$0x3FD2] =	sst s25  }
0xa6: {  	s5 =	sshll.u32 s26, $0x1;
	_ =	strace $0x80000049;
	[dreg:$0x1] =	wrdreg $0xFFFFFFFF  }
0xa7: {  	s28 =	simm.s32 $_size_execute0_lowered;
	s3 =	sadd.s32 s3, s5;
	[dreg:$0x0] =	wrdreg $0x0  }
0xa8: {  	s5 =	sshll.u32 s28, $0x1;
	[dreg:$0x2] =	wrdreg s3  }
0xa9: {  	[dreg:$0x3] =	wrdreg s5  }
0xaa: {  	[dreg:$0x4] =	wrdreg $0xC0  }
0xab: {  	_ =	task [dreg:s7], $0x5FFFF  }
0xac: {  	[dreg:$0x1] =	wrdreg $0xFFFFFFFF  }
0xad: {  	[dreg:$0x0] =	wrdreg $0x60  }
0xae: {  	[dreg:$0x2] =	wrdreg s24  }
0xaf: {  	[dreg:$0x3] =	wrdreg s2  }
0xb0: {  	[dreg:$0x4] =	wrdreg $0x0  }
0xb1: {  	[dreg:$0x5] =	wrdreg $0x9  }
0xb2: {  	_ =	task.clear_ibuf [dreg:s7], $0x6FFFF;
	_ =	strace $0x90000049  }
0xb3: {  	s29 =	simm.s32 $0x9;
	_ =	strace $0x8000004B  }
0xb4: {  	_ =	swait.ge [sflag:s29], $0x1  }
0xb5: {  	[sflag:s29] =	ssyncadd.s32 $0xFFFFFFFF  }
0xb6: {  	_ =	strace $0x9000004B  }
0xb7: {  	_ =	sfence  }
0xb8: {  	s30 =	sld [smem:$0x0];
	_ =	sdelay $0x2  }
0xb9: {  	s31 =	sshll.u32 s1, $0xD;
	s1 =	sshrl.u32 s1, $0x2  }
0xba: {  	s3 =	sand.u32 $0x4000, s31;
	s1 =	sadd.s32 s1, s30  }
0xbb: {  	s0 =	sor.u32 s3, s0;
	s1 =	sshll.u32 s1, $0x11  }
0xbc: {  	s0 =	sor.u32 s1, s0  }
0xbd: {  	s0 =	sadd.s32 $0x8F2B, s0  }
0xbe: {  	[sflag:s0] =	ssyncadd.remote.s32 $0x1  }
0xbf: {  	_ =	sfence.sel $0xFFFF  }
0xc0: {  	[dreg:$0x0] =	wrdreg $0xFFFFFFFF;
	(pc) =	sbr.abs _section_cstart, $3  }
0xc1: {  	[dreg:$0x1] =	wrdreg $0xFFFFFFFF  }
0xc2: {  	_ =	task.clear_ibuf [dreg:s7], $0x2FFFF;
	_ =	strace $0x9FFFFFFF  }
0xc3: {  	(tm) =	ssettm $0x7FFFFFFF  }
tec
execute0_lowered:
.L_overlay_start_1:
0x0: {  	(tag) =	ssettag $0x1  }
0x1: {  	s0 =	rddreg [dreg:$0x0]  }
0x2: {  	s2 =	rddreg [dreg:$0x2];
	s3 =	simm.s32 $0x0;
	s1 =	srdreg.scid  }
0x3: {  	s8 =	stileid.u32;
	s17 =	simm.s32 $0x2;
	s18 =	simm.s32 $0x19040  }
0x4: {  	s19 =	simm.s32 $0x19840;
	s20 =	simm.s32 $0x1A240;
	s21 =	simm.s32 $0x1A2C0  }
0x5: {  	s22 =	simm.s32 $0x80;
	s23 =	simm.s32 $0x1A340;
	[smem:$0x7FF] =	sst s3  }
0x6: {  	s24 =	simm.s32 $0x1;
	s5 =	sadd.s32 $0x51D200, s0;
	s6 =	sadd.s32 $0xA12C00, s0  }
0x7: {  	s14 =	simm.s32 $0x0;
	s7 =	sadd.s32 $0x9FF200, s0;
	s4 =	sadd.s32 $0xA26600, s0  }
0x8: {  	s1 =	sand.u32 $0x1, s1;
	s28 =	smul.u32 $0x64000, s8;
	s9 =	sadd.s32 $0x14000, s0  }
0x9: {  	s10 =	sadd.s32 $0x1FEA00, s0;
	s13 =	smul.u32 $0x9C40, s8;
	s31 =	sshll.u32 s8, $0x6  }
.Ltmp0:
0xa: {  	_ =	strace $0x8000004A;
	s29 =	ssub.s32 $0x2, s1;
	(pc) =	sbr.rel .LBB2_1-.Ltmp0, $4  }
0xb: {  	[dreg:$0x4] =	wrdreg s4;
	s11 =	smul.u32 $0xD, s1;
	s12 =	sshrl.u32 s29, $0x1  }
0xc: {  	s15 =	sor.u32 $0x1C02, s31;
	s30 =	sshrl.u32 s28, $0x2;
	s0 =	ssub.s32 s29, s12  }
0xd: {  	s1 =	sadd.s32 s30, s2;
	s12 =	smul.u32 $0x320, s8;
	s0 =	smax.u32 s0, $0x1  }
0xe: {  	v0 =	vimm.s32 $0x0;
	v1 =	vimm.s32 $0x3200;
	s16 =	sshrl.u32 s1, $0x3;
	s1 =	simm.s32 $0x0;
	[dreg:$0x5] =	wrdreg s0  }
.LBB2_11:
0xf: {  	s1 =	rddreg [dreg:$0x6]  }
0x10: {  	s0 =	rddreg [dreg:$0x5];
	s1 =	sadd.s32 $0x1, s1  }
0x11: {  	p0 =	sne.s32 s1, s0  }
.Ltmp1:
0x12: {  	_ = 	snop;
	(pc) =	sbr.rel @!p0 .LBB2_12-.Ltmp1, $1  }
0x13: {  	_ =	sdelay $0x3  }
.LBB2_1:
.Ltmp2:
0x14: {  	(pc) =	sbr.rel .LBB2_2-.Ltmp2, $2  }
0x15: {  	_ =	sdelay $0x2  }
0x16: {  	[dreg:$0x6] =	wrdreg s1;
	s28 =	simm.s32 $0x0  }
.LBB2_9:
0x17: {  	v2 =	vld [tilespmem:$0x1A040]  }
0x18: {  	v3 =	vld [tilespmem:$0x1A140]  }
0x19: {  	v4 =	vld [tilespmem:$0x1A050]  }
0x1a: {  	v5 =	vld [tilespmem:$0x1A150]  }
0x1b: {  	v6 =	vld [tilespmem:$0x1A060]  }
0x1c: {  	v7 =	vld [tilespmem:$0x1A160];
	vm0 =	vgt.s32 v2, $0x0  }
0x1d: {  	v8 =	vld [tilespmem:$0x1A070];
	vm13 =	vgt.s32 v3, $0x0;
	v2 =	vnsel vm0, $0x0, v2  }
0x1e: {  	v9 =	vld [tilespmem:$0x1A170];
	vm14 =	vgt.s32 v4, $0x0;
	v3 =	vnsel vm13, $0x0, v3;
	v2 =	vmin.u32 v2, $0x4E1FF  }
0x1f: {  	v56 =	vld [tilespmem:$0x1A080];
	vm15 =	vgt.s32 v5, $0x0;
	[tilespmem:$0x1A240] =	vst v2;
	v2 =	vmin.u32 v3, $0x3200;
	v3 =	vnsel vm14, $0x0, v4  }
0x20: {  	v57 =	vld [tilespmem:$0x1A180];
	vm4 =	vgt.s32 v6, $0x0;
	[tilespmem:$0x1A2C0] =	vst v2;
	v2 =	vmin.u32 v3, $0x4E1FF;
	v3 =	vnsel vm15, $0x0, v5  }
0x21: {  	v58 =	vld [tilespmem:$0x1A090];
	vm5 =	vgt.s32 v7, $0x0;
	[tilespmem:$0x1A250] =	vst v2;
	v2 =	vmin.u32 v3, $0x3200;
	v3 =	vnsel vm4, $0x0, v6  }
0x22: {  	v59 =	vld [tilespmem:$0x1A190];
	vm6 =	vgt.s32 v8, $0x0;
	[tilespmem:$0x1A2D0] =	vst v2;
	v2 =	vmin.u32 v3, $0x4E1FF;
	v3 =	vnsel vm5, $0x0, v7  }
0x23: {  	v60 =	vld [tilespmem:$0x1A0A0];
	vm7 =	vgt.s32 v9, $0x0;
	[tilespmem:$0x1A260] =	vst v2;
	v2 =	vmin.u32 v3, $0x3200;
	v3 =	vnsel vm6, $0x0, v8  }
0x24: {  	v61 =	vld [tilespmem:$0x1A1A0];
	vm8 =	vgt.s32 v56, $0x0;
	[tilespmem:$0x1A2E0] =	vst v2;
	v2 =	vmin.u32 v3, $0x4E1FF;
	v3 =	vnsel vm7, $0x0, v9  }
0x25: {  	v62 =	vld [tilespmem:$0x1A0B0];
	vm9 =	vgt.s32 v57, $0x0;
	[tilespmem:$0x1A270] =	vst v2;
	v2 =	vmin.u32 v3, $0x3200;
	v3 =	vnsel vm8, $0x0, v56  }
0x26: {  	v63 =	vld [tilespmem:$0x1A1B0];
	vm10 =	vgt.s32 v58, $0x0;
	[tilespmem:$0x1A2F0] =	vst v2;
	v2 =	vmin.u32 v3, $0x4E1FF;
	v3 =	vnsel vm9, $0x0, v57  }
0x27: {  	vm11 =	vgt.s32 v59, $0x0;
	[tilespmem:$0x1A280] =	vst v2;
	v2 =	vmin.u32 v3, $0x3200;
	v3 =	vnsel vm10, $0x0, v58  }
0x28: {  	vm12 =	vgt.s32 v60, $0x0;
	[tilespmem:$0x1A300] =	vst v2;
	v2 =	vmin.u32 v3, $0x4E1FF;
	v3 =	vnsel vm11, $0x0, v59  }
0x29: {  	vm13 =	vgt.s32 v61, $0x0;
	[tilespmem:$0x1A290] =	vst v2;
	v2 =	vmin.u32 v3, $0x3200;
	v3 =	vnsel vm12, $0x0, v60  }
0x2a: {  	vm14 =	vgt.s32 v62, $0x0;
	[tilespmem:$0x1A310] =	vst v2;
	v2 =	vmin.u32 v3, $0x4E1FF;
	v3 =	vnsel vm13, $0x0, v61  }
0x2b: {  	s0 =	sadd.s32 s0, s31;
	vm15 =	vgt.s32 v63, $0x0;
	[tilespmem:$0x1A2A0] =	vst v2;
	v2 =	vmin.u32 v3, $0x3200;
	v3 =	vnsel vm14, $0x0, v62  }
0x2c: {  	s0 =	sshll.u32 s0, $0x4;
	[tilespmem:$0x1A320] =	vst v2;
	v2 =	vmin.u32 v3, $0x4E1FF;
	v3 =	vnsel vm15, $0x0, v63  }
0x2d: {  	s0 =	sand.u32 $0x1FFFFFF0, s0;
	[tilespmem:$0x1A2B0] =	vst v2;
	v2 =	vmin.u32 v3, $0x3200  }
0x2e: {  	s1 =	sadd.s32 s9, s0;
	[tilespmem:$0x1A330] =	vst v2  }
0x2f: {  	[hbm4b:s1+s3] =	stream.linear.scatter [tilespmem:s20], [sflag:$0x2], $0x80, $0x38;
	[tilespmem:$0x1E3C0] =	vst v63  }
0x30: {  	_ =	swait.ge [sflag:s17], $0x80  }
0x31: {  	[sflag:s17] =	ssyncset.done $0x0  }
0x32: {  	s0 =	sadd.s32 s10, s0;
	[sflag:s17] =	ssyncadd.s32 $0xFFFFFF80  }
0x33: {  	[hbm4b:s0+s3] =	stream.linear.scatter [tilespmem:s21], [sflag:$0x2], $0x80, $0x38;
	[tilespmem:$0x1E3C0] =	vst v63  }
0x34: {  	_ =	swait.ge [sflag:s17], $0x80  }
0x35: {  	[sflag:s17] =	ssyncset.done $0x0  }
0x36: {  	[sflag:s17] =	ssyncadd.s32 $0xFFFFFF80  }
0x37: {  	[tilespmem:s23], [sflag:$0x1] =	stream.indirect.gather [hbm4b:s5+s22], $0x80, s20, s22, $0xb8;
	[tilespmem:$0x1E3C0] =	vst v63  }
0x38: {  	_ =	swait.ge [sflag:s24], $0x4000  }
0x39: {  	[sflag:s24] =	ssyncset.done $0x0  }
0x3a: {  	[sflag:s24] =	ssyncadd.s32 $0xFFFFC000  }
0x3b: {  	[spmem:s2] =	stream.indirect.scatter.add.f32 [tilespmem:s23], [sflag:$0x2], $0x80, s21, s22, $0xb8;
	[tilespmem:$0x1E3C0] =	vst v63  }
0x3c: {  	_ =	swait.ge [sflag:s17], $0x4000  }
0x3d: {  	[sflag:s17] =	ssyncset.done $0x0  }
0x3e: {  	s8 =	sadd.s32 $0x1, s31;
	[sflag:s17] =	ssyncadd.s32 $0xFFFFC000  }
0x3f: {  	s25 =	sshll.u32 s30, $0x1;
	v2 =	vmov s8;
	s26 =	rddreg [dreg:$0x1]  }
0x40: {  	s30 =	simm.s32 $0x1E340;
	[tilespmem:$0x1E340] =	vst v2;
	s0 =	sadd.s32 s26, s25  }
0x41: {  	[hbm4b:s0+s3] =	stream.linear.scatter [tilespmem:s30], [sflag:$0x2], $0x10, $0x38;
	[tilespmem:$0x1E3C0] =	vst v63  }
0x42: {  	_ =	swait.ge [sflag:s17], $0x10  }
0x43: {  	[sflag:s17] =	ssyncset.done $0x0  }
0x44: {  	[sflag:s17] =	ssyncadd.s32 $0xFFFFFFF0  }
0x45: {  	[bflag:$0x0] =	sbarrier.arrive $0xFFFF  }
0x46: {  	s31 =	rddreg [dreg:$0x4]  }
0x47: {  	s0 =	sadd.s32 s31, s29  }
0x48: {  	[hbm:s0], [sflag:s15] =	dma.local [spmem:s16], $0x3200  }
0x49: {  	_ =	swait.ge [sflag:s17], $0x3200  }
0x4a: {  	[sflag:s17] =	ssyncset.done $0x0  }
0x4b: {  	[sflag:s17] =	ssyncadd.s32 $0xFFFFCE00  }
0x4c: {  	[bflag:$0x0] =	sbarrier.arrive $0xFFFF  }
.LBB2_10:
0x4d: {  	s28 =	sadd.s32 $0x1, s28  }
0x4e: {  	p0 =	sne.s32 s28, $0xD  }
.Ltmp3:
0x4f: {  	_ = 	snop;
	(pc) =	sbr.rel @!p0 .LBB2_11-.Ltmp3, $1  }
0x50: {  	_ =	sdelay $0x3  }
.LBB2_2:
0x51: {  	s0 =	sadd.s32 s11, s28  }
0x52: {  	p0 =	sgt.u32 s0, $0x18  }
.Ltmp4:
0x53: {  	_ = 	snop;
	(pc) =	sbr.rel @p0 .LBB2_10-.Ltmp4, $1  }
0x54: {  	_ =	sdelay $0x3  }
0x55: {  	s1 =	smul.u32 $0x3200, s0;
	_ =	sdelay $0x1  }
0x56: {  	s4 =	sadd.s32 s12, s1  }
0x57: {  	s29 =	sshll.u32 s4, $0x4  }
0x58: {  	s4 =	sadd.s32 s5, s29  }
0x59: {  	[spmem:s16], [sflag:s15] =	dma.local [hbm:s4], $0x3200  }
0x5a: {  	_ =	swait.ge [sflag:s17], $0x3200  }
0x5b: {  	[sflag:s17] =	ssyncset.done $0x0  }
0x5c: {  	[sflag:s17] =	ssyncadd.s32 $0xFFFFCE00  }
0x5d: {  	[bflag:$0x0] =	sbarrier.arrive $0xFFFF  }
0x5e: {  	[tilespmem:$0x1A040] =	vst v0  }
0x5f: {  	[tilespmem:$0x1A140] =	vst v1  }
0x60: {  	[tilespmem:$0x1A050] =	vst v0  }
0x61: {  	[tilespmem:$0x1A150] =	vst v1  }
0x62: {  	[tilespmem:$0x1A060] =	vst v0  }
0x63: {  	[tilespmem:$0x1A160] =	vst v1  }
0x64: {  	[tilespmem:$0x1A070] =	vst v0  }
0x65: {  	[tilespmem:$0x1A170] =	vst v1  }
0x66: {  	[tilespmem:$0x1A080] =	vst v0  }
0x67: {  	[tilespmem:$0x1A180] =	vst v1  }
0x68: {  	[tilespmem:$0x1A090] =	vst v0  }
0x69: {  	[tilespmem:$0x1A190] =	vst v1  }
0x6a: {  	[tilespmem:$0x1A0A0] =	vst v0  }
.Ltmp5:
0x6b: {  	[tilespmem:$0x1A1A0] =	vst v1;
	(pc) =	sbr.rel .LBB2_4-.Ltmp5, $4  }
0x6c: {  	[tilespmem:$0x1A0B0] =	vst v0  }
0x6d: {  	s25 =	sshll.u32 s0, $0x4;
	s26 =	stileid.u32;
	[tilespmem:$0x1A1B0] =	vst v1  }
0x6e: {  	s31 =	simm.s32 $0x0;
	s30 =	sor.u32 s26, s25;
	[tilespmem:$0x1A0C0] =	vst v0  }
0x6f: {  	s26 =	simm.s32 $0x0;
	s0 =	smul.u32 $0x13A, s30;
	v2 =	vmov s1;
	s1 =	simm.s32 $0x0;
	[tilespmem:$0x1A1C0] =	vst v1  }
.LBB2_8:
0x70: {  	s1 =	sadd.s32 $0x1, s1  }
0x71: {  	p0 =	sne.s32 s1, $0x14  }
.Ltmp6:
0x72: {  	_ = 	snop;
	(pc) =	sbr.rel @!p0 .LBB2_9-.Ltmp6, $1  }
0x73: {  	_ =	sdelay $0x3  }
.LBB2_4:
0x74: {  	s4 =	smul.u32 $0x7D0, s1;
	_ =	sdelay $0x1  }
0x75: {  	s4 =	sadd.s32 s13, s4  }
0x76: {  	s4 =	sshrl.u32 s4, $0x3  }
0x77: {  	s25 =	sadd.s32 s6, s4  }
0x78: {  	[tilespmem:s18], [sflag:$0x2] =	stream.linear.gather [hbm4b:s25+s14], $0x7D0, $0x38;
	[tilespmem:$0x1E3C0] =	vst v63  }
0x79: {  	_ =	swait.ge [sflag:s17], $0x7D0  }
0x7a: {  	[sflag:s17] =	ssyncset.done $0x0  }
.Ltmp7:
0x7b: {  	s4 =	sadd.s32 s7, s4;
	[sflag:s17] =	ssyncadd.s32 $0xFFFFF830;
	(pc) =	sbr.rel .LBB2_5-.Ltmp7, $4  }
0x7c: {  	[tilespmem:s19], [sflag:$0x2] =	stream.linear.gather [hbm4b:s4+s14], $0x7D0, $0x38;
	[tilespmem:$0x1E3C0] =	vst v63  }
0x7d: {  	_ =	swait.ge [sflag:s17], $0x7D0  }
0x7e: {  	[sflag:s17] =	ssyncset.done $0x0  }
0x7f: {  	s4 =	simm.s32 $0x0;
	[sflag:s17] =	ssyncadd.s32 $0xFFFFF830  }
.LBB2_7:
0x80: {  	s4 =	sadd.s32 $0x40, s4  }
0x81: {  	p1 =	sne.s32 s4, $0x1F40  }
.Ltmp8:
0x82: {  	_ = 	snop;
	(pc) =	sbr.rel @!p1 .LBB2_8-.Ltmp8, $4  }
0x83: {  	_ = 	snop  }
0x84: {  	p0 =	sgt.s32 s26, $0x7F;
	s8 =	simm.s32 $0x1  }
0x85: {  	s25 =	sadd.s32 $0xFFFFFF80, s26;
	s8 =	simm.s32 @!p0 $0x0  }
0x86: {  	s26 =	smov.u32 @p0 s25;
	s31 =	sadd.s32 s8, s31  }
.LBB2_5:
0x87: {  	s25 =	sshra.s32 s4, $0x2  }
0x88: {  	v3 =	vld [tilespmem:s25+$0x19840];
	_ =	sdelay $0x4  }
0x89: {  	v3 =	vsub.s32 v3, v2  }
0x8a: {  	vm0 =	vlt.u32 v3, $0x3200  }
0x8b: {  	v4 =	vsel vm0, $0x1, v0  }
0x8c: {  	(xrf0) =	vadd.scan.msk.s32 $0xffff, v4;
	_ =	sdelay $0x5  }
0x8d: {  	v4, _, _ =	vpop (xrf0)  }
0x8e: {  	(v2sf) =	vpush v4, $0xF;
	_ =	sdelay $0xa  }
0x8f: {  	v63 =	vld [tilespmem:s25+$0x19040];
	_ =	sdelay $0x3  }
0x90: {  	[tilespmem:s26+$0x1A140] =	vst.msk vm0, v3;
	s8 =	spop (v2sf)  }
0x91: {  	[tilespmem:s26+$0x1A040] =	vst.msk vm0, v63;
	s26 =	sadd.s32 s26, s8  }
0x92: {  	p0 =	slt.s32 s26, $0x80  }
.Ltmp9:
0x93: {  	_ = 	snop;
	(pc) =	sbr.rel @p0 .LBB2_7-.Ltmp9, $1  }
0x94: {  	_ =	sdelay $0x3  }
0x95: {  	v3 =	vld [tilespmem:$0x1A040]  }
0x96: {  	v4 =	vld [tilespmem:$0x1A140]  }
0x97: {  	v5 =	vld [tilespmem:$0x1A050]  }
0x98: {  	v6 =	vld [tilespmem:$0x1A150]  }
0x99: {  	v7 =	vld [tilespmem:$0x1A060]  }
0x9a: {  	v8 =	vld [tilespmem:$0x1A160];
	vm0 =	vgt.s32 v3, $0x0  }
0x9b: {  	v9 =	vld [tilespmem:$0x1A070];
	vm13 =	vgt.s32 v4, $0x0;
	v3 =	vnsel vm0, $0x0, v3  }
0x9c: {  	v10 =	vld [tilespmem:$0x1A170];
	vm14 =	vgt.s32 v5, $0x0;
	v4 =	vnsel vm13, $0x0, v4;
	v3 =	vmin.u32 v3, $0x4E1FF  }
0x9d: {  	v42 =	vld [tilespmem:$0x1A080];
	vm15 =	vgt.s32 v6, $0x0;
	v41 =	vnsel vm14, $0x0, v5;
	[tilespmem:$0x1A240] =	vst v3;
	v3 =	vmin.u32 v4, $0x3200  }
0x9e: {  	v44 =	vld [tilespmem:$0x1A180];
	vm4 =	vgt.s32 v7, $0x0;
	v43 =	vnsel vm15, $0x0, v6;
	[tilespmem:$0x1A2C0] =	vst v3;
	v3 =	vmin.u32 v41, $0x4E1FF  }
0x9f: {  	v46 =	vld [tilespmem:$0x1A090];
	vm5 =	vgt.s32 v8, $0x0;
	v45 =	vnsel vm4, $0x0, v7;
	[tilespmem:$0x1A250] =	vst v3;
	v3 =	vmin.u32 v43, $0x3200  }
0xa0: {  	v48 =	vld [tilespmem:$0x1A190];
	vm6 =	vgt.s32 v9, $0x0;
	v47 =	vnsel vm5, $0x0, v8;
	[tilespmem:$0x1A2D0] =	vst v3;
	v3 =	vmin.u32 v45, $0x4E1FF  }
0xa1: {  	v50 =	vld [tilespmem:$0x1A0A0];
	vm7 =	vgt.s32 v10, $0x0;
	v49 =	vnsel vm6, $0x0, v9;
	[tilespmem:$0x1A260] =	vst v3;
	v3 =	vmin.u32 v47, $0x3200  }
0xa2: {  	v52 =	vld [tilespmem:$0x1A1A0];
	vm8 =	vgt.s32 v42, $0x0;
	v51 =	vnsel vm7, $0x0, v10;
	[tilespmem:$0x1A2E0] =	vst v3;
	v3 =	vmin.u32 v49, $0x4E1FF  }
0xa3: {  	v54 =	vld [tilespmem:$0x1A0B0];
	vm9 =	vgt.s32 v44, $0x0;
	v53 =	vnsel vm8, $0x0, v42;
	[tilespmem:$0x1A270] =	vst v3;
	v3 =	vmin.u32 v51, $0x3200  }
0xa4: {  	v56 =	vld [tilespmem:$0x1A1B0];
	vm10 =	vgt.s32 v46, $0x0;
	v55 =	vnsel vm9, $0x0, v44;
	[tilespmem:$0x1A2F0] =	vst v3;
	v3 =	vmin.u32 v53, $0x4E1FF  }
0xa5: {  	vm11 =	vgt.s32 v48, $0x0;
	v57 =	vnsel vm10, $0x0, v46;
	[tilespmem:$0x1A280] =	vst v3;
	v3 =	vmin.u32 v55, $0x3200  }
0xa6: {  	vm12 =	vgt.s32 v50, $0x0;
	v58 =	vnsel vm11, $0x0, v48;
	[tilespmem:$0x1A300] =	vst v3;
	v3 =	vmin.u32 v57, $0x4E1FF  }
0xa7: {  	v59 =	vnsel vm12, $0x0, v50;
	vm13 =	vgt.s32 v52, $0x0;
	[tilespmem:$0x1A290] =	vst v3;
	v3 =	vmin.u32 v58, $0x3200  }
0xa8: {  	vm14 =	vgt.s32 v54, $0x0;
	v60 =	vnsel vm13, $0x0, v52;
	[tilespmem:$0x1A310] =	vst v3;
	v3 =	vmin.u32 v59, $0x4E1FF  }
0xa9: {  	s25 =	sadd.s32 s0, s31;
	vm15 =	vgt.s32 v56, $0x0;
	v61 =	vnsel vm14, $0x0, v54;
	[tilespmem:$0x1A2A0] =	vst v3;
	v3 =	vmin.u32 v60, $0x3200  }
0xaa: {  	s25 =	sshll.u32 s25, $0x4;
	v62 =	vnsel vm15, $0x0, v56;
	[tilespmem:$0x1A320] =	vst v3;
	v3 =	vmin.u32 v61, $0x4E1FF  }
0xab: {  	s25 =	sand.u32 $0x1FFFFFF0, s25;
	[tilespmem:$0x1A2B0] =	vst v3;
	v3 =	vmin.u32 v62, $0x3200  }
0xac: {  	s8 =	sadd.s32 s9, s25;
	[tilespmem:$0x1A330] =	vst v3  }
0xad: {  	[hbm4b:s8+s3] =	stream.linear.scatter [tilespmem:s20], [sflag:$0x2], $0x80, $0x38;
	[tilespmem:$0x1E3C0] =	vst v63  }
0xae: {  	_ =	swait.ge [sflag:s17], $0x80  }
0xaf: {  	[sflag:s17] =	ssyncset.done $0x0  }
0xb0: {  	s25 =	sadd.s32 s10, s25;
	[sflag:s17] =	ssyncadd.s32 $0xFFFFFF80  }
0xb1: {  	[hbm4b:s25+s3] =	stream.linear.scatter [tilespmem:s21], [sflag:$0x2], $0x80, $0x38;
	[tilespmem:$0x1E3C0] =	vst v63  }
0xb2: {  	_ =	swait.ge [sflag:s17], $0x80  }
0xb3: {  	[sflag:s17] =	ssyncset.done $0x0  }
0xb4: {  	[sflag:s17] =	ssyncadd.s32 $0xFFFFFF80  }
0xb5: {  	[tilespmem:s23], [sflag:$0x1] =	stream.indirect.gather [hbm4b:s5+s22], $0x80, s20, s22, $0xb8;
	[tilespmem:$0x1E3C0] =	vst v63  }
0xb6: {  	_ =	swait.ge [sflag:s24], $0x4000  }
0xb7: {  	[sflag:s24] =	ssyncset.done $0x0  }
0xb8: {  	[sflag:s24] =	ssyncadd.s32 $0xFFFFC000  }
0xb9: {  	[spmem:s2] =	stream.indirect.scatter.add.f32 [tilespmem:s23], [sflag:$0x2], $0x80, s21, s22, $0xb8;
	[tilespmem:$0x1E3C0] =	vst v63  }
0xba: {  	_ =	swait.ge [sflag:s17], $0x4000  }
0xbb: {  	[sflag:s17] =	ssyncset.done $0x0  }
0xbc: {  	[sflag:s17] =	ssyncadd.s32 $0xFFFFC000  }
0xbd: {  	[tilespmem:$0x1A050] =	vst v0  }
0xbe: {  	[tilespmem:$0x1A150] =	vst v1  }
0xbf: {  	[tilespmem:$0x1A060] =	vst v0  }
0xc0: {  	[tilespmem:$0x1A160] =	vst v1  }
0xc1: {  	[tilespmem:$0x1A070] =	vst v0  }
0xc2: {  	[tilespmem:$0x1A170] =	vst v1  }
0xc3: {  	[tilespmem:$0x1A080] =	vst v0  }
0xc4: {  	[tilespmem:$0x1A180] =	vst v1  }
0xc5: {  	[tilespmem:$0x1A090] =	vst v0  }
0xc6: {  	[tilespmem:$0x1A190] =	vst v1  }
0xc7: {  	[tilespmem:$0x1A0A0] =	vst v0  }
0xc8: {  	v3 =	vld [tilespmem:$0x1A0C0];
	[tilespmem:$0x1A1A0] =	vst v1  }
0xc9: {  	v63 =	vld [tilespmem:$0x1A1C0];
	[tilespmem:$0x1A0B0] =	vst v0  }
.Ltmp10:
0xca: {  	[tilespmem:$0x1A1B0] =	vst v1;
	(pc) =	sbr.rel .LBB2_7-.Ltmp10, $4  }
0xcb: {  	[tilespmem:$0x1A0C0] =	vst v0  }
0xcc: {  	[tilespmem:$0x1A1C0] =	vst v1  }
0xcd: {  	[tilespmem:$0x1A040] =	vst v3  }
0xce: {  	[tilespmem:$0x1A140] =	vst v63  }
.LBB2_12:
0xcf: {  	_ =	sfence.sel $0x180000  }
0xd0: {  	[bflag:$0x0] =	sbarrier.arrive $0xFFFF  }
0xd1: {  	_ =	strace $0x9000004A  }
0xd2: {  	s0 =	stileid.u32;
	[bflag:$0x2] =	sbarrier.arrive $0xFFFF  }
0xd3: {  	p0 =	sne.s32 s0, $0x0;
	s0 =	rddreg [dreg:$0x3]  }
0xd4: {  	s0 =	sadd.s32 @!p0 $0x100000, s0  }
0xd5: {  	[sflag:s0] =	ssyncadd.tile.s32 @!p0 $0x1;
	_ =	shalt  }
.Lfunc_end2:
_tile_overlayer_lowered:
.L_overlay_start_2:
0xd6: {  	(tag) =	ssettag $0x2  }
0xd7: {  	s0 =	rddreg [dreg:$0x0];
	s2 =	stileid.u32  }
0xd8: {  	s1 =	rddreg [dreg:$0x1];
	p0 =	sne.s32 s2, $0x0  }
0xd9: {  	s3 =	rddreg [dreg:$0x2];
	[bflag:$0x3] =	sbarrier.arrive $0xFFFF;
	s2 =	simm.s32 @!p0 $0x1C02  }
0xda: {  	[timem:s3], [sflag:s2] =	dma.local @!p0 [hbm:s0], s1  }
0xdb: {  	s0 =	simm.s32 @!p0 $0x2  }
0xdc: {  	_ =	swait.ge @!p0 [sflag:s0], s1  }
0xdd: {  	s1 =	ssub.s32 @!p0 $0x0, s1;
	[sflag:s0] =	ssyncset.done @!p0 $0x0  }
0xde: {  	[sflag:s0] =	ssyncadd.s32 @!p0 s1  }
0xdf: {  	[bflag:$0x3] =	sbarrier.arrive $0xFFFF  }
0xe0: {  	_ =	shalt  }

// kernel: kernel.17.cloned.1.call-start
scs
__scs_entry_jumppad:
0x0: {  	(pc) =	sbr.rel $0x88, $3  }
0x1: {  	(tag) =	ssettag $0x0;
	lr =	simm.s32 $0x1  }
0x2: {  	[smem:$0x3F7B] =	sst lr;
	_ =	strace $0xD0000000  }
0x3: {  	_ = 	snop  }
0x4: {  	_ = 	snop  }
0x5: {  	_ = 	snop  }
0x6: {  	_ = 	snop  }
0x7: {  	_ = 	snop  }
__scs_overlays_trampoline_lowered:
0x8: {  	[smem:$0x3F8A] =	sst s0  }
0x9: {  	[smem:$0x3F8B] =	sst s1  }
0xa: {  	[smem:$0x3F8C] =	sst s2  }
0xb: {  	[smem:$0x3F8D] =	sst s3  }
0xc: {  	[smem:$0x3F8E] =	sst s4  }
0xd: {  	[smem:$0x3F8F] =	sst s5  }
0xe: {  	[smem:$0x3F90] =	sst s6  }
0xf: {  	[smem:$0x3F91] =	sst s7  }
0x10: {  	[smem:$0x3F92] =	sst s8  }
0x11: {  	[smem:$0x3F93] =	sst s9;
	s0 =	simm.s32 @!p0 $0x0  }
0x12: {  	s1 =	sld [smem:$0x3F79];
	s0 =	simm.s32 @p0 $0x1  }
0x13: {  	[smem:$0x3F94] =	sst s0;
	s0 =	simm.s32 @!p1 $0x0  }
0x14: {  	s2 =	sld [smem:$0x3F78];
	s0 =	simm.s32 @p1 $0x1  }
0x15: {  	[smem:$0x3F95] =	sst s0;
	s0 =	simm.s32 @!p2 $0x0  }
0x16: {  	s3 =	sld [smem:$0x3FDB];
	s0 =	simm.s32 @p2 $0x1  }
0x17: {  	s4 =	simm.s32 $0x1BF5;
	[smem:$0x3F97] =	sst s0  }
0x18: {  	s0 =	sld [smem:$0x3F7A];
	_ =	swait.ge [sflag:s4], $0x0  }
0x19: {  	s7 =	sld [smem:$0x3F7B]  }
0x1a: {  	s8 =	sadd.s32 $0xFFFFE003, lr  }
0x1b: {  	s9 =	sadd.s32 $0xFFFFFEF7, lr;
	s5 =	simm.s32 $0xFFFFFFFF;
	p2 =	slt.u32 s8, $0xFFFFF086  }
0x1c: {  	p1 =	slt.u32 s9, $0xF7A;
	s5 =	simm.s32 @!p2 $0x0  }
0x1d: {  	s5 =	simm.s32 @p1 $0x1;
	p0 =	seq.s32 s7, s2  }
0x1e: {  	s7 =	smul.u32 @!p0 $0xF7A, s2;
	p2 =	seq.s32 @!p0 s5, $0x0  }
0x1f: {  	s9 =	smul.u32 $0xF7A, s1;
	s8 =	simm.s32 @!p0 $0x1BF5;
	p2 =	por !p2, p0  }
0x20: {  	[sflag:s8] =	ssyncset.s32 @!p0 $0xFFFFF086;
	s6 =	sadd.s32 @!p0 s3, s7;
	s7 =	simm.s32 @!p0 $0x108  }
0x21: {  	s3 =	sadd.s32 s3, s9;
	s6 =	sadd.s32 @!p0 $0x88, s6;
	s7 =	simm.s32 @p2 $0x1082  }
0x22: {  	[simem:s7], [sflag:s8] =	dma.local @!p0 [hbm:s6], $0xF7A  }
0x23: {  	s9 =	sor.u32 $0xD0000000, s2;
	s6 =	simm.s32 $0x108;
	_ =	swait.ge @!p0 [sflag:s8], $0x0  }
0x24: {  	s3 =	sadd.s32 $0x88, s3;
	s6 =	simm.s32 @!p1 $0x1082;
	[sflag:s4] =	ssyncset.s32 $0xFFFFF086  }
0x25: {  	[simem:s6], [sflag:s4] =	dma.local [hbm:s3], $0xF7A  }
0x26: {  	[smem:$0x3F7B] =	sst s1;
	(tag) =	ssettag s2;
	_ =	strace s9  }
0x27: {  	s1 =	sld [smem:$0x3F8B]  }
0x28: {  	s2 =	sld [smem:$0x3F8C]  }
0x29: {  	s4 =	sld [smem:$0x3F8E]  }
0x2a: {  	p0 =	seq.s32 s5, $0x0;
	s5 =	sld [smem:$0x3F8F]  }
0x2b: {  	s6 =	sld [smem:$0x3F90]  }
0x2c: {  	s7 =	sld [smem:$0x3F91]  }
0x2d: {  	s3 =	simm.s32 $0x108;
	s8 =	sld [smem:$0x3F92]  }
0x2e: {  	s3 =	simm.s32 @!p0 $0x1082;
	s9 =	sld [smem:$0x3F93]  }
0x2f: {  	lr =	sadd.s32 s0, s3;
	s0 =	sld [smem:$0x3F8A]  }
0x30: {  	s3 =	sld [smem:$0x3F8D]  }
0x31: {  	[smem:$0x3F96] =	sst s10  }
0x32: {  	s10 =	sld [smem:$0x3F94];
	_ =	sdelay $0x3  }
0x33: {  	p0 =	seq.s32 s10, $0x1;
	s10 =	sld [smem:$0x3F96];
	_ =	sdelay $0x3  }
0x34: {  	[smem:$0x3F96] =	sst s10  }
0x35: {  	s10 =	sld [smem:$0x3F95];
	_ =	sdelay $0x3  }
0x36: {  	p1 =	seq.s32 s10, $0x1;
	s10 =	sld [smem:$0x3F96];
	_ =	sdelay $0x3  }
0x37: {  	[smem:$0x3F96] =	sst s10  }
0x38: {  	s10 =	sld [smem:$0x3F97]  }
0x39: {  	_ = 	snop;
	(pc) =	sbr.ind lr, $3  }
0x3a: {  	_ = 	snop  }
0x3b: {  	_ = 	snop  }
0x3c: {  	p2 =	seq.s32 s10, $0x1;
	s10 =	sld [smem:$0x3F96]  }
0x3d: {  	_ =	shalt  }
0x3e: {  	_ =	shalt  }
0x3f: {  	_ =	shalt  }
0x40: {  	_ =	shalt  }
0x41: {  	_ =	shalt  }
0x42: {  	_ =	shalt  }
0x43: {  	_ =	shalt  }
0x44: {  	_ =	shalt  }
0x45: {  	_ =	shalt  }
0x46: {  	_ =	shalt  }
0x47: {  	_ =	shalt  }
0x48: {  	_ =	shalt  }
0x49: {  	_ =	shalt  }
0x4a: {  	_ =	shalt  }
0x4b: {  	_ =	shalt  }
0x4c: {  	_ =	shalt  }
0x4d: {  	_ =	shalt  }
0x4e: {  	_ =	shalt  }
0x4f: {  	_ =	shalt  }
0x50: {  	_ =	shalt  }
0x51: {  	_ =	shalt  }
0x52: {  	_ =	shalt  }
0x53: {  	_ =	shalt  }
0x54: {  	_ =	shalt  }
0x55: {  	_ =	shalt  }
0x56: {  	_ =	shalt  }
0x57: {  	_ =	shalt  }
0x58: {  	_ =	shalt  }
0x59: {  	_ =	shalt  }
0x5a: {  	_ =	shalt  }
0x5b: {  	_ =	shalt  }
0x5c: {  	_ =	shalt  }
0x5d: {  	_ =	shalt  }
0x5e: {  	_ =	shalt  }
0x5f: {  	_ =	shalt  }
0x60: {  	_ =	shalt  }
0x61: {  	_ =	shalt  }
0x62: {  	_ =	shalt  }
0x63: {  	_ =	shalt  }
0x64: {  	_ =	shalt  }
0x65: {  	_ =	shalt  }
0x66: {  	_ =	shalt  }
0x67: {  	_ =	shalt  }
0x68: {  	_ =	shalt  }
0x69: {  	_ =	shalt  }
0x6a: {  	_ =	shalt  }
0x6b: {  	_ =	shalt  }
0x6c: {  	_ =	shalt  }
0x6d: {  	_ =	shalt  }
0x6e: {  	_ =	shalt  }
0x6f: {  	_ =	shalt  }
0x70: {  	_ =	shalt  }
0x71: {  	_ =	shalt  }
0x72: {  	_ =	shalt  }
0x73: {  	_ =	shalt  }
0x74: {  	_ =	shalt  }
0x75: {  	_ =	shalt  }
0x76: {  	_ =	shalt  }
0x77: {  	_ =	shalt  }
0x78: {  	_ =	shalt  }
0x79: {  	_ =	shalt  }
0x7a: {  	_ =	shalt  }
0x7b: {  	_ =	shalt  }
0x7c: {  	_ =	shalt  }
0x7d: {  	_ =	shalt  }
0x7e: {  	_ =	shalt  }
0x7f: {  	_ =	shalt  }
0x80: {  	_ =	shalt  }
0x81: {  	_ =	shalt  }
0x82: {  	_ =	shalt  }
0x83: {  	_ =	shalt  }
0x84: {  	_ =	shalt  }
0x85: {  	_ =	shalt  }
0x86: {  	_ =	shalt  }
0x87: {  	_ =	shalt  }
.Lfunc_end0:
.L_simem_size_0:
called_computation.2_lowered:
.L_overlay_start_0:
0x88: {  	s2 =	sld [smem:$0x3FD9]  }
0x89: {  	s3 =	sld [smem:$0x3FFE];
	_ =	sdelay $0x1  }
0x8a: {  	s1 =	srdreg.scid  }
0x8b: {  	s0 =	sand.u32 $0x1, s1  }
0x8c: {  	s17 =	sshll.u32 s0, $0xA;
	s2 =	sadd.s32 s3, s2  }
0x8d: {  	s2 =	sadd.s32 s2, s17  }
0x8e: {  	[smem:$0x3FA2] =	sst s2  }
0x8f: {  	_ = 	snop  }
0x90: {  	s2 =	sld [smem:$0x3FD0];
	(tm) =	ssettm $0x1  }
0x91: {  	s18 =	sld [smem:$0x3FFB];
	_ =	sdelay $0x3  }
0x92: {  	_ =	strace s18  }
0x93: {  	s3 =	sld [smem:$0x3FFC];
	_ =	sdelay $0x3  }
0x94: {  	_ =	strace s3  }
0x95: {  	s3 =	sld [smem:$0x3FFD];
	_ =	sdelay $0x3  }
0x96: {  	_ =	strace s3  }
0x97: {  	_ =	strace $0x8FFFFFFF  }
0x98: {  	s19 =	sld [smem:$0x3FDB];
	_ =	sdelay $0x1  }
0x99: {  	s4 =	simm.s32 $_scs_section_size  }
0x9a: {  	s5 =	simm.s32 $_size__tile_overlayer_lowered;
	s6 =	simm.s32 $_tile_overlayer_lowered  }
0x9b: {  	s22 =	simm.s32 $0x1BFF;
	s21 =	sshll.u32 s6, $0x1;
	s3 =	sadd.s32 s4, s19  }
0x9c: {  	s7 =	simm.s32 $0x0;
	s20 =	sshll.u32 s5, $0x1;
	s5 =	sadd.s32 s21, s3  }
0x9d: {  	[timem:s7], [sflag:s22] =	dma.local [hbm:s5], s20  }
0x9e: {  	_ =	swait.ge [sflag:s22], s20  }
0x9f: {  	s4 =	ssub.s32 $0x0, s20;
	[sflag:s22] =	ssyncset.done $0x0  }
0xa0: {  	[sflag:s22] =	ssyncadd.s32 s4;
	_ =	sdelay $0x1  }
0xa1: {  	s23 =	simm.s32 $0x1B8B  }
0xa2: {  	_ =	swait.ge [sflag:s23], $0x1  }
0xa3: {  	[sflag:s23] =	ssyncset.done $0x0  }
0xa4: {  	s25 =	simm.s32 $0x1B8E;
	s24 =	sld [smem:$0x3FFE];
	[sflag:s23] =	ssyncadd.s32 $0xFFFFFFFF  }
0xa5: {  	s26 =	simm.s32 $execute0_lowered;
	[smem:$0x3FD2] =	sst s25  }
0xa6: {  	s5 =	sshll.u32 s26, $0x1;
	_ =	strace $0x8000004C;
	[dreg:$0x1] =	wrdreg $0xFFFFFFFF  }
0xa7: {  	s28 =	simm.s32 $_size_execute0_lowered;
	s3 =	sadd.s32 s3, s5;
	[dreg:$0x0] =	wrdreg $0x0  }
0xa8: {  	s5 =	sshll.u32 s28, $0x1;
	[dreg:$0x2] =	wrdreg s3  }
0xa9: {  	[dreg:$0x3] =	wrdreg s5  }
0xaa: {  	[dreg:$0x4] =	wrdreg $0xC0  }
0xab: {  	_ =	task [dreg:s7], $0x5FFFF  }
0xac: {  	[dreg:$0x1] =	wrdreg $0xFFFFFFFF  }
0xad: {  	[dreg:$0x0] =	wrdreg $0x60  }
0xae: {  	[dreg:$0x2] =	wrdreg s24  }
0xaf: {  	[dreg:$0x3] =	wrdreg s2  }
0xb0: {  	[dreg:$0x4] =	wrdreg $0x0  }
0xb1: {  	[dreg:$0x5] =	wrdreg $0x9  }
0xb2: {  	_ =	task.clear_ibuf [dreg:s7], $0x6FFFF;
	_ =	strace $0x9000004C  }
0xb3: {  	s29 =	simm.s32 $0x9;
	_ =	strace $0x8000004E  }
0xb4: {  	_ =	swait.ge [sflag:s29], $0x1  }
0xb5: {  	[sflag:s29] =	ssyncadd.s32 $0xFFFFFFFF  }
0xb6: {  	_ =	strace $0x9000004E  }
0xb7: {  	_ =	sfence  }
0xb8: {  	s30 =	sld [smem:$0x0];
	_ =	sdelay $0x2  }
0xb9: {  	s31 =	sshll.u32 s1, $0xD;
	s1 =	sshrl.u32 s1, $0x2  }
0xba: {  	s3 =	sand.u32 $0x4000, s31;
	s1 =	sadd.s32 s1, s30  }
0xbb: {  	s0 =	sor.u32 s3, s0;
	s1 =	sshll.u32 s1, $0x11  }
0xbc: {  	s0 =	sor.u32 s1, s0  }
0xbd: {  	s0 =	sadd.s32 $0x8F2B, s0  }
0xbe: {  	[sflag:s0] =	ssyncadd.remote.s32 $0x1  }
0xbf: {  	_ =	sfence.sel $0xFFFF  }
0xc0: {  	[dreg:$0x0] =	wrdreg $0xFFFFFFFF;
	(pc) =	sbr.abs _section_cstart, $3  }
0xc1: {  	[dreg:$0x1] =	wrdreg $0xFFFFFFFF  }
0xc2: {  	_ =	task.clear_ibuf [dreg:s7], $0x2FFFF;
	_ =	strace $0x9FFFFFFF  }
0xc3: {  	(tm) =	ssettm $0x7FFFFFFF  }
tec
execute0_lowered:
.L_overlay_start_1:
0x0: {  	(tag) =	ssettag $0x1  }
0x1: {  	s9 =	rddreg [dreg:$0x0]  }
0x2: {  	s1 =	rddreg [dreg:$0x1]  }
0x3: {  	s2 =	rddreg [dreg:$0x2]  }
0x4: {  	s3 =	simm.s32 $0x0;
	s10 =	srdreg.scid;
	s4 =	stileid.u32  }
0x5: {  	s18 =	simm.s32 $0x1D140;
	s19 =	simm.s32 $0x19040;
	s20 =	simm.s32 $0x190C0  }
0x6: {  	s21 =	simm.s32 $0x80;
	s22 =	simm.s32 $0x19140;
	s23 =	simm.s32 $0x1  }
0x7: {  	s24 =	simm.s32 $0x0;
	[smem:$0x7FF] =	sst s3;
	s5 =	sadd.s32 $0xA26600, s9  }
0x8: {  	s6 =	sadd.s32 $0x51D200, s9;
	s7 =	sadd.s32 $0x14000, s9;
	s12 =	smul.u32 $0x64000, s4  }
0x9: {  	s8 =	sadd.s32 $0x1FEA00, s9;
	s11 =	sand.u32 $0x1, s10;
	s31 =	smul.u32 $0x13A0, s4  }
0xa: {  	s9 =	sadd.s32 $0xF08600, s9;
	s17 =	sshll.u32 s4, $0x6;
	s10 =	smul.u32 $0xD, s11  }
.Ltmp0:
0xb: {  	_ =	strace $0x8000004D;
	s13 =	ssub.s32 $0x2, s11;
	(pc) =	sbr.rel .LBB2_1-.Ltmp0, $4  }
0xc: {  	s15 =	smul.u32 $0xFF200, s11;
	s14 =	sshrl.u32 s13, $0x1;
	s12 =	sshrl.u32 s12, $0x2  }
0xd: {  	s11 =	smul.u32 $0x320, s4;
	s13 =	ssub.s32 s13, s14;
	s16 =	sadd.s32 s12, s2  }
0xe: {  	s14 =	sor.u32 $0x1C02, s17;
	s17 =	sshll.u32 s4, $0x1;
	s12 =	smax.u32 s13, $0x1  }
0xf: {  	s13 =	sadd.s32 s31, s15;
	s15 =	sshrl.u32 s16, $0x3;
	s16 =	simm.s32 $0x2  }
.LBB2_10:
0x10: {  	s24 =	sadd.s32 $0x1, s24  }
0x11: {  	p0 =	sne.s32 s24, s12  }
.Ltmp1:
0x12: {  	_ = 	snop;
	(pc) =	sbr.rel @!p0 .LBB2_11-.Ltmp1, $1  }
0x13: {  	_ =	sdelay $0x3  }
.LBB2_1:
.Ltmp2:
0x14: {  	(pc) =	sbr.rel .LBB2_2-.Ltmp2, $2  }
0x15: {  	_ =	sdelay $0x2  }
0x16: {  	s25 =	smov.u32 s13;
	s26 =	simm.s32 $0x0  }
.LBB2_7:
0x17: {  	s0 =	sadd.s32 s7, s31;
	[sflag:s16] =	ssyncadd.s32 @p0 $0xFFFFC000  }
0x18: {  	[tilespmem:s19], [sflag:$0x2] =	stream.linear.gather [hbm4b:s0+s3], $0x80, $0x38;
	[tilespmem:$0x1D1C0] =	vst v63  }
0x19: {  	_ =	swait.ge [sflag:s16], $0x80  }
0x1a: {  	[sflag:s16] =	ssyncset.done $0x0  }
0x1b: {  	s31 =	sadd.s32 s8, s31;
	[sflag:s16] =	ssyncadd.s32 $0xFFFFFF80  }
0x1c: {  	[tilespmem:s20], [sflag:$0x2] =	stream.linear.gather [hbm4b:s31+s3], $0x80, $0x38;
	[tilespmem:$0x1D1C0] =	vst v63  }
0x1d: {  	_ =	swait.ge [sflag:s16], $0x80  }
0x1e: {  	[sflag:s16] =	ssyncset.done $0x0  }
0x1f: {  	[sflag:s16] =	ssyncadd.s32 $0xFFFFFF80  }
0x20: {  	[tilespmem:s22], [sflag:$0x1] =	stream.indirect.gather [hbm4b:s5+s21], $0x80, s19, s21, $0xb8;
	[tilespmem:$0x1D1C0] =	vst v63  }
0x21: {  	_ =	swait.ge [sflag:s23], $0x4000  }
0x22: {  	[sflag:s23] =	ssyncset.done $0x0  }
0x23: {  	[sflag:s23] =	ssyncadd.s32 $0xFFFFC000  }
0x24: {  	[spmem:s2] =	stream.indirect.scatter.add.f32 [tilespmem:s22], [sflag:$0x2], $0x80, s20, s21, $0xb8;
	[tilespmem:$0x1D1C0] =	vst v63  }
0x25: {  	_ =	swait.ge [sflag:s16], $0x4000  }
0x26: {  	[sflag:s16] =	ssyncset.done $0x0  }
0x27: {  	[sflag:s16] =	ssyncadd.s32 $0xFFFFC000  }
.LBB2_8:
0x28: {  	[bflag:$0x0] =	sbarrier.arrive $0xFFFF;
	s0 =	sadd.s32 s9, s28  }
0x29: {  	[hbm:s0], [sflag:s14] =	dma.local [spmem:s15], $0x3200  }
0x2a: {  	_ =	swait.ge [sflag:s16], $0x3200  }
0x2b: {  	[sflag:s16] =	ssyncset.done $0x0  }
0x2c: {  	[sflag:s16] =	ssyncadd.s32 $0xFFFFCE00  }
0x2d: {  	[bflag:$0x0] =	sbarrier.arrive $0xFFFF  }
.LBB2_9:
0x2e: {  	s26 =	sadd.s32 $0x1, s26  }
0x2f: {  	p0 =	sne.s32 s26, $0xD  }
.Ltmp3:
0x30: {  	_ = 	snop;
	(pc) =	sbr.rel @!p0 .LBB2_10-.Ltmp3, $2  }
0x31: {  	_ =	sdelay $0x2  }
0x32: {  	s25 =	sadd.s32 $0x13A00, s25  }
.LBB2_2:
0x33: {  	s29 =	sadd.s32 s10, s26  }
0x34: {  	p0 =	sgt.u32 s29, $0x18  }
.Ltmp4:
0x35: {  	_ = 	snop;
	(pc) =	sbr.rel @p0 .LBB2_9-.Ltmp4, $1  }
0x36: {  	_ =	sdelay $0x3  }
0x37: {  	s28 =	smul.u32 $0x3200, s29;
	_ =	sdelay $0x1  }
0x38: {  	s28 =	sadd.s32 s11, s28  }
0x39: {  	s28 =	sshll.u32 s28, $0x4  }
0x3a: {  	s30 =	sadd.s32 s6, s28  }
0x3b: {  	[spmem:s15], [sflag:s14] =	dma.local [hbm:s30], $0x3200  }
0x3c: {  	s29 =	sshll.u32 s29, $0x5;
	_ =	swait.ge [sflag:s16], $0x3200  }
0x3d: {  	s29 =	sor.u32 s17, s29;
	[sflag:s16] =	ssyncset.done $0x0  }
0x3e: {  	s29 =	sadd.s32 s1, s29;
	[sflag:s16] =	ssyncadd.s32 $0xFFFFCE00  }
0x3f: {  	[tilespmem:s18], [sflag:$0x2] =	stream.linear.gather [hbm4b:s29+s3], $0x10, $0x38;
	[tilespmem:$0x1D1C0] =	vst v63  }
0x40: {  	_ =	swait.ge [sflag:s16], $0x10  }
0x41: {  	[sflag:s16] =	ssyncset.done $0x0  }
0x42: {  	[sflag:s16] =	ssyncadd.s32 $0xFFFFFFF0  }
0x43: {  	[bflag:$0x0] =	sbarrier.arrive $0xFFFF  }
0x44: {  	v0 =	vld [tilespmem:$0x1D140];
	_ =	sdelay $0x4  }
0x45: {  	v0 =	vxor.u32 $0x80000000, v0  }
0x46: {  	(xrf0) =	vmax.scan.msk.u32 $0xffff, v0;
	_ =	sdelay $0x5  }
0x47: {  	v0, _, _ =	vpop (xrf0)  }
0x48: {  	(v2sf) =	vpush v0, $0xF;
	_ =	sdelay $0xe  }
0x49: {  	s29 =	spop (v2sf)  }
0x4a: {  	s29 =	sxor.u32 $0x80000000, s29  }
0x4b: {  	p0 =	slt.s32 s29, $0x1  }
.Ltmp5:
0x4c: {  	_ = 	snop;
	(pc) =	sbr.rel @p0 .LBB2_8-.Ltmp5, $1  }
0x4d: {  	_ =	sdelay $0x3  }
0x4e: {  	p1 =	sne.s32 s29, $0x1  }
.Ltmp6:
0x4f: {  	_ = 	snop;
	(pc) =	sbr.rel @!p1 .LBB2_7-.Ltmp6, $2  }
0x50: {  	_ =	sdelay $0x2  }
0x51: {  	s29 =	sadd.s32 $0xFFFFFFFF, s29;
	s31 =	sand.u32 $0x1FFFFFF0, s25;
	p0 =	por $0x0, $0x0  }
0x52: {  	s30 =	sadd.s32 s7, s31  }
0x53: {  	[tilespmem:s19], [sflag:$0x2] =	stream.linear.gather [hbm4b:s30+s3], $0x80, $0x38;
	[tilespmem:$0x1D1C0] =	vst v63  }
0x54: {  	_ =	swait.ge [sflag:s16], $0x80  }
0x55: {  	[sflag:s16] =	ssyncset.done $0x0  }
0x56: {  	s30 =	sadd.s32 s8, s31;
	[sflag:s16] =	ssyncadd.s32 $0xFFFFFF80  }
0x57: {  	[tilespmem:s20], [sflag:$0x2] =	stream.linear.gather [hbm4b:s30+s3], $0x80, $0x38;
	[tilespmem:$0x1D1C0] =	vst v63  }
0x58: {  	_ =	swait.ge [sflag:s16], $0x80  }
0x59: {  	[sflag:s16] =	ssyncset.done $0x0  }
0x5a: {  	[sflag:s16] =	ssyncadd.s32 $0xFFFFFF80  }
0x5b: {  	[tilespmem:s22], [sflag:$0x1] =	stream.indirect.gather [hbm4b:s5+s21], $0x80, s19, s21, $0xb8;
	[tilespmem:$0x1D1C0] =	vst v63  }
0x5c: {  	p1 =	sne.s32 s29, $0x1;
	_ =	swait.ge [sflag:s23], $0x4000  }
.Ltmp7:
0x5d: {  	[sflag:s23] =	ssyncset.done $0x0;
	(pc) =	sbr.rel @!p1 .LBB2_7-.Ltmp7, $4  }
0x5e: {  	[sflag:s23] =	ssyncadd.s32 $0xFFFFC000  }
0x5f: {  	[spmem:s2] =	stream.indirect.scatter.add.f32 [tilespmem:s22], [sflag:$0x2], $0x80, s20, s21, $0xb8;
	[tilespmem:$0x1D1C0] =	vst v63  }
0x60: {  	s29 =	sadd.s32 $0xFFFFFFFF, s29;
	s30 =	sadd.s32 $0x10, s25;
	_ =	swait.ge [sflag:s16], $0x4000  }
0x61: {  	p0 =	por $0x1, $0x1;
	s31 =	sand.u32 $0x1FFFFFF0, s30;
	[sflag:s16] =	ssyncset.done $0x0  }
.LBB2_6:
0x62: {  	p1 =	sne.s32 s29, $0x1;
	s0 =	sadd.s32 s7, s31;
	[sflag:s16] =	ssyncadd.s32 $0xFFFFC000  }
0x63: {  	[tilespmem:s19], [sflag:$0x2] =	stream.linear.gather [hbm4b:s0+s3], $0x80, $0x38;
	[tilespmem:$0x1D1C0] =	vst v63  }
0x64: {  	s29 =	sadd.s32 $0xFFFFFFFF, s29;
	_ =	swait.ge [sflag:s16], $0x80  }
0x65: {  	[sflag:s16] =	ssyncset.done $0x0  }
0x66: {  	s0 =	sadd.s32 s8, s31;
	[sflag:s16] =	ssyncadd.s32 $0xFFFFFF80  }
0x67: {  	[tilespmem:s20], [sflag:$0x2] =	stream.linear.gather [hbm4b:s0+s3], $0x80, $0x38;
	[tilespmem:$0x1D1C0] =	vst v63  }
0x68: {  	_ =	swait.ge [sflag:s16], $0x80  }
0x69: {  	[sflag:s16] =	ssyncset.done $0x0  }
0x6a: {  	[sflag:s16] =	ssyncadd.s32 $0xFFFFFF80  }
0x6b: {  	[tilespmem:s22], [sflag:$0x1] =	stream.indirect.gather [hbm4b:s5+s21], $0x80, s19, s21, $0xb8;
	[tilespmem:$0x1D1C0] =	vst v63  }
0x6c: {  	_ =	swait.ge [sflag:s23], $0x4000  }
.Ltmp8:
0x6d: {  	[sflag:s23] =	ssyncset.done $0x0;
	(pc) =	sbr.rel @p1 .LBB2_6-.Ltmp8, $4  }
0x6e: {  	[sflag:s23] =	ssyncadd.s32 $0xFFFFC000  }
0x6f: {  	[spmem:s2] =	stream.indirect.scatter.add.f32 [tilespmem:s22], [sflag:$0x2], $0x80, s20, s21, $0xb8;
	[tilespmem:$0x1D1C0] =	vst v63  }
0x70: {  	s30 =	sadd.s32 $0x10, s30;
	_ =	swait.ge [sflag:s16], $0x4000  }
0x71: {  	s31 =	sand.u32 $0x1FFFFFF0, s30;
	[sflag:s16] =	ssyncset.done $0x0  }
.Ltmp9:
0x72: {  	_ = 	snop;
	(pc) =	sbr.rel .LBB2_7-.Ltmp9, $1  }
0x73: {  	_ =	sdelay $0x3  }
.LBB2_11:
0x74: {  	_ =	sfence.sel $0x180000  }
0x75: {  	[bflag:$0x0] =	sbarrier.arrive $0xFFFF  }
0x76: {  	_ =	strace $0x9000004D  }
0x77: {  	[bflag:$0x2] =	sbarrier.arrive $0xFFFF  }
0x78: {  	p0 =	sne.s32 s4, $0x0;
	s0 =	rddreg [dreg:$0x3]  }
0x79: {  	s0 =	sadd.s32 @!p0 $0x100000, s0  }
0x7a: {  	[sflag:s0] =	ssyncadd.tile.s32 @!p0 $0x1;
	_ =	shalt  }
.Lfunc_end2:
_tile_overlayer_lowered:
.L_overlay_start_2:
0x7b: {  	(tag) =	ssettag $0x2  }
0x7c: {  	s0 =	rddreg [dreg:$0x0];
	s2 =	stileid.u32  }
0x7d: {  	s1 =	rddreg [dreg:$0x1];
	p0 =	sne.s32 s2, $0x0  }
0x7e: {  	s3 =	rddreg [dreg:$0x2];
	[bflag:$0x3] =	sbarrier.arrive $0xFFFF;
	s2 =	simm.s32 @!p0 $0x1C02  }
0x7f: {  	[timem:s3], [sflag:s2] =	dma.local @!p0 [hbm:s0], s1  }
0x80: {  	s0 =	simm.s32 @!p0 $0x2  }
0x81: {  	_ =	swait.ge @!p0 [sflag:s0], s1  }
0x82: {  	s1 =	ssub.s32 @!p0 $0x0, s1;
	[sflag:s0] =	ssyncset.done @!p0 $0x0  }
0x83: {  	[sflag:s0] =	ssyncadd.s32 @!p0 s1  }
0x84: {  	[bflag:$0x3] =	sbarrier.arrive $0xFFFF  }
0x85: {  	_ =	shalt  }

// kernel: kernel.20.cloned.1.call-start
scs
__scs_entry_jumppad:
0x0: {  	(pc) =	sbr.rel $0x88, $3  }
0x1: {  	(tag) =	ssettag $0x0;
	lr =	simm.s32 $0x1  }
0x2: {  	[smem:$0x3F7B] =	sst lr;
	_ =	strace $0xD0000000  }
0x3: {  	_ = 	snop  }
0x4: {  	_ = 	snop  }
0x5: {  	_ = 	snop  }
0x6: {  	_ = 	snop  }
0x7: {  	_ = 	snop  }
__scs_overlays_trampoline_lowered:
0x8: {  	[smem:$0x3F8A] =	sst s0  }
0x9: {  	[smem:$0x3F8B] =	sst s1  }
0xa: {  	[smem:$0x3F8C] =	sst s2  }
0xb: {  	[smem:$0x3F8D] =	sst s3  }
0xc: {  	[smem:$0x3F8E] =	sst s4  }
0xd: {  	[smem:$0x3F8F] =	sst s5  }
0xe: {  	[smem:$0x3F90] =	sst s6  }
0xf: {  	[smem:$0x3F91] =	sst s7  }
0x10: {  	[smem:$0x3F92] =	sst s8  }
0x11: {  	[smem:$0x3F93] =	sst s9;
	s0 =	simm.s32 @!p0 $0x0  }
0x12: {  	s1 =	sld [smem:$0x3F79];
	s0 =	simm.s32 @p0 $0x1  }
0x13: {  	[smem:$0x3F94] =	sst s0;
	s0 =	simm.s32 @!p1 $0x0  }
0x14: {  	s2 =	sld [smem:$0x3F78];
	s0 =	simm.s32 @p1 $0x1  }
0x15: {  	[smem:$0x3F95] =	sst s0;
	s0 =	simm.s32 @!p2 $0x0  }
0x16: {  	s3 =	sld [smem:$0x3FDB];
	s0 =	simm.s32 @p2 $0x1  }
0x17: {  	s4 =	simm.s32 $0x1BF5;
	[smem:$0x3F97] =	sst s0  }
0x18: {  	s0 =	sld [smem:$0x3F7A];
	_ =	swait.ge [sflag:s4], $0x0  }
0x19: {  	s7 =	sld [smem:$0x3F7B]  }
0x1a: {  	s8 =	sadd.s32 $0xFFFFE003, lr  }
0x1b: {  	s9 =	sadd.s32 $0xFFFFFEF7, lr;
	s5 =	simm.s32 $0xFFFFFFFF;
	p2 =	slt.u32 s8, $0xFFFFF086  }
0x1c: {  	p1 =	slt.u32 s9, $0xF7A;
	s5 =	simm.s32 @!p2 $0x0  }
0x1d: {  	s5 =	simm.s32 @p1 $0x1;
	p0 =	seq.s32 s7, s2  }
0x1e: {  	s7 =	smul.u32 @!p0 $0xF7A, s2;
	p2 =	seq.s32 @!p0 s5, $0x0  }
0x1f: {  	s9 =	smul.u32 $0xF7A, s1;
	s8 =	simm.s32 @!p0 $0x1BF5;
	p2 =	por !p2, p0  }
0x20: {  	[sflag:s8] =	ssyncset.s32 @!p0 $0xFFFFF086;
	s6 =	sadd.s32 @!p0 s3, s7;
	s7 =	simm.s32 @!p0 $0x108  }
0x21: {  	s3 =	sadd.s32 s3, s9;
	s6 =	sadd.s32 @!p0 $0x88, s6;
	s7 =	simm.s32 @p2 $0x1082  }
0x22: {  	[simem:s7], [sflag:s8] =	dma.local @!p0 [hbm:s6], $0xF7A  }
0x23: {  	s9 =	sor.u32 $0xD0000000, s2;
	s6 =	simm.s32 $0x108;
	_ =	swait.ge @!p0 [sflag:s8], $0x0  }
0x24: {  	s3 =	sadd.s32 $0x88, s3;
	s6 =	simm.s32 @!p1 $0x1082;
	[sflag:s4] =	ssyncset.s32 $0xFFFFF086  }
0x25: {  	[simem:s6], [sflag:s4] =	dma.local [hbm:s3], $0xF7A  }
0x26: {  	[smem:$0x3F7B] =	sst s1;
	(tag) =	ssettag s2;
	_ =	strace s9  }
0x27: {  	s1 =	sld [smem:$0x3F8B]  }
0x28: {  	s2 =	sld [smem:$0x3F8C]  }
0x29: {  	s4 =	sld [smem:$0x3F8E]  }
0x2a: {  	p0 =	seq.s32 s5, $0x0;
	s5 =	sld [smem:$0x3F8F]  }
0x2b: {  	s6 =	sld [smem:$0x3F90]  }
0x2c: {  	s7 =	sld [smem:$0x3F91]  }
0x2d: {  	s3 =	simm.s32 $0x108;
	s8 =	sld [smem:$0x3F92]  }
0x2e: {  	s3 =	simm.s32 @!p0 $0x1082;
	s9 =	sld [smem:$0x3F93]  }
0x2f: {  	lr =	sadd.s32 s0, s3;
	s0 =	sld [smem:$0x3F8A]  }
0x30: {  	s3 =	sld [smem:$0x3F8D]  }
0x31: {  	[smem:$0x3F96] =	sst s10  }
0x32: {  	s10 =	sld [smem:$0x3F94];
	_ =	sdelay $0x3  }
0x33: {  	p0 =	seq.s32 s10, $0x1;
	s10 =	sld [smem:$0x3F96];
	_ =	sdelay $0x3  }
0x34: {  	[smem:$0x3F96] =	sst s10  }
0x35: {  	s10 =	sld [smem:$0x3F95];
	_ =	sdelay $0x3  }
0x36: {  	p1 =	seq.s32 s10, $0x1;
	s10 =	sld [smem:$0x3F96];
	_ =	sdelay $0x3  }
0x37: {  	[smem:$0x3F96] =	sst s10  }
0x38: {  	s10 =	sld [smem:$0x3F97]  }
0x39: {  	_ = 	snop;
	(pc) =	sbr.ind lr, $3  }
0x3a: {  	_ = 	snop  }
0x3b: {  	_ = 	snop  }
0x3c: {  	p2 =	seq.s32 s10, $0x1;
	s10 =	sld [smem:$0x3F96]  }
0x3d: {  	_ =	shalt  }
0x3e: {  	_ =	shalt  }
0x3f: {  	_ =	shalt  }
0x40: {  	_ =	shalt  }
0x41: {  	_ =	shalt  }
0x42: {  	_ =	shalt  }
0x43: {  	_ =	shalt  }
0x44: {  	_ =	shalt  }
0x45: {  	_ =	shalt  }
0x46: {  	_ =	shalt  }
0x47: {  	_ =	shalt  }
0x48: {  	_ =	shalt  }
0x49: {  	_ =	shalt  }
0x4a: {  	_ =	shalt  }
0x4b: {  	_ =	shalt  }
0x4c: {  	_ =	shalt  }
0x4d: {  	_ =	shalt  }
0x4e: {  	_ =	shalt  }
0x4f: {  	_ =	shalt  }
0x50: {  	_ =	shalt  }
0x51: {  	_ =	shalt  }
0x52: {  	_ =	shalt  }
0x53: {  	_ =	shalt  }
0x54: {  	_ =	shalt  }
0x55: {  	_ =	shalt  }
0x56: {  	_ =	shalt  }
0x57: {  	_ =	shalt  }
0x58: {  	_ =	shalt  }
0x59: {  	_ =	shalt  }
0x5a: {  	_ =	shalt  }
0x5b: {  	_ =	shalt  }
0x5c: {  	_ =	shalt  }
0x5d: {  	_ =	shalt  }
0x5e: {  	_ =	shalt  }
0x5f: {  	_ =	shalt  }
0x60: {  	_ =	shalt  }
0x61: {  	_ =	shalt  }
0x62: {  	_ =	shalt  }
0x63: {  	_ =	shalt  }
0x64: {  	_ =	shalt  }
0x65: {  	_ =	shalt  }
0x66: {  	_ =	shalt  }
0x67: {  	_ =	shalt  }
0x68: {  	_ =	shalt  }
0x69: {  	_ =	shalt  }
0x6a: {  	_ =	shalt  }
0x6b: {  	_ =	shalt  }
0x6c: {  	_ =	shalt  }
0x6d: {  	_ =	shalt  }
0x6e: {  	_ =	shalt  }
0x6f: {  	_ =	shalt  }
0x70: {  	_ =	shalt  }
0x71: {  	_ =	shalt  }
0x72: {  	_ =	shalt  }
0x73: {  	_ =	shalt  }
0x74: {  	_ =	shalt  }
0x75: {  	_ =	shalt  }
0x76: {  	_ =	shalt  }
0x77: {  	_ =	shalt  }
0x78: {  	_ =	shalt  }
0x79: {  	_ =	shalt  }
0x7a: {  	_ =	shalt  }
0x7b: {  	_ =	shalt  }
0x7c: {  	_ =	shalt  }
0x7d: {  	_ =	shalt  }
0x7e: {  	_ =	shalt  }
0x7f: {  	_ =	shalt  }
0x80: {  	_ =	shalt  }
0x81: {  	_ =	shalt  }
0x82: {  	_ =	shalt  }
0x83: {  	_ =	shalt  }
0x84: {  	_ =	shalt  }
0x85: {  	_ =	shalt  }
0x86: {  	_ =	shalt  }
0x87: {  	_ =	shalt  }
.Lfunc_end0:
.L_simem_size_0:
called_computation.3_lowered:
.L_overlay_start_0:
0x88: {  	s2 =	sld [smem:$0x3FD9]  }
0x89: {  	s3 =	sld [smem:$0x3FFE];
	_ =	sdelay $0x1  }
0x8a: {  	s1 =	srdreg.scid  }
0x8b: {  	s0 =	sand.u32 $0x1, s1  }
0x8c: {  	s17 =	sshll.u32 s0, $0xA;
	s2 =	sadd.s32 s3, s2  }
0x8d: {  	s2 =	sadd.s32 s2, s17  }
0x8e: {  	[smem:$0x3FA2] =	sst s2  }
0x8f: {  	_ = 	snop  }
0x90: {  	s2 =	sld [smem:$0x3FD0];
	(tm) =	ssettm $0x1  }
0x91: {  	s18 =	sld [smem:$0x3FFB];
	_ =	sdelay $0x3  }
0x92: {  	_ =	strace s18  }
0x93: {  	s3 =	sld [smem:$0x3FFC];
	_ =	sdelay $0x3  }
0x94: {  	_ =	strace s3  }
0x95: {  	s3 =	sld [smem:$0x3FFD];
	_ =	sdelay $0x3  }
0x96: {  	_ =	strace s3  }
0x97: {  	_ =	strace $0x8FFFFFFF  }
0x98: {  	s19 =	sld [smem:$0x3FDB];
	_ =	sdelay $0x1  }
0x99: {  	s4 =	simm.s32 $_scs_section_size  }
0x9a: {  	s5 =	simm.s32 $_size__tile_overlayer_lowered;
	s6 =	simm.s32 $_tile_overlayer_lowered  }
0x9b: {  	s22 =	simm.s32 $0x1BFF;
	s21 =	sshll.u32 s6, $0x1;
	s3 =	sadd.s32 s4, s19  }
0x9c: {  	s7 =	simm.s32 $0x0;
	s20 =	sshll.u32 s5, $0x1;
	s5 =	sadd.s32 s21, s3  }
0x9d: {  	[timem:s7], [sflag:s22] =	dma.local [hbm:s5], s20  }
0x9e: {  	_ =	swait.ge [sflag:s22], s20  }
0x9f: {  	s4 =	ssub.s32 $0x0, s20;
	[sflag:s22] =	ssyncset.done $0x0  }
0xa0: {  	[sflag:s22] =	ssyncadd.s32 s4;
	_ =	sdelay $0x1  }
0xa1: {  	s23 =	simm.s32 $0x1B8B  }
0xa2: {  	_ =	swait.ge [sflag:s23], $0x1  }
0xa3: {  	[sflag:s23] =	ssyncset.done $0x0  }
0xa4: {  	s25 =	simm.s32 $0x1B8E;
	s24 =	sld [smem:$0x3FFE];
	[sflag:s23] =	ssyncadd.s32 $0xFFFFFFFF  }
0xa5: {  	s26 =	simm.s32 $execute0_lowered;
	[smem:$0x3FD2] =	sst s25  }
0xa6: {  	s5 =	sshll.u32 s26, $0x1;
	_ =	strace $0x8000004F;
	[dreg:$0x1] =	wrdreg $0xFFFFFFFF  }
0xa7: {  	s28 =	simm.s32 $_size_execute0_lowered;
	s3 =	sadd.s32 s3, s5;
	[dreg:$0x0] =	wrdreg $0x0  }
0xa8: {  	s5 =	sshll.u32 s28, $0x1;
	[dreg:$0x2] =	wrdreg s3  }
0xa9: {  	[dreg:$0x3] =	wrdreg s5  }
0xaa: {  	[dreg:$0x4] =	wrdreg $0xC0  }
0xab: {  	_ =	task [dreg:s7], $0x5FFFF  }
0xac: {  	[dreg:$0x1] =	wrdreg $0xFFFFFFFF  }
0xad: {  	[dreg:$0x0] =	wrdreg $0x60  }
0xae: {  	[dreg:$0x2] =	wrdreg s24  }
0xaf: {  	[dreg:$0x3] =	wrdreg s2  }
0xb0: {  	[dreg:$0x4] =	wrdreg $0x0  }
0xb1: {  	[dreg:$0x5] =	wrdreg $0x9  }
0xb2: {  	_ =	task.clear_ibuf [dreg:s7], $0x6FFFF;
	_ =	strace $0x9000004F  }
0xb3: {  	s29 =	simm.s32 $0x9;
	_ =	strace $0x80000051  }
0xb4: {  	_ =	swait.ge [sflag:s29], $0x1  }
0xb5: {  	[sflag:s29] =	ssyncadd.s32 $0xFFFFFFFF  }
0xb6: {  	_ =	strace $0x90000051  }
0xb7: {  	_ =	sfence  }
0xb8: {  	s30 =	sld [smem:$0x0];
	_ =	sdelay $0x2  }
0xb9: {  	s31 =	sshll.u32 s1, $0xD;
	s1 =	sshrl.u32 s1, $0x2  }
0xba: {  	s3 =	sand.u32 $0x4000, s31;
	s1 =	sadd.s32 s1, s30  }
0xbb: {  	s0 =	sor.u32 s3, s0;
	s1 =	sshll.u32 s1, $0x11  }
0xbc: {  	s0 =	sor.u32 s1, s0  }
0xbd: {  	s0 =	sadd.s32 $0x8F2B, s0  }
0xbe: {  	[sflag:s0] =	ssyncadd.remote.s32 $0x1  }
0xbf: {  	_ =	sfence.sel $0xFFFF  }
0xc0: {  	[dreg:$0x0] =	wrdreg $0xFFFFFFFF;
	(pc) =	sbr.abs _section_cstart, $3  }
0xc1: {  	[dreg:$0x1] =	wrdreg $0xFFFFFFFF  }
0xc2: {  	_ =	task.clear_ibuf [dreg:s7], $0x2FFFF;
	_ =	strace $0x9FFFFFFF  }
0xc3: {  	(tm) =	ssettm $0x7FFFFFFF  }
tec
execute0_lowered:
.L_overlay_start_1:
0x0: {  	(tag) =	ssettag $0x1  }
0x1: {  	s9 =	rddreg [dreg:$0x0]  }
0x2: {  	s1 =	rddreg [dreg:$0x1]  }
0x3: {  	s2 =	rddreg [dreg:$0x2]  }
0x4: {  	s3 =	simm.s32 $0x0;
	s10 =	srdreg.scid;
	s4 =	stileid.u32  }
0x5: {  	s18 =	simm.s32 $0x1D140;
	s19 =	simm.s32 $0x19040;
	s20 =	simm.s32 $0x190C0  }
0x6: {  	s21 =	simm.s32 $0x80;
	s22 =	simm.s32 $0x19140;
	s23 =	simm.s32 $0x1  }
0x7: {  	s24 =	simm.s32 $0x0;
	[smem:$0x7FF] =	sst s3;
	s5 =	sadd.s32 $0xF08600, s9  }
0x8: {  	s6 =	sadd.s32 $0x51D200, s9;
	s7 =	sadd.s32 $0x14000, s9;
	s12 =	smul.u32 $0x64000, s4  }
0x9: {  	s8 =	sadd.s32 $0x1FEA00, s9;
	s11 =	sand.u32 $0x1, s10;
	s31 =	smul.u32 $0x13A0, s4  }
0xa: {  	s9 =	sadd.s32 $0x13EA600, s9;
	s17 =	sshll.u32 s4, $0x6;
	s10 =	smul.u32 $0xD, s11  }
.Ltmp0:
0xb: {  	_ =	strace $0x80000050;
	s13 =	ssub.s32 $0x2, s11;
	(pc) =	sbr.rel .LBB2_1-.Ltmp0, $4  }
0xc: {  	s15 =	smul.u32 $0xFF200, s11;
	s14 =	sshrl.u32 s13, $0x1;
	s12 =	sshrl.u32 s12, $0x2  }
0xd: {  	s11 =	smul.u32 $0x320, s4;
	s13 =	ssub.s32 s13, s14;
	s16 =	sadd.s32 s12, s2  }
0xe: {  	s14 =	sor.u32 $0x1C02, s17;
	s17 =	sshll.u32 s4, $0x1;
	s12 =	smax.u32 s13, $0x1  }
0xf: {  	s13 =	sadd.s32 s31, s15;
	s15 =	sshrl.u32 s16, $0x3;
	s16 =	simm.s32 $0x2  }
.LBB2_10:
0x10: {  	s24 =	sadd.s32 $0x1, s24  }
0x11: {  	p0 =	sne.s32 s24, s12  }
.Ltmp1:
0x12: {  	_ = 	snop;
	(pc) =	sbr.rel @!p0 .LBB2_11-.Ltmp1, $1  }
0x13: {  	_ =	sdelay $0x3  }
.LBB2_1:
.Ltmp2:
0x14: {  	(pc) =	sbr.rel .LBB2_2-.Ltmp2, $2  }
0x15: {  	_ =	sdelay $0x2  }
0x16: {  	s25 =	smov.u32 s13;
	s26 =	simm.s32 $0x0  }
.LBB2_7:
0x17: {  	s0 =	sadd.s32 s7, s31;
	[sflag:s16] =	ssyncadd.s32 @p0 $0xFFFFC000  }
0x18: {  	[tilespmem:s19], [sflag:$0x2] =	stream.linear.gather [hbm4b:s0+s3], $0x80, $0x38;
	[tilespmem:$0x1D1C0] =	vst v63  }
0x19: {  	_ =	swait.ge [sflag:s16], $0x80  }
0x1a: {  	[sflag:s16] =	ssyncset.done $0x0  }
0x1b: {  	s31 =	sadd.s32 s8, s31;
	[sflag:s16] =	ssyncadd.s32 $0xFFFFFF80  }
0x1c: {  	[tilespmem:s20], [sflag:$0x2] =	stream.linear.gather [hbm4b:s31+s3], $0x80, $0x38;
	[tilespmem:$0x1D1C0] =	vst v63  }
0x1d: {  	_ =	swait.ge [sflag:s16], $0x80  }
0x1e: {  	[sflag:s16] =	ssyncset.done $0x0  }
0x1f: {  	[sflag:s16] =	ssyncadd.s32 $0xFFFFFF80  }
0x20: {  	[tilespmem:s22], [sflag:$0x1] =	stream.indirect.gather [hbm4b:s5+s21], $0x80, s19, s21, $0xb8;
	[tilespmem:$0x1D1C0] =	vst v63  }
0x21: {  	_ =	swait.ge [sflag:s23], $0x4000  }
0x22: {  	[sflag:s23] =	ssyncset.done $0x0  }
0x23: {  	[sflag:s23] =	ssyncadd.s32 $0xFFFFC000  }
0x24: {  	[spmem:s2] =	stream.indirect.scatter.add.f32 [tilespmem:s22], [sflag:$0x2], $0x80, s20, s21, $0xb8;
	[tilespmem:$0x1D1C0] =	vst v63  }
0x25: {  	_ =	swait.ge [sflag:s16], $0x4000  }
0x26: {  	[sflag:s16] =	ssyncset.done $0x0  }
0x27: {  	[sflag:s16] =	ssyncadd.s32 $0xFFFFC000  }
.LBB2_8:
0x28: {  	[bflag:$0x0] =	sbarrier.arrive $0xFFFF;
	s0 =	sadd.s32 s9, s28  }
0x29: {  	[hbm:s0], [sflag:s14] =	dma.local [spmem:s15], $0x3200  }
0x2a: {  	_ =	swait.ge [sflag:s16], $0x3200  }
0x2b: {  	[sflag:s16] =	ssyncset.done $0x0  }
0x2c: {  	[sflag:s16] =	ssyncadd.s32 $0xFFFFCE00  }
0x2d: {  	[bflag:$0x0] =	sbarrier.arrive $0xFFFF  }
.LBB2_9:
0x2e: {  	s26 =	sadd.s32 $0x1, s26  }
0x2f: {  	p0 =	sne.s32 s26, $0xD  }
.Ltmp3:
0x30: {  	_ = 	snop;
	(pc) =	sbr.rel @!p0 .LBB2_10-.Ltmp3, $2  }
0x31: {  	_ =	sdelay $0x2  }
0x32: {  	s25 =	sadd.s32 $0x13A00, s25  }
.LBB2_2:
0x33: {  	s29 =	sadd.s32 s10, s26  }
0x34: {  	p0 =	sgt.u32 s29, $0x18  }
.Ltmp4:
0x35: {  	_ = 	snop;
	(pc) =	sbr.rel @p0 .LBB2_9-.Ltmp4, $1  }
0x36: {  	_ =	sdelay $0x3  }
0x37: {  	s28 =	smul.u32 $0x3200, s29;
	_ =	sdelay $0x1  }
0x38: {  	s28 =	sadd.s32 s11, s28  }
0x39: {  	s28 =	sshll.u32 s28, $0x4  }
0x3a: {  	s30 =	sadd.s32 s6, s28  }
0x3b: {  	[spmem:s15], [sflag:s14] =	dma.local [hbm:s30], $0x3200  }
0x3c: {  	s29 =	sshll.u32 s29, $0x5;
	_ =	swait.ge [sflag:s16], $0x3200  }
0x3d: {  	s29 =	sor.u32 s17, s29;
	[sflag:s16] =	ssyncset.done $0x0  }
0x3e: {  	s29 =	sadd.s32 s1, s29;
	[sflag:s16] =	ssyncadd.s32 $0xFFFFCE00  }
0x3f: {  	[tilespmem:s18], [sflag:$0x2] =	stream.linear.gather [hbm4b:s29+s3], $0x10, $0x38;
	[tilespmem:$0x1D1C0] =	vst v63  }
0x40: {  	_ =	swait.ge [sflag:s16], $0x10  }
0x41: {  	[sflag:s16] =	ssyncset.done $0x0  }
0x42: {  	[sflag:s16] =	ssyncadd.s32 $0xFFFFFFF0  }
0x43: {  	[bflag:$0x0] =	sbarrier.arrive $0xFFFF  }
0x44: {  	v0 =	vld [tilespmem:$0x1D140];
	_ =	sdelay $0x4  }
0x45: {  	v0 =	vxor.u32 $0x80000000, v0  }
0x46: {  	(xrf0) =	vmax.scan.msk.u32 $0xffff, v0;
	_ =	sdelay $0x5  }
0x47: {  	v0, _, _ =	vpop (xrf0)  }
0x48: {  	(v2sf) =	vpush v0, $0xF;
	_ =	sdelay $0xe  }
0x49: {  	s29 =	spop (v2sf)  }
0x4a: {  	s29 =	sxor.u32 $0x80000000, s29  }
0x4b: {  	p0 =	slt.s32 s29, $0x1  }
.Ltmp5:
0x4c: {  	_ = 	snop;
	(pc) =	sbr.rel @p0 .LBB2_8-.Ltmp5, $1  }
0x4d: {  	_ =	sdelay $0x3  }
0x4e: {  	p1 =	sne.s32 s29, $0x1  }
.Ltmp6:
0x4f: {  	_ = 	snop;
	(pc) =	sbr.rel @!p1 .LBB2_7-.Ltmp6, $2  }
0x50: {  	_ =	sdelay $0x2  }
0x51: {  	s29 =	sadd.s32 $0xFFFFFFFF, s29;
	s31 =	sand.u32 $0x1FFFFFF0, s25;
	p0 =	por $0x0, $0x0  }
0x52: {  	s30 =	sadd.s32 s7, s31  }
0x53: {  	[tilespmem:s19], [sflag:$0x2] =	stream.linear.gather [hbm4b:s30+s3], $0x80, $0x38;
	[tilespmem:$0x1D1C0] =	vst v63  }
0x54: {  	_ =	swait.ge [sflag:s16], $0x80  }
0x55: {  	[sflag:s16] =	ssyncset.done $0x0  }
0x56: {  	s30 =	sadd.s32 s8, s31;
	[sflag:s16] =	ssyncadd.s32 $0xFFFFFF80  }
0x57: {  	[tilespmem:s20], [sflag:$0x2] =	stream.linear.gather [hbm4b:s30+s3], $0x80, $0x38;
	[tilespmem:$0x1D1C0] =	vst v63  }
0x58: {  	_ =	swait.ge [sflag:s16], $0x80  }
0x59: {  	[sflag:s16] =	ssyncset.done $0x0  }
0x5a: {  	[sflag:s16] =	ssyncadd.s32 $0xFFFFFF80  }
0x5b: {  	[tilespmem:s22], [sflag:$0x1] =	stream.indirect.gather [hbm4b:s5+s21], $0x80, s19, s21, $0xb8;
	[tilespmem:$0x1D1C0] =	vst v63  }
0x5c: {  	p1 =	sne.s32 s29, $0x1;
	_ =	swait.ge [sflag:s23], $0x4000  }
.Ltmp7:
0x5d: {  	[sflag:s23] =	ssyncset.done $0x0;
	(pc) =	sbr.rel @!p1 .LBB2_7-.Ltmp7, $4  }
0x5e: {  	[sflag:s23] =	ssyncadd.s32 $0xFFFFC000  }
0x5f: {  	[spmem:s2] =	stream.indirect.scatter.add.f32 [tilespmem:s22], [sflag:$0x2], $0x80, s20, s21, $0xb8;
	[tilespmem:$0x1D1C0] =	vst v63  }
0x60: {  	s29 =	sadd.s32 $0xFFFFFFFF, s29;
	s30 =	sadd.s32 $0x10, s25;
	_ =	swait.ge [sflag:s16], $0x4000  }
0x61: {  	p0 =	por $0x1, $0x1;
	s31 =	sand.u32 $0x1FFFFFF0, s30;
	[sflag:s16] =	ssyncset.done $0x0  }
.LBB2_6:
0x62: {  	p1 =	sne.s32 s29, $0x1;
	s0 =	sadd.s32 s7, s31;
	[sflag:s16] =	ssyncadd.s32 $0xFFFFC000  }
0x63: {  	[tilespmem:s19], [sflag:$0x2] =	stream.linear.gather [hbm4b:s0+s3], $0x80, $0x38;
	[tilespmem:$0x1D1C0] =	vst v63  }
0x64: {  	s29 =	sadd.s32 $0xFFFFFFFF, s29;
	_ =	swait.ge [sflag:s16], $0x80  }
0x65: {  	[sflag:s16] =	ssyncset.done $0x0  }
0x66: {  	s0 =	sadd.s32 s8, s31;
	[sflag:s16] =	ssyncadd.s32 $0xFFFFFF80  }
0x67: {  	[tilespmem:s20], [sflag:$0x2] =	stream.linear.gather [hbm4b:s0+s3], $0x80, $0x38;
	[tilespmem:$0x1D1C0] =	vst v63  }
0x68: {  	_ =	swait.ge [sflag:s16], $0x80  }
0x69: {  	[sflag:s16] =	ssyncset.done $0x0  }
0x6a: {  	[sflag:s16] =	ssyncadd.s32 $0xFFFFFF80  }
0x6b: {  	[tilespmem:s22], [sflag:$0x1] =	stream.indirect.gather [hbm4b:s5+s21], $0x80, s19, s21, $0xb8;
	[tilespmem:$0x1D1C0] =	vst v63  }
0x6c: {  	_ =	swait.ge [sflag:s23], $0x4000  }
.Ltmp8:
0x6d: {  	[sflag:s23] =	ssyncset.done $0x0;
	(pc) =	sbr.rel @p1 .LBB2_6-.Ltmp8, $4  }
0x6e: {  	[sflag:s23] =	ssyncadd.s32 $0xFFFFC000  }
0x6f: {  	[spmem:s2] =	stream.indirect.scatter.add.f32 [tilespmem:s22], [sflag:$0x2], $0x80, s20, s21, $0xb8;
	[tilespmem:$0x1D1C0] =	vst v63  }
0x70: {  	s30 =	sadd.s32 $0x10, s30;
	_ =	swait.ge [sflag:s16], $0x4000  }
0x71: {  	s31 =	sand.u32 $0x1FFFFFF0, s30;
	[sflag:s16] =	ssyncset.done $0x0  }
.Ltmp9:
0x72: {  	_ = 	snop;
	(pc) =	sbr.rel .LBB2_7-.Ltmp9, $1  }
0x73: {  	_ =	sdelay $0x3  }
.LBB2_11:
0x74: {  	_ =	sfence.sel $0x180000  }
0x75: {  	[bflag:$0x0] =	sbarrier.arrive $0xFFFF  }
0x76: {  	_ =	strace $0x90000050  }
0x77: {  	[bflag:$0x2] =	sbarrier.arrive $0xFFFF  }
0x78: {  	p0 =	sne.s32 s4, $0x0;
	s0 =	rddreg [dreg:$0x3]  }
0x79: {  	s0 =	sadd.s32 @!p0 $0x100000, s0  }
0x7a: {  	[sflag:s0] =	ssyncadd.tile.s32 @!p0 $0x1;
	_ =	shalt  }
.Lfunc_end2:
_tile_overlayer_lowered:
.L_overlay_start_2:
0x7b: {  	(tag) =	ssettag $0x2  }
0x7c: {  	s0 =	rddreg [dreg:$0x0];
	s2 =	stileid.u32  }
0x7d: {  	s1 =	rddreg [dreg:$0x1];
	p0 =	sne.s32 s2, $0x0  }
0x7e: {  	s3 =	rddreg [dreg:$0x2];
	[bflag:$0x3] =	sbarrier.arrive $0xFFFF;
	s2 =	simm.s32 @!p0 $0x1C02  }
0x7f: {  	[timem:s3], [sflag:s2] =	dma.local @!p0 [hbm:s0], s1  }
0x80: {  	s0 =	simm.s32 @!p0 $0x2  }
0x81: {  	_ =	swait.ge @!p0 [sflag:s0], s1  }
0x82: {  	s1 =	ssub.s32 @!p0 $0x0, s1;
	[sflag:s0] =	ssyncset.done @!p0 $0x0  }
0x83: {  	[sflag:s0] =	ssyncadd.s32 @!p0 s1  }
0x84: {  	[bflag:$0x3] =	sbarrier.arrive $0xFFFF  }
0x85: {  	_ =	shalt  }

// kernel: kernel.23.cloned.1.call-start
scs
__scs_entry_jumppad:
0x0: {  	(pc) =	sbr.rel $0x88, $3  }
0x1: {  	(tag) =	ssettag $0x0;
	lr =	simm.s32 $0x1  }
0x2: {  	[smem:$0x3F7B] =	sst lr;
	_ =	strace $0xD0000000  }
0x3: {  	_ = 	snop  }
0x4: {  	_ = 	snop  }
0x5: {  	_ = 	snop  }
0x6: {  	_ = 	snop  }
0x7: {  	_ = 	snop  }
__scs_overlays_trampoline_lowered:
0x8: {  	[smem:$0x3F8A] =	sst s0  }
0x9: {  	[smem:$0x3F8B] =	sst s1  }
0xa: {  	[smem:$0x3F8C] =	sst s2  }
0xb: {  	[smem:$0x3F8D] =	sst s3  }
0xc: {  	[smem:$0x3F8E] =	sst s4  }
0xd: {  	[smem:$0x3F8F] =	sst s5  }
0xe: {  	[smem:$0x3F90] =	sst s6  }
0xf: {  	[smem:$0x3F91] =	sst s7  }
0x10: {  	[smem:$0x3F92] =	sst s8  }
0x11: {  	[smem:$0x3F93] =	sst s9;
	s0 =	simm.s32 @!p0 $0x0  }
0x12: {  	s1 =	sld [smem:$0x3F79];
	s0 =	simm.s32 @p0 $0x1  }
0x13: {  	[smem:$0x3F94] =	sst s0;
	s0 =	simm.s32 @!p1 $0x0  }
0x14: {  	s2 =	sld [smem:$0x3F78];
	s0 =	simm.s32 @p1 $0x1  }
0x15: {  	[smem:$0x3F95] =	sst s0;
	s0 =	simm.s32 @!p2 $0x0  }
0x16: {  	s3 =	sld [smem:$0x3FDB];
	s0 =	simm.s32 @p2 $0x1  }
0x17: {  	s4 =	simm.s32 $0x1BF5;
	[smem:$0x3F97] =	sst s0  }
0x18: {  	s0 =	sld [smem:$0x3F7A];
	_ =	swait.ge [sflag:s4], $0x0  }
0x19: {  	s7 =	sld [smem:$0x3F7B]  }
0x1a: {  	s8 =	sadd.s32 $0xFFFFE003, lr  }
0x1b: {  	s9 =	sadd.s32 $0xFFFFFEF7, lr;
	s5 =	simm.s32 $0xFFFFFFFF;
	p2 =	slt.u32 s8, $0xFFFFF086  }
0x1c: {  	p1 =	slt.u32 s9, $0xF7A;
	s5 =	simm.s32 @!p2 $0x0  }
0x1d: {  	s5 =	simm.s32 @p1 $0x1;
	p0 =	seq.s32 s7, s2  }
0x1e: {  	s7 =	smul.u32 @!p0 $0xF7A, s2;
	p2 =	seq.s32 @!p0 s5, $0x0  }
0x1f: {  	s9 =	smul.u32 $0xF7A, s1;
	s8 =	simm.s32 @!p0 $0x1BF5;
	p2 =	por !p2, p0  }
0x20: {  	[sflag:s8] =	ssyncset.s32 @!p0 $0xFFFFF086;
	s6 =	sadd.s32 @!p0 s3, s7;
	s7 =	simm.s32 @!p0 $0x108  }
0x21: {  	s3 =	sadd.s32 s3, s9;
	s6 =	sadd.s32 @!p0 $0x88, s6;
	s7 =	simm.s32 @p2 $0x1082  }
0x22: {  	[simem:s7], [sflag:s8] =	dma.local @!p0 [hbm:s6], $0xF7A  }
0x23: {  	s9 =	sor.u32 $0xD0000000, s2;
	s6 =	simm.s32 $0x108;
	_ =	swait.ge @!p0 [sflag:s8], $0x0  }
0x24: {  	s3 =	sadd.s32 $0x88, s3;
	s6 =	simm.s32 @!p1 $0x1082;
	[sflag:s4] =	ssyncset.s32 $0xFFFFF086  }
0x25: {  	[simem:s6], [sflag:s4] =	dma.local [hbm:s3], $0xF7A  }
0x26: {  	[smem:$0x3F7B] =	sst s1;
	(tag) =	ssettag s2;
	_ =	strace s9  }
0x27: {  	s1 =	sld [smem:$0x3F8B]  }
0x28: {  	s2 =	sld [smem:$0x3F8C]  }
0x29: {  	s4 =	sld [smem:$0x3F8E]  }
0x2a: {  	p0 =	seq.s32 s5, $0x0;
	s5 =	sld [smem:$0x3F8F]  }
0x2b: {  	s6 =	sld [smem:$0x3F90]  }
0x2c: {  	s7 =	sld [smem:$0x3F91]  }
0x2d: {  	s3 =	simm.s32 $0x108;
	s8 =	sld [smem:$0x3F92]  }
0x2e: {  	s3 =	simm.s32 @!p0 $0x1082;
	s9 =	sld [smem:$0x3F93]  }
0x2f: {  	lr =	sadd.s32 s0, s3;
	s0 =	sld [smem:$0x3F8A]  }
0x30: {  	s3 =	sld [smem:$0x3F8D]  }
0x31: {  	[smem:$0x3F96] =	sst s10  }
0x32: {  	s10 =	sld [smem:$0x3F94];
	_ =	sdelay $0x3  }
0x33: {  	p0 =	seq.s32 s10, $0x1;
	s10 =	sld [smem:$0x3F96];
	_ =	sdelay $0x3  }
0x34: {  	[smem:$0x3F96] =	sst s10  }
0x35: {  	s10 =	sld [smem:$0x3F95];
	_ =	sdelay $0x3  }
0x36: {  	p1 =	seq.s32 s10, $0x1;
	s10 =	sld [smem:$0x3F96];
	_ =	sdelay $0x3  }
0x37: {  	[smem:$0x3F96] =	sst s10  }
0x38: {  	s10 =	sld [smem:$0x3F97]  }
0x39: {  	_ = 	snop;
	(pc) =	sbr.ind lr, $3  }
0x3a: {  	_ = 	snop  }
0x3b: {  	_ = 	snop  }
0x3c: {  	p2 =	seq.s32 s10, $0x1;
	s10 =	sld [smem:$0x3F96]  }
0x3d: {  	_ =	shalt  }
0x3e: {  	_ =	shalt  }
0x3f: {  	_ =	shalt  }
0x40: {  	_ =	shalt  }
0x41: {  	_ =	shalt  }
0x42: {  	_ =	shalt  }
0x43: {  	_ =	shalt  }
0x44: {  	_ =	shalt  }
0x45: {  	_ =	shalt  }
0x46: {  	_ =	shalt  }
0x47: {  	_ =	shalt  }
0x48: {  	_ =	shalt  }
0x49: {  	_ =	shalt  }
0x4a: {  	_ =	shalt  }
0x4b: {  	_ =	shalt  }
0x4c: {  	_ =	shalt  }
0x4d: {  	_ =	shalt  }
0x4e: {  	_ =	shalt  }
0x4f: {  	_ =	shalt  }
0x50: {  	_ =	shalt  }
0x51: {  	_ =	shalt  }
0x52: {  	_ =	shalt  }
0x53: {  	_ =	shalt  }
0x54: {  	_ =	shalt  }
0x55: {  	_ =	shalt  }
0x56: {  	_ =	shalt  }
0x57: {  	_ =	shalt  }
0x58: {  	_ =	shalt  }
0x59: {  	_ =	shalt  }
0x5a: {  	_ =	shalt  }
0x5b: {  	_ =	shalt  }
0x5c: {  	_ =	shalt  }
0x5d: {  	_ =	shalt  }
0x5e: {  	_ =	shalt  }
0x5f: {  	_ =	shalt  }
0x60: {  	_ =	shalt  }
0x61: {  	_ =	shalt  }
0x62: {  	_ =	shalt  }
0x63: {  	_ =	shalt  }
0x64: {  	_ =	shalt  }
0x65: {  	_ =	shalt  }
0x66: {  	_ =	shalt  }
0x67: {  	_ =	shalt  }
0x68: {  	_ =	shalt  }
0x69: {  	_ =	shalt  }
0x6a: {  	_ =	shalt  }
0x6b: {  	_ =	shalt  }
0x6c: {  	_ =	shalt  }
0x6d: {  	_ =	shalt  }
0x6e: {  	_ =	shalt  }
0x6f: {  	_ =	shalt  }
0x70: {  	_ =	shalt  }
0x71: {  	_ =	shalt  }
0x72: {  	_ =	shalt  }
0x73: {  	_ =	shalt  }
0x74: {  	_ =	shalt  }
0x75: {  	_ =	shalt  }
0x76: {  	_ =	shalt  }
0x77: {  	_ =	shalt  }
0x78: {  	_ =	shalt  }
0x79: {  	_ =	shalt  }
0x7a: {  	_ =	shalt  }
0x7b: {  	_ =	shalt  }
0x7c: {  	_ =	shalt  }
0x7d: {  	_ =	shalt  }
0x7e: {  	_ =	shalt  }
0x7f: {  	_ =	shalt  }
0x80: {  	_ =	shalt  }
0x81: {  	_ =	shalt  }
0x82: {  	_ =	shalt  }
0x83: {  	_ =	shalt  }
0x84: {  	_ =	shalt  }
0x85: {  	_ =	shalt  }
0x86: {  	_ =	shalt  }
0x87: {  	_ =	shalt  }
.Lfunc_end0:
.L_simem_size_0:
called_computation.4_lowered:
.L_overlay_start_0:
0x88: {  	s2 =	sld [smem:$0x3FD9]  }
0x89: {  	s3 =	sld [smem:$0x3FFE];
	_ =	sdelay $0x1  }
0x8a: {  	s1 =	srdreg.scid  }
0x8b: {  	s0 =	sand.u32 $0x1, s1  }
0x8c: {  	s17 =	sshll.u32 s0, $0xA;
	s2 =	sadd.s32 s3, s2  }
0x8d: {  	s2 =	sadd.s32 s2, s17  }
0x8e: {  	[smem:$0x3FA2] =	sst s2  }
0x8f: {  	_ = 	snop  }
0x90: {  	s2 =	sld [smem:$0x3FC9]  }
0x91: {  	s18 =	sld [smem:$0x3FD0];
	(tm) =	ssettm $0x1  }
0x92: {  	s4 =	sld [smem:$0x3FFB];
	_ =	sdelay $0x3  }
0x93: {  	_ =	strace s4  }
0x94: {  	s4 =	sld [smem:$0x3FFC];
	_ =	sdelay $0x3  }
0x95: {  	_ =	strace s4  }
0x96: {  	s4 =	sld [smem:$0x3FFD];
	_ =	sdelay $0x3  }
0x97: {  	_ =	strace s4  }
0x98: {  	_ =	strace $0x8FFFFFFF  }
0x99: {  	s19 =	sld [smem:$0x3FDB];
	_ =	sdelay $0x1  }
0x9a: {  	s5 =	simm.s32 $_scs_section_size  }
0x9b: {  	s6 =	simm.s32 $_size__tile_overlayer_lowered;
	s7 =	simm.s32 $_tile_overlayer_lowered  }
0x9c: {  	s22 =	simm.s32 $0x1BFF;
	s21 =	sshll.u32 s7, $0x1;
	s4 =	sadd.s32 s5, s19  }
0x9d: {  	s8 =	simm.s32 $0x0;
	s20 =	sshll.u32 s6, $0x1;
	s6 =	sadd.s32 s21, s4  }
0x9e: {  	[timem:s8], [sflag:s22] =	dma.local [hbm:s6], s20  }
0x9f: {  	_ =	swait.ge [sflag:s22], s20  }
0xa0: {  	s5 =	ssub.s32 $0x0, s20;
	[sflag:s22] =	ssyncset.done $0x0  }
0xa1: {  	[sflag:s22] =	ssyncadd.s32 s5;
	_ =	sdelay $0x1  }
0xa2: {  	s23 =	simm.s32 $0x1B8B  }
0xa3: {  	_ =	swait.ge [sflag:s23], $0x1  }
0xa4: {  	[sflag:s23] =	ssyncset.done $0x0  }
0xa5: {  	s25 =	simm.s32 $0x1B8E;
	s24 =	sld [smem:$0x3FFE];
	[sflag:s23] =	ssyncadd.s32 $0xFFFFFFFF  }
0xa6: {  	s26 =	simm.s32 $execute0_lowered;
	[smem:$0x3FD2] =	sst s25  }
0xa7: {  	s6 =	sshll.u32 s26, $0x1;
	_ =	strace $0x80000052;
	[dreg:$0x1] =	wrdreg $0xFFFFFFFF  }
0xa8: {  	s28 =	simm.s32 $_size_execute0_lowered;
	s4 =	sadd.s32 s4, s6;
	[dreg:$0x0] =	wrdreg $0x0  }
0xa9: {  	s6 =	sshll.u32 s28, $0x1;
	[dreg:$0x2] =	wrdreg s4  }
0xaa: {  	[dreg:$0x3] =	wrdreg s6  }
0xab: {  	[dreg:$0x4] =	wrdreg $0xC0  }
0xac: {  	_ =	task [dreg:s8], $0x5FFFF  }
0xad: {  	[dreg:$0x1] =	wrdreg $0xFFFFFFFF  }
0xae: {  	[dreg:$0x0] =	wrdreg $0x60  }
0xaf: {  	[dreg:$0x2] =	wrdreg s24  }
0xb0: {  	[dreg:$0x3] =	wrdreg s2  }
0xb1: {  	[dreg:$0x4] =	wrdreg s18  }
0xb2: {  	[dreg:$0x5] =	wrdreg $0x0  }
0xb3: {  	[dreg:$0x6] =	wrdreg $0x9  }
0xb4: {  	_ =	task.clear_ibuf [dreg:s8], $0x7FFFF;
	_ =	strace $0x90000052  }
0xb5: {  	s29 =	simm.s32 $0x9;
	_ =	strace $0x80000054  }
0xb6: {  	_ =	swait.ge [sflag:s29], $0x1  }
0xb7: {  	[sflag:s29] =	ssyncadd.s32 $0xFFFFFFFF  }
0xb8: {  	_ =	strace $0x90000054  }
0xb9: {  	_ =	sfence  }
0xba: {  	s30 =	sld [smem:$0x0];
	_ =	sdelay $0x2  }
0xbb: {  	s31 =	sshll.u32 s1, $0xD;
	s1 =	sshrl.u32 s1, $0x2  }
0xbc: {  	s3 =	sand.u32 $0x4000, s31;
	s1 =	sadd.s32 s1, s30  }
0xbd: {  	s0 =	sor.u32 s3, s0;
	s1 =	sshll.u32 s1, $0x11  }
0xbe: {  	s0 =	sor.u32 s1, s0  }
0xbf: {  	s0 =	sadd.s32 $0x8F2B, s0  }
0xc0: {  	[sflag:s0] =	ssyncadd.remote.s32 $0x1  }
0xc1: {  	_ =	sfence.sel $0xFFFF  }
0xc2: {  	[dreg:$0x0] =	wrdreg $0xFFFFFFFF;
	(pc) =	sbr.abs _section_cstart, $3  }
0xc3: {  	[dreg:$0x1] =	wrdreg $0xFFFFFFFF  }
0xc4: {  	_ =	task.clear_ibuf [dreg:s8], $0x2FFFF;
	_ =	strace $0x9FFFFFFF  }
0xc5: {  	(tm) =	ssettm $0x7FFFFFFF  }
tec
execute0_lowered:
.L_overlay_start_1:
0x0: {  	(tag) =	ssettag $0x1  }
0x1: {  	s5 =	rddreg [dreg:$0x0]  }
0x2: {  	s8 =	rddreg [dreg:$0x1]  }
0x3: {  	s2 =	rddreg [dreg:$0x2]  }
0x4: {  	s0 =	srdreg.scid;
	s1 =	stileid.u32  }
0x5: {  	s3 =	rddreg [dreg:$0x3];
	s7 =	smul.u32 $0x2710, s1  }
0x6: {  	s4 =	simm.s32 $0x0;
	s20 =	simm.s32 $0x138C0;
	s26 =	smul.u32 $0x4E000, s1  }
0x7: {  	s21 =	simm.s32 $0x2;
	s22 =	simm.s32 $0x13940;
	s28 =	smul.u32 $0x2700, s1  }
0x8: {  	s23 =	simm.s32 $0x1;
	s24 =	simm.s32 $0x50;
	s15 =	smul.u32 $0x13800, s1  }
0x9: {  	s11 =	sand.u32 $0x1, s0;
	s0 =	rddreg [dreg:$0x4];
	s31 =	smul.u32 $0x27100, s1  }
0xa: {  	s25 =	simm.s32 $0x0;
	[smem:$0x7FF] =	sst s4;
	s6 =	smul.u32 $0x27100, s11  }
0xb: {  	s16 =	sadd.s32 $0x4F6000, s5;
	s9 =	smul.u32 $0x271000, s11;
	_ =	strace $0x80000053  }
0xc: {  	s29 =	ssub.s32 $0x2, s11;
	s10 =	smul.u32 $0x138800, s11;
	p3 =	sne.s32 s11, $0x0  }
0xd: {  	s14 =	sshrl.u32 s29, $0x1;
	p1 =	seq.s32 @p3 s1, $0xF;
	p4 =	seq.s32 @!p3 s1, $0xF  }
0xe: {  	s6 =	sadd.s32 s7, s6;
	s12 =	sadd.s32 s9, s5;
	s7 =	sshrl.u32 s26, $0x2  }
0xf: {  	s14 =	ssub.s32 s29, s14;
	s30 =	sadd.s32 s15, s10;
	s10 =	sshrl.u32 s10, $0x3  }
0x10: {  	p0 =	por !p1, !p3;
	p1 =	por p1, !p3;
	p2 =	por !p4, p3  }
0x11: {  	p3 =	por p4, p3;
	p4 =	seq.s32 s1, $0xF;
	s6 =	sshrl.u32 s6, $0x3  }
0x12: {  	s9 =	sshrl.u32 s30, $0x3;
	s10 =	sadd.s32 s16, s10;
	s12 =	sadd.s32 s31, s12  }
0x13: {  	s11 =	smax.u32 s14, $0x1;
	s15 =	sshll.u32 @!p1 s1, $0x6;
	s18 =	sshll.u32 @!p3 s1, $0x6  }
0x14: {  	s13 =	sadd.s32 s6, s5;
	s5 =	sadd.s32 s7, s3;
	s6 =	sadd.s32 $0x124800, s3  }
0x15: {  	s7 =	sadd.s32 s8, s28;
	s8 =	sadd.s32 $0x24900, s8;
	s9 =	sadd.s32 s16, s9  }
0x16: {  	s10 =	sadd.s32 $0x24900, s10;
	s12 =	sadd.s32 $0x14000, s12;
	s15 =	sor.u32 @!p1 $0x1C02, s15  }
0x17: {  	s18 =	sor.u32 @!p3 $0x1C02, s18;
	s13 =	sadd.s32 $0xA200, s13;
	s14 =	sshrl.u32 @!p0 s6, $0x3  }
0x18: {  	s16 =	sshrl.u32 @!p1 s5, $0x3;
	s17 =	sshrl.u32 @!p2 s6, $0x3;
	s19 =	sshrl.u32 @!p3 s5, $0x3  }
.LBB2_1:
0x19: {  	s26 =	simm.s32 @!p0 $0x1FC2  }
0x1a: {  	[spmem:s14], [sflag:s26] =	dma.local @!p0 [hbm:s2], $0x2800  }
0x1b: {  	s26 =	simm.s32 @!p0 $0x2  }
0x1c: {  	_ =	swait.ge @!p0 [sflag:s26], $0x2800  }
0x1d: {  	[sflag:s26] =	ssyncset.done @!p0 $0x0  }
0x1e: {  	[sflag:s26] =	ssyncadd.s32 @!p0 $0xFFFFD800;
	s26 =	simm.s32 @!p1 $0x2  }
0x1f: {  	[spmem:s16], [sflag:s15] =	dma.local @!p1 [hbm:s2], $0x2700  }
0x20: {  	_ =	swait.ge @!p1 [sflag:s26], $0x2700  }
0x21: {  	[sflag:s26] =	ssyncset.done @!p1 $0x0  }
0x22: {  	[sflag:s26] =	ssyncadd.s32 @!p1 $0xFFFFD900;
	s26 =	simm.s32 @!p2 $0x1FC2  }
0x23: {  	[spmem:s17], [sflag:s26] =	dma.local @!p2 [hbm:s8], $0x2800  }
0x24: {  	s26 =	simm.s32 @!p2 $0x2  }
0x25: {  	_ =	swait.ge @!p2 [sflag:s26], $0x2800  }
0x26: {  	[sflag:s26] =	ssyncset.done @!p2 $0x0  }
0x27: {  	[sflag:s26] =	ssyncadd.s32 @!p2 $0xFFFFD800;
	s26 =	simm.s32 @!p3 $0x2  }
0x28: {  	[spmem:s19], [sflag:s18] =	dma.local @!p3 [hbm:s7], $0x2700  }
0x29: {  	_ =	swait.ge @!p3 [sflag:s26], $0x2700  }
0x2a: {  	[sflag:s26] =	ssyncset.done @!p3 $0x0  }
0x2b: {  	[sflag:s26] =	ssyncadd.s32 @!p3 $0xFFFFD900  }
0x2c: {  	s31 =	sadd.s32 $0x0, s13;
	[bflag:$0x0] =	sbarrier.arrive $0xFFFF  }
0x2d: {  	[tilespmem:s20], [sflag:$0x2] =	stream.linear.gather [hbm4b:s31+s4], $0x50, $0x38;
	[tilespmem:$0x16140] =	vst v63  }
0x2e: {  	_ =	swait.ge [sflag:s21], $0x50  }
0x2f: {  	[sflag:s21] =	ssyncset.done $0x0  }
0x30: {  	[sflag:s21] =	ssyncadd.s32 $0xFFFFFFB0  }
0x31: {  	[tilespmem:s22], [sflag:$0x1] =	stream.linear.gather [hbm4b:s12+s4], $0x2800, $0x38;
	[tilespmem:$0x16140] =	vst v63  }
0x32: {  	_ =	swait.ge [sflag:s23], $0x2800  }
0x33: {  	[sflag:s23] =	ssyncset.done $0x0  }
0x34: {  	[sflag:s23] =	ssyncadd.s32 $0xFFFFD800  }
0x35: {  	[spmem:s3] =	stream.indirect.scatter.add.f32 [tilespmem:s22], [sflag:$0x2], $0x80, s20, s24, $0xb8;
	[tilespmem:$0x16140] =	vst v63  }
0x36: {  	s28 =	simm.s32 $0xA;
	_ =	swait.ge [sflag:s21], $0x2800  }
0x37: {  	s29 =	simm.s32 $0x14;
	s26 =	sadd.s32 $0x500, s12;
	[sflag:s21] =	ssyncset.done $0x0  }
.LBB2_2:
0x38: {  	s30 =	sadd.s32 s28, s13  }
0x39: {  	[sflag:s21] =	ssyncadd.s32 $0xFFFFD800;
	s28 =	smov.u32 s29;
	s31 =	sadd.s32 $0xA, s29  }
0x3a: {  	[tilespmem:s20], [sflag:$0x2] =	stream.linear.gather [hbm4b:s30+s4], $0x50, $0x38;
	[tilespmem:$0x16140] =	vst v63  }
0x3b: {  	p5 =	sne.s32 s29, $0x4D8;
	_ =	swait.ge [sflag:s21], $0x50  }
0x3c: {  	[sflag:s21] =	ssyncset.done $0x0  }
0x3d: {  	[sflag:s21] =	ssyncadd.s32 $0xFFFFFFB0  }
0x3e: {  	[tilespmem:s22], [sflag:$0x1] =	stream.linear.gather [hbm4b:s26+s4], $0x2800, $0x38;
	[tilespmem:$0x16140] =	vst v63  }
0x3f: {  	_ =	swait.ge [sflag:s23], $0x2800  }
.Ltmp0:
0x40: {  	[sflag:s23] =	ssyncset.done $0x0;
	(pc) =	sbr.rel @p5 .LBB2_2-.Ltmp0, $4  }
0x41: {  	[sflag:s23] =	ssyncadd.s32 $0xFFFFD800  }
0x42: {  	[spmem:s3] =	stream.indirect.scatter.add.f32 [tilespmem:s22], [sflag:$0x2], $0x80, s20, s24, $0xb8;
	[tilespmem:$0x16140] =	vst v63  }
0x43: {  	_ =	swait.ge [sflag:s21], $0x2800  }
0x44: {  	s29 =	smov.u32 s31;
	s26 =	sadd.s32 $0x500, s26;
	[sflag:s21] =	ssyncset.done $0x0  }
0x45: {  	s28 =	sadd.s32 s28, s13;
	[sflag:s21] =	ssyncadd.s32 $0xFFFFD800  }
0x46: {  	[tilespmem:s20], [sflag:$0x2] =	stream.linear.gather [hbm4b:s28+s4], $0x50, $0x38;
	[tilespmem:$0x16140] =	vst v63  }
0x47: {  	_ =	swait.ge [sflag:s21], $0x50  }
0x48: {  	[sflag:s21] =	ssyncset.done $0x0  }
0x49: {  	[sflag:s21] =	ssyncadd.s32 $0xFFFFFFB0  }
0x4a: {  	[tilespmem:s22], [sflag:$0x1] =	stream.linear.gather [hbm4b:s26+s4], $0x2800, $0x38;
	[tilespmem:$0x16140] =	vst v63  }
0x4b: {  	_ =	swait.ge [sflag:s23], $0x2800  }
0x4c: {  	[sflag:s23] =	ssyncset.done $0x0  }
0x4d: {  	[sflag:s23] =	ssyncadd.s32 $0xFFFFD800  }
0x4e: {  	[spmem:s3] =	stream.indirect.scatter.add.f32 [tilespmem:s22], [sflag:$0x2], $0x80, s20, s24, $0xb8;
	[tilespmem:$0x16140] =	vst v63  }
0x4f: {  	_ =	swait.ge [sflag:s21], $0x2800  }
0x50: {  	[sflag:s21] =	ssyncset.done $0x0  }
0x51: {  	[sflag:s21] =	ssyncadd.s32 $0xFFFFD800  }
0x52: {  	s28 =	simm.s32 @p4 $0x1FC2;
	s26 =	sshrl.u32 @p4 s6, $0x3;
	[bflag:$0x0] =	sbarrier.arrive $0xFFFF  }
0x53: {  	[hbm:s10], [sflag:s28] =	dma.local @p4 [spmem:s26], $0x2800  }
0x54: {  	s26 =	simm.s32 @p4 $0x2  }
0x55: {  	s25 =	sadd.s32 $0x1, s25;
	_ =	swait.ge @p4 [sflag:s26], $0x2800  }
0x56: {  	p5 =	sne.s32 s25, s11;
	s28 =	sshll.u32 @!p4 s1, $0x6;
	[sflag:s26] =	ssyncset.done @p4 $0x0  }
0x57: {  	[sflag:s26] =	ssyncadd.s32 @p4 $0xFFFFD800;
	s26 =	sor.u32 @!p4 $0x1C02, s28;
	s28 =	sshrl.u32 @!p4 s5, $0x3  }
0x58: {  	[hbm:s9], [sflag:s26] =	dma.local @!p4 [spmem:s28], $0x2700  }
.Ltmp1:
0x59: {  	_ = 	snop;
	(pc) =	sbr.rel @p5 .LBB2_1-.Ltmp1, $4  }
0x5a: {  	s26 =	simm.s32 @!p4 $0x2  }
0x5b: {  	_ =	swait.ge @!p4 [sflag:s26], $0x2700  }
0x5c: {  	[sflag:s26] =	ssyncset.done @!p4 $0x0  }
0x5d: {  	[sflag:s26] =	ssyncadd.s32 @!p4 $0xFFFFD900  }
0x5e: {  	_ =	sfence.sel $0x180000  }
0x5f: {  	[bflag:$0x0] =	sbarrier.arrive $0xFFFF  }
0x60: {  	p0 =	sne.s32 s1, $0x0;
	_ =	strace $0x90000053  }
0x61: {  	s0 =	sadd.s32 @!p0 $0x100000, s0;
	[bflag:$0x2] =	sbarrier.arrive $0xFFFF  }
0x62: {  	[sflag:s0] =	ssyncadd.tile.s32 @!p0 $0x1;
	_ =	shalt  }
.Lfunc_end2:
_tile_overlayer_lowered:
.L_overlay_start_2:
0x63: {  	(tag) =	ssettag $0x2  }
0x64: {  	s0 =	rddreg [dreg:$0x0];
	s2 =	stileid.u32  }
0x65: {  	s1 =	rddreg [dreg:$0x1];
	p0 =	sne.s32 s2, $0x0  }
0x66: {  	s3 =	rddreg [dreg:$0x2];
	[bflag:$0x3] =	sbarrier.arrive $0xFFFF;
	s2 =	simm.s32 @!p0 $0x1C02  }
0x67: {  	[timem:s3], [sflag:s2] =	dma.local @!p0 [hbm:s0], s1  }
0x68: {  	s0 =	simm.s32 @!p0 $0x2  }
0x69: {  	_ =	swait.ge @!p0 [sflag:s0], s1  }
0x6a: {  	s1 =	ssub.s32 @!p0 $0x0, s1;
	[sflag:s0] =	ssyncset.done @!p0 $0x0  }
0x6b: {  	[sflag:s0] =	ssyncadd.s32 @!p0 s1  }
0x6c: {  	[bflag:$0x3] =	sbarrier.arrive $0xFFFF  }
0x6d: {  	_ =	shalt  }

</sc_bundles>
